<compile_context>
chip_gen: v7x
topology: tpu7x:2x2x1
jax: 0.10.2.dev20260603
libtpu: 0.0.44.dev20260713+nightly
codegen_flags: <defaults>
</compile_context>

<pallas_src>
import jax
import jax.numpy as jnp
from jax import lax
from jax.experimental import pallas as pl
from jax.experimental.pallas import tpu as pltpu
from jax.experimental.pallas import tpu_sc as plsc

N = 10000
D = 128
NC = 2
NS = 16
NPAD = 10240
ROWS_PER_TILE = NPAD // NS
E = 320000
K = 128
EPT = 10240
EPAD = NC * NS * EPT
CHUNKS = EPT // K
RB = 1000
GRID = N // RB

_MESH = plsc.VectorSubcoreMesh(core_axis_name="c", subcore_axis_name="s")


def _agg_body(p_hbm, ei_hbm, zrows_hbm, agg_out,
              ix0, ix1, ix2, ix3, rw0, rw1, acc_sh,
              i0, i1, i2, i3, g0, g1):
    c = lax.axis_index("c")
    s = lax.axis_index("s")
    r0 = s * ROWS_PER_TILE
    pltpu.sync_copy(zrows_hbm, rw0)
    for j in range(ROWS_PER_TILE // K):
        pltpu.sync_copy(rw0, acc_sh.at[pl.ds(r0 + j * K, K)])
    plsc.subcore_barrier()
    cbase = (c * NS + s) * CHUNKS

    ixs = (ix0, ix1, ix2, ix3)
    isems = (i0, i1, i2, i3)
    rws = (rw0, rw1)
    gsems = (g0, g1)

    pltpu.async_copy(ei_hbm.at[cbase], ix0, i0)
    pltpu.async_copy(ei_hbm.at[cbase + 1], ix1, i1)
    pltpu.make_async_copy(ei_hbm.at[cbase], ix0, i0).wait()
    pltpu.async_copy(p_hbm.at[ix0.at[0]], rw0, g0)

    def quad(j, carry):
        for b in (0, 1, 2, 3):
            i = 4 * j + b
            ix = ixs[b % 4]
            rw, g = rws[b % 2], gsems[b % 2]
            nix, nisem = ixs[(b + 2) % 4], isems[(b + 2) % 4]
            pix, pisem = ixs[(b + 1) % 4], isems[(b + 1) % 4]
            nrw, ng = rws[(b + 1) % 2], gsems[(b + 1) % 2]

            def prep_idx():
                pltpu.async_copy(ei_hbm.at[cbase + i + 2], nix, nisem)

            def prep_gather():
                pltpu.make_async_copy(ei_hbm.at[cbase], pix, pisem).wait()
                pltpu.async_copy(p_hbm.at[pix.at[0]], nrw, ng)

            if b < 2:
                prep_idx()
            else:
                pl.when(j < CHUNKS // 4 - 1)(prep_idx)
            if b < 3:
                prep_gather()
            else:
                pl.when(j < CHUNKS // 4 - 1)(prep_gather)
            pltpu.make_async_copy(p_hbm.at[ix.at[0]], rw, g).wait()
            pltpu.sync_copy(rw, acc_sh.at[ix.at[1]], add=True)
        return carry

    lax.fori_loop(0, CHUNKS // 4, quad, 0)
    plsc.subcore_barrier()
    obase = c * NPAD + r0
    for j in range(ROWS_PER_TILE // K):
        pltpu.sync_copy(acc_sh.at[pl.ds(r0 + j * K, K)], rw0)
        pltpu.sync_copy(rw0, agg_out.at[pl.ds(obase + j * K, K)])


_agg = pl.kernel(
    _agg_body,
    mesh=_MESH,
    out_type=[jax.ShapeDtypeStruct((NC * NPAD, D), jnp.float32)],
    scratch_types=[
        pltpu.VMEM((2, K), jnp.int32),
        pltpu.VMEM((2, K), jnp.int32),
        pltpu.VMEM((2, K), jnp.int32),
        pltpu.VMEM((2, K), jnp.int32),
        pltpu.VMEM((K, D), jnp.float32),
        pltpu.VMEM((K, D), jnp.float32),
        pltpu.VMEM_SHARED((NPAD, D), jnp.float32),
        pltpu.SemaphoreType.DMA,
        pltpu.SemaphoreType.DMA,
        pltpu.SemaphoreType.DMA,
        pltpu.SemaphoreType.DMA,
        pltpu.SemaphoreType.DMA,
        pltpu.SemaphoreType.DMA,
    ],
)


def _deg_body(ei_hbm, zrows_hbm, ones_hbm, deg_out,
              ix0, ix1, ones_v, acc_sh, i0, i1):
    c = lax.axis_index("c")
    s = lax.axis_index("s")
    r0 = s * ROWS_PER_TILE
    pltpu.sync_copy(zrows_hbm, ones_v)
    for j in range(ROWS_PER_TILE // K):
        pltpu.sync_copy(ones_v, acc_sh.at[pl.ds(r0 + j * K, K)])
    pltpu.sync_copy(ones_hbm, ones_v)
    plsc.subcore_barrier()
    cbase = (c * NS + s) * CHUNKS

    bufs = ((ix0, i0), (ix1, i1))
    pltpu.async_copy(ei_hbm.at[cbase], ix0, i0)

    def pair(j, carry):
        for b in (0, 1):
            i = 2 * j + b
            ix, isem = bufs[b]
            nix, nisem = bufs[1 - b]

            def prep():
                pltpu.async_copy(ei_hbm.at[cbase + i + 1], nix, nisem)

            if b == 0:
                prep()
            else:
                pl.when(j < CHUNKS // 2 - 1)(prep)
            pltpu.make_async_copy(ei_hbm.at[cbase], ix, isem).wait()
            pltpu.sync_copy(ones_v, acc_sh.at[ix.at[1]], add=True)
        return carry

    lax.fori_loop(0, CHUNKS // 2, pair, 0)
    plsc.subcore_barrier()
    obase = c * NPAD + r0
    for j in range(ROWS_PER_TILE // K):
        pltpu.sync_copy(acc_sh.at[pl.ds(r0 + j * K, K)], ones_v)
        pltpu.sync_copy(ones_v, deg_out.at[pl.ds(obase + j * K, K)])


_deg = pl.kernel(
    _deg_body,
    mesh=_MESH,
    out_type=[jax.ShapeDtypeStruct((NC * NPAD, D), jnp.float32)],
    scratch_types=[
        pltpu.VMEM((2, K), jnp.int32),
        pltpu.VMEM((2, K), jnp.int32),
        pltpu.VMEM((K, D), jnp.float32),
        pltpu.VMEM_SHARED((NPAD, D), jnp.float32),
        pltpu.SemaphoreType.DMA,
        pltpu.SemaphoreType.DMA,
    ],
)


def _pre_body(x_ref, w_ref, p_ref, s_ref):
    h = jnp.dot(x_ref[...], w_ref[...], preferred_element_type=jnp.float32)
    p_ref[...] = h[:, :D]
    s_ref[...] = h[:, D:]


_pre = pl.pallas_call(
    _pre_body,
    grid=(GRID,),
    in_specs=[pl.BlockSpec((RB, D), lambda i: (i, 0)),
              pl.BlockSpec((D, 2 * D), lambda i: (0, 0))],
    out_specs=[pl.BlockSpec((RB, D), lambda i: (i, 0))] * 2,
    out_shape=[jax.ShapeDtypeStruct((N, D), jnp.float32)] * 2,
)


def _mid_body(s1_ref, a0_ref, a1_ref, d0_ref, d1_ref, b1_ref, w_ref,
              p_ref, s_ref):
    deg = d0_ref[:, 0:1] + d1_ref[:, 0:1]
    hn = (a0_ref[...] + a1_ref[...]) / jnp.maximum(deg, 1.0)
    h = jax.nn.sigmoid(s1_ref[...] + hn + b1_ref[...])
    hw = jnp.dot(h, w_ref[...], preferred_element_type=jnp.float32)
    p_ref[...] = hw[:, :D]
    s_ref[...] = hw[:, D:]


_mid = pl.pallas_call(
    _mid_body,
    grid=(GRID,),
    in_specs=[pl.BlockSpec((RB, D), lambda i: (i, 0)),
              pl.BlockSpec((RB, D), lambda i: (i, 0)),
              pl.BlockSpec((RB, D), lambda i: (i, 0)),
              pl.BlockSpec((RB, D), lambda i: (i, 0)),
              pl.BlockSpec((RB, D), lambda i: (i, 0)),
              pl.BlockSpec((1, D), lambda i: (0, 0)),
              pl.BlockSpec((D, 2 * D), lambda i: (0, 0))],
    out_specs=[pl.BlockSpec((RB, D), lambda i: (i, 0))] * 2,
    out_shape=[jax.ShapeDtypeStruct((N, D), jnp.float32)] * 2,
)


def _post_body(s2_ref, a0_ref, a1_ref, d0_ref, d1_ref, b2_ref, waw_ref,
               baw_ref, wt1_ref, bt1_ref, wt2_ref, bt2_ref, out_ref,
               hsum_ref, hmax_ref):
    i = pl.program_id(0)
    deg = d0_ref[:, 0:1] + d1_ref[:, 0:1]
    hn = (a0_ref[...] + a1_ref[...]) / jnp.maximum(deg, 1.0)
    h = jax.nn.sigmoid(s2_ref[...] + hn + b2_ref[...])
    w = jax.nn.sigmoid(
        jnp.dot(h, waw_ref[...], preferred_element_type=jnp.float32)[:, 0:1]
        + baw_ref[0, 0])
    psum = jnp.sum(w * h, axis=0, keepdims=True)
    pmax = jnp.max(h, axis=0, keepdims=True)

    @pl.when(i == 0)
    def _():
        hsum_ref[...] = psum
        hmax_ref[...] = pmax

    @pl.when(i > 0)
    def _():
        hsum_ref[...] = hsum_ref[...] + psum
        hmax_ref[...] = jnp.maximum(hmax_ref[...], pmax)

    @pl.when(i == GRID - 1)
    def _():
        g = jnp.concatenate([hsum_ref[...], hmax_ref[...]], axis=1)
        y1 = jax.nn.sigmoid(
            jnp.dot(g, wt1_ref[...], preferred_element_type=jnp.float32)
            + bt1_ref[...])
        y2 = jax.nn.sigmoid(
            jnp.dot(y1, wt2_ref[...], preferred_element_type=jnp.float32)[:, 0:1]
            + bt2_ref[0, 0])
        out_ref[...] = jnp.broadcast_to(y2, (1, D))


_post = pl.pallas_call(
    _post_body,
    grid=(GRID,),
    in_specs=[pl.BlockSpec((RB, D), lambda i: (i, 0)),
              pl.BlockSpec((RB, D), lambda i: (i, 0)),
              pl.BlockSpec((RB, D), lambda i: (i, 0)),
              pl.BlockSpec((RB, D), lambda i: (i, 0)),
              pl.BlockSpec((RB, D), lambda i: (i, 0)),
              pl.BlockSpec((1, D), lambda i: (0, 0)),
              pl.BlockSpec((D, D), lambda i: (0, 0)),
              pl.BlockSpec((1, D), lambda i: (0, 0)),
              pl.BlockSpec((2 * D, D), lambda i: (0, 0)),
              pl.BlockSpec((1, D), lambda i: (0, 0)),
              pl.BlockSpec((D, D), lambda i: (0, 0)),
              pl.BlockSpec((1, D), lambda i: (0, 0))],
    out_specs=pl.BlockSpec((1, D), lambda i: (0, 0)),
    out_shape=jax.ShapeDtypeStruct((1, D), jnp.float32),
    scratch_shapes=[pltpu.VMEM((1, D), jnp.float32),
                    pltpu.VMEM((1, D), jnp.float32)],
)


def kernel(n, edge_index, e, W_self1, W_neigh1, b1, W_self2, W_neigh2, b2,
           W_aw, b_aw, W_t1, b_t1, W_t2, b_t2):
    del e
    src = edge_index[0]
    dst = edge_index[1]
    pad = EPAD - E
    pad_i = jnp.arange(pad, dtype=jnp.int32)
    src_p = jnp.concatenate([src, pad_i % N])
    dst_p = jnp.concatenate([dst, N + pad_i % (NPAD - N)])
    ei = jnp.stack([src_p.reshape(EPAD // K, K),
                    dst_p.reshape(EPAD // K, K)], axis=1)
    zrows = jnp.zeros((K, D), jnp.float32)
    ones_rows = jnp.ones((K, D), jnp.float32)
    Wcat1 = jnp.concatenate([W_neigh1, W_self1], axis=1)
    Wcat2 = jnp.concatenate([W_neigh2, W_self2], axis=1)

    P1, S1 = _pre(n, Wcat1)
    (deg,) = _deg(ei, zrows, ones_rows)
    tok = (deg[0, 0] * 0.0).astype(jnp.int32)
    (agg1,) = _agg(P1, ei + tok, zrows)
    P2, S2 = _mid(S1, agg1[:NPAD], agg1[NPAD:], deg[:NPAD], deg[NPAD:],
                  b1.reshape(1, D), Wcat2)
    (agg2,) = _agg(P2, ei, zrows)
    y = _post(S2, agg2[:NPAD], agg2[NPAD:], deg[:NPAD], deg[NPAD:],
              b2.reshape(1, D),
              jnp.pad(W_aw, ((0, 0), (0, D - 1))),
              jnp.broadcast_to(b_aw.reshape(1, 1), (1, D)),
              W_t1, b_t1.reshape(1, D),
              jnp.pad(W_t2, ((0, 0), (0, D - 1))),
              jnp.broadcast_to(b_t2.reshape(1, 1), (1, D)))
    return y[:, 0:1]

# --- scband reference (transcript-rebuilt; emitter-appended) ---
"""Pipeline reference for scband-sage-721554505786 (READ-ONLY COPY).

The authoritative reference and input builder live on the scoring server;
editing this copy changes nothing except your own understanding.
"""

import jax, jax.numpy as jnp
import numpy as np

N = 10000
E = 320000
D = 128
H = 128
T = 1
DE = 4


def setup_inputs(seed: int = 0) -> dict:
    key = jax.random.key(seed)
    ks = jax.random.split(key, 16)
    n = jax.random.normal(ks[0], (N, D), dtype=jnp.float32)
    edge_index = jax.random.randint(ks[1], (2, E), 0, N, dtype=jnp.int32)
    e = jax.random.normal(ks[2], (E, DE), dtype=jnp.float32)
    s1 = 1.0 / np.sqrt(D)
    s2 = 1.0 / np.sqrt(H)
    s3 = 1.0 / np.sqrt(2 * H)
    W_self1 = jax.random.uniform(ks[3], (D, H), jnp.float32, -s1, s1)
    W_neigh1 = jax.random.uniform(ks[4], (D, H), jnp.float32, -s1, s1)
    b1 = jnp.zeros((H,), jnp.float32)
    W_self2 = jax.random.uniform(ks[5], (H, H), jnp.float32, -s2, s2)
    W_neigh2 = jax.random.uniform(ks[6], (H, H), jnp.float32, -s2, s2)
    b2 = jnp.zeros((H,), jnp.float32)
    W_aw = jax.random.uniform(ks[7], (H, 1), jnp.float32, -s2, s2)
    b_aw = jnp.zeros((1,), jnp.float32)
    W_t1 = jax.random.uniform(ks[8], (2 * H, H), jnp.float32, -s3, s3)
    b_t1 = jnp.zeros((H,), jnp.float32)
    W_t2 = jax.random.uniform(ks[9], (H, T), jnp.float32, -s2, s2)
    b_t2 = jnp.zeros((T,), jnp.float32)
    return {"n": n, "edge_index": edge_index, "e": e,
            "W_self1": W_self1, "W_neigh1": W_neigh1, "b1": b1,
            "W_self2": W_self2, "W_neigh2": W_neigh2, "b2": b2,
            "W_aw": W_aw, "b_aw": b_aw,
            "W_t1": W_t1, "b_t1": b_t1, "W_t2": W_t2, "b_t2": b_t2}


def _sage_conv(x, src, dst, W_self, W_neigh, b, num_nodes):
    # DGL SAGEConv with mean aggregator: fc_self(h) + fc_neigh(mean_{j in N(i)} h_j)
    msgs = jnp.take(x, src, axis=0)
    agg = jax.ops.segment_sum(msgs, dst, num_segments=num_nodes)
    deg = jax.ops.segment_sum(jnp.ones((src.shape[0],), x.dtype), dst, num_segments=num_nodes)
    h_neigh = agg / jnp.clip(deg, 1.0, None)[:, None]
    h = x @ W_self + h_neigh @ W_neigh + b
    return jax.nn.sigmoid(h)


def reference(n, edge_index, e, W_self1, W_neigh1, b1, W_self2, W_neigh2, b2,
              W_aw, b_aw, W_t1, b_t1, W_t2, b_t2):
    src = edge_index[0]
    dst = edge_index[1]
    num_nodes = n.shape[0]
    # GraphSAGE stack (2 layers, sigmoid activation); edge features e are unused (matches torch forward)
    h = _sage_conv(n, src, dst, W_self1, W_neigh1, b1, num_nodes)
    h = _sage_conv(h, src, dst, W_self2, W_neigh2, b2, num_nodes)
    # WeightedSumAndMax readout over the (single) graph
    w = jax.nn.sigmoid(h @ W_aw + b_aw)  # [N, 1]
    h_sum = jnp.sum(w * h, axis=0)       # [H]
    h_max = jnp.max(h, axis=0)           # [H]
    g_emb = jnp.concatenate([h_sum, h_max])[None, :]  # [1, 2H]
    # task layers
    y = jax.nn.sigmoid(g_emb @ W_t1 + b_t1)
    y = jax.nn.sigmoid(y @ W_t2 + b_t2)
    return y

if __name__ == "__main__":
    import jax
    _d = setup_inputs()
    print(jax.jit(kernel)(*tuple(_d.values())))

</pallas_src>

<mosaic_0001>
#map = affine_map<(d0, d1) -> (0, 0, 0)>
#map1 = affine_map<(d0, d1) -> (0, 0)>
module attributes {stable_mosaic.version = 14 : i64} {
  func.func @_deg_body(%arg0: i32, %arg1: i32, %arg2: memref<2560x2x128xi32, #tpu.memory_space<hbm>>, %arg3: memref<128x128xf32, #tpu.memory_space<hbm>>, %arg4: memref<128x128xf32, #tpu.memory_space<hbm>>, %arg5: memref<20480x128xf32, #tpu.memory_space<hbm>>, %arg6: memref<2x128xi32, #tpu.memory_space<vmem>>, %arg7: memref<2x128xi32, #tpu.memory_space<vmem>>, %arg8: memref<128x128xf32, #tpu.memory_space<vmem>>, %arg9: memref<10240x128xf32, #tpu.memory_space<vmem_shared>>, %arg10: memref<!tpu.dma_semaphore, #tpu.memory_space<semaphore_mem>>, %arg11: memref<!tpu.dma_semaphore, #tpu.memory_space<semaphore_mem>>) attributes {dimension_semantics = [#tpu.dimension_semantics<core_parallel>, #tpu.dimension_semantics<subcore_parallel>], iteration_bounds = array<i64: 2, 16>, scalar_prefetch = 0 : i64, scratch_operands = 6 : i64, tpu.core_type = #tpu.core_type<sc_vector_subcore>, window_params = [{transform_indices = #map}, {transform_indices = #map1}, {transform_indices = #map1}, {transform_indices = #map1}]} {
    %mul3A = arith.constant 640 : i32
    %mul3A_0 = arith.muli %arg1, %mul3A : i32
    "tpu.region"() ({
      %run_scoped3A = tpu.sem_alloc : memref<!tpu.dma_semaphore, #tpu.memory_space<semaphore_mem>>
      tpu.enqueue_dma source(%arg3 : memref<128x128xf32, #tpu.memory_space<hbm>>) target(%arg8 : memref<128x128xf32, #tpu.memory_space<vmem>>) target_semaphore(%run_scoped3A : memref<!tpu.dma_semaphore, #tpu.memory_space<semaphore_mem>>)
      tpu.wait_dma2 semaphore(%run_scoped3A : memref<!tpu.dma_semaphore, #tpu.memory_space<semaphore_mem>>) src(%arg3 : memref<128x128xf32, #tpu.memory_space<hbm>>) dst(%arg8 : memref<128x128xf32, #tpu.memory_space<vmem>>)
      tpu.yield
    }) : () -> ()
    %add3A = arith.constant 0 : i32
    %add3A_1 = arith.addi %mul3A_0, %add3A : i32
    "tpu.region"() ({
      %run_scoped3A = tpu.sem_alloc : memref<!tpu.dma_semaphore, #tpu.memory_space<semaphore_mem>>
      %dma_start3A_51 = arith.constant 0 : i32
      %dma_start3A_52 = tpu.memref_slice %arg9[%add3A_1, %dma_start3A_51] : memref<10240x128xf32, #tpu.memory_space<vmem_shared>> -> memref<128x128xf32, #tpu.memory_space<vmem_shared>>
      %dma_start3A_53 = arith.constant 0 : i32
      %dma_start3A_54 = tpu.memref_slice %arg9[%add3A_1, %dma_start3A_53] : memref<10240x128xf32, #tpu.memory_space<vmem_shared>> -> memref<128x128xf32, #tpu.memory_space<vmem_shared>>
      tpu.enqueue_dma source(%arg8 : memref<128x128xf32, #tpu.memory_space<vmem>>) target(%dma_start3A_54 : memref<128x128xf32, #tpu.memory_space<vmem_shared>>) target_semaphore(%run_scoped3A : memref<!tpu.dma_semaphore, #tpu.memory_space<semaphore_mem>>)
      %dma_wait3A = arith.constant 0 : i32
      %dma_wait3A_55 = tpu.memref_slice %arg9[%add3A_1, %dma_wait3A] : memref<10240x128xf32, #tpu.memory_space<vmem_shared>> -> memref<128x128xf32, #tpu.memory_space<vmem_shared>>
      %dma_wait3A_56 = arith.constant 0 : i32
      %dma_wait3A_57 = tpu.memref_slice %arg9[%add3A_1, %dma_wait3A_56] : memref<10240x128xf32, #tpu.memory_space<vmem_shared>> -> memref<128x128xf32, #tpu.memory_space<vmem_shared>>
      tpu.wait_dma2 semaphore(%run_scoped3A : memref<!tpu.dma_semaphore, #tpu.memory_space<semaphore_mem>>) src(%arg8 : memref<128x128xf32, #tpu.memory_space<vmem>>) dst(%dma_wait3A_57 : memref<128x128xf32, #tpu.memory_space<vmem_shared>>)
      tpu.yield
    }) : () -> ()
    %add3A_2 = arith.constant 128 : i32
    %add3A_3 = arith.addi %mul3A_0, %add3A_2 : i32
    "tpu.region"() ({
      %run_scoped3A = tpu.sem_alloc : memref<!tpu.dma_semaphore, #tpu.memory_space<semaphore_mem>>
      %dma_start3A_51 = arith.constant 0 : i32
      %dma_start3A_52 = tpu.memref_slice %arg9[%add3A_3, %dma_start3A_51] : memref<10240x128xf32, #tpu.memory_space<vmem_shared>> -> memref<128x128xf32, #tpu.memory_space<vmem_shared>>
      %dma_start3A_53 = arith.constant 0 : i32
      %dma_start3A_54 = tpu.memref_slice %arg9[%add3A_3, %dma_start3A_53] : memref<10240x128xf32, #tpu.memory_space<vmem_shared>> -> memref<128x128xf32, #tpu.memory_space<vmem_shared>>
      tpu.enqueue_dma source(%arg8 : memref<128x128xf32, #tpu.memory_space<vmem>>) target(%dma_start3A_54 : memref<128x128xf32, #tpu.memory_space<vmem_shared>>) target_semaphore(%run_scoped3A : memref<!tpu.dma_semaphore, #tpu.memory_space<semaphore_mem>>)
      %dma_wait3A = arith.constant 0 : i32
      %dma_wait3A_55 = tpu.memref_slice %arg9[%add3A_3, %dma_wait3A] : memref<10240x128xf32, #tpu.memory_space<vmem_shared>> -> memref<128x128xf32, #tpu.memory_space<vmem_shared>>
      %dma_wait3A_56 = arith.constant 0 : i32
      %dma_wait3A_57 = tpu.memref_slice %arg9[%add3A_3, %dma_wait3A_56] : memref<10240x128xf32, #tpu.memory_space<vmem_shared>> -> memref<128x128xf32, #tpu.memory_space<vmem_shared>>
      tpu.wait_dma2 semaphore(%run_scoped3A : memref<!tpu.dma_semaphore, #tpu.memory_space<semaphore_mem>>) src(%arg8 : memref<128x128xf32, #tpu.memory_space<vmem>>) dst(%dma_wait3A_57 : memref<128x128xf32, #tpu.memory_space<vmem_shared>>)
      tpu.yield
    }) : () -> ()
    %add3A_4 = arith.constant 256 : i32
    %add3A_5 = arith.addi %mul3A_0, %add3A_4 : i32
    "tpu.region"() ({
      %run_scoped3A = tpu.sem_alloc : memref<!tpu.dma_semaphore, #tpu.memory_space<semaphore_mem>>
      %dma_start3A_51 = arith.constant 0 : i32
      %dma_start3A_52 = tpu.memref_slice %arg9[%add3A_5, %dma_start3A_51] : memref<10240x128xf32, #tpu.memory_space<vmem_shared>> -> memref<128x128xf32, #tpu.memory_space<vmem_shared>>
      %dma_start3A_53 = arith.constant 0 : i32
      %dma_start3A_54 = tpu.memref_slice %arg9[%add3A_5, %dma_start3A_53] : memref<10240x128xf32, #tpu.memory_space<vmem_shared>> -> memref<128x128xf32, #tpu.memory_space<vmem_shared>>
      tpu.enqueue_dma source(%arg8 : memref<128x128xf32, #tpu.memory_space<vmem>>) target(%dma_start3A_54 : memref<128x128xf32, #tpu.memory_space<vmem_shared>>) target_semaphore(%run_scoped3A : memref<!tpu.dma_semaphore, #tpu.memory_space<semaphore_mem>>)
      %dma_wait3A = arith.constant 0 : i32
      %dma_wait3A_55 = tpu.memref_slice %arg9[%add3A_5, %dma_wait3A] : memref<10240x128xf32, #tpu.memory_space<vmem_shared>> -> memref<128x128xf32, #tpu.memory_space<vmem_shared>>
      %dma_wait3A_56 = arith.constant 0 : i32
      %dma_wait3A_57 = tpu.memref_slice %arg9[%add3A_5, %dma_wait3A_56] : memref<10240x128xf32, #tpu.memory_space<vmem_shared>> -> memref<128x128xf32, #tpu.memory_space<vmem_shared>>
      tpu.wait_dma2 semaphore(%run_scoped3A : memref<!tpu.dma_semaphore, #tpu.memory_space<semaphore_mem>>) src(%arg8 : memref<128x128xf32, #tpu.memory_space<vmem>>) dst(%dma_wait3A_57 : memref<128x128xf32, #tpu.memory_space<vmem_shared>>)
      tpu.yield
    }) : () -> ()
    %add3A_6 = arith.constant 384 : i32
    %add3A_7 = arith.addi %mul3A_0, %add3A_6 : i32
    "tpu.region"() ({
      %run_scoped3A = tpu.sem_alloc : memref<!tpu.dma_semaphore, #tpu.memory_space<semaphore_mem>>
      %dma_start3A_51 = arith.constant 0 : i32
      %dma_start3A_52 = tpu.memref_slice %arg9[%add3A_7, %dma_start3A_51] : memref<10240x128xf32, #tpu.memory_space<vmem_shared>> -> memref<128x128xf32, #tpu.memory_space<vmem_shared>>
      %dma_start3A_53 = arith.constant 0 : i32
      %dma_start3A_54 = tpu.memref_slice %arg9[%add3A_7, %dma_start3A_53] : memref<10240x128xf32, #tpu.memory_space<vmem_shared>> -> memref<128x128xf32, #tpu.memory_space<vmem_shared>>
      tpu.enqueue_dma source(%arg8 : memref<128x128xf32, #tpu.memory_space<vmem>>) target(%dma_start3A_54 : memref<128x128xf32, #tpu.memory_space<vmem_shared>>) target_semaphore(%run_scoped3A : memref<!tpu.dma_semaphore, #tpu.memory_space<semaphore_mem>>)
      %dma_wait3A = arith.constant 0 : i32
      %dma_wait3A_55 = tpu.memref_slice %arg9[%add3A_7, %dma_wait3A] : memref<10240x128xf32, #tpu.memory_space<vmem_shared>> -> memref<128x128xf32, #tpu.memory_space<vmem_shared>>
      %dma_wait3A_56 = arith.constant 0 : i32
      %dma_wait3A_57 = tpu.memref_slice %arg9[%add3A_7, %dma_wait3A_56] : memref<10240x128xf32, #tpu.memory_space<vmem_shared>> -> memref<128x128xf32, #tpu.memory_space<vmem_shared>>
      tpu.wait_dma2 semaphore(%run_scoped3A : memref<!tpu.dma_semaphore, #tpu.memory_space<semaphore_mem>>) src(%arg8 : memref<128x128xf32, #tpu.memory_space<vmem>>) dst(%dma_wait3A_57 : memref<128x128xf32, #tpu.memory_space<vmem_shared>>)
      tpu.yield
    }) : () -> ()
    %add3A_8 = arith.constant 512 : i32
    %add3A_9 = arith.addi %mul3A_0, %add3A_8 : i32
    "tpu.region"() ({
      %run_scoped3A = tpu.sem_alloc : memref<!tpu.dma_semaphore, #tpu.memory_space<semaphore_mem>>
      %dma_start3A_51 = arith.constant 0 : i32
      %dma_start3A_52 = tpu.memref_slice %arg9[%add3A_9, %dma_start3A_51] : memref<10240x128xf32, #tpu.memory_space<vmem_shared>> -> memref<128x128xf32, #tpu.memory_space<vmem_shared>>
      %dma_start3A_53 = arith.constant 0 : i32
      %dma_start3A_54 = tpu.memref_slice %arg9[%add3A_9, %dma_start3A_53] : memref<10240x128xf32, #tpu.memory_space<vmem_shared>> -> memref<128x128xf32, #tpu.memory_space<vmem_shared>>
      tpu.enqueue_dma source(%arg8 : memref<128x128xf32, #tpu.memory_space<vmem>>) target(%dma_start3A_54 : memref<128x128xf32, #tpu.memory_space<vmem_shared>>) target_semaphore(%run_scoped3A : memref<!tpu.dma_semaphore, #tpu.memory_space<semaphore_mem>>)
      %dma_wait3A = arith.constant 0 : i32
      %dma_wait3A_55 = tpu.memref_slice %arg9[%add3A_9, %dma_wait3A] : memref<10240x128xf32, #tpu.memory_space<vmem_shared>> -> memref<128x128xf32, #tpu.memory_space<vmem_shared>>
      %dma_wait3A_56 = arith.constant 0 : i32
      %dma_wait3A_57 = tpu.memref_slice %arg9[%add3A_9, %dma_wait3A_56] : memref<10240x128xf32, #tpu.memory_space<vmem_shared>> -> memref<128x128xf32, #tpu.memory_space<vmem_shared>>
      tpu.wait_dma2 semaphore(%run_scoped3A : memref<!tpu.dma_semaphore, #tpu.memory_space<semaphore_mem>>) src(%arg8 : memref<128x128xf32, #tpu.memory_space<vmem>>) dst(%dma_wait3A_57 : memref<128x128xf32, #tpu.memory_space<vmem_shared>>)
      tpu.yield
    }) : () -> ()
    "tpu.region"() ({
      %run_scoped3A = tpu.sem_alloc : memref<!tpu.dma_semaphore, #tpu.memory_space<semaphore_mem>>
      tpu.enqueue_dma source(%arg4 : memref<128x128xf32, #tpu.memory_space<hbm>>) target(%arg8 : memref<128x128xf32, #tpu.memory_space<vmem>>) target_semaphore(%run_scoped3A : memref<!tpu.dma_semaphore, #tpu.memory_space<semaphore_mem>>)
      tpu.wait_dma2 semaphore(%run_scoped3A : memref<!tpu.dma_semaphore, #tpu.memory_space<semaphore_mem>>) src(%arg4 : memref<128x128xf32, #tpu.memory_space<hbm>>) dst(%arg8 : memref<128x128xf32, #tpu.memory_space<vmem>>)
      tpu.yield
    }) : () -> ()
    %barrier3A = arith.constant 0 : index
    tpu.barrier barrier_id(%barrier3A)
    %mul3A_10 = arith.constant 16 : i32
    %mul3A_11 = arith.muli %arg0, %mul3A_10 : i32
    %add3A_12 = arith.addi %mul3A_11, %arg1 : i32
    %mul3A_13 = arith.constant 80 : i32
    %mul3A_14 = arith.muli %add3A_12, %mul3A_13 : i32
    %dma_start3A = arith.constant 0 : i32
    %dma_start3A_15 = arith.constant 0 : i32
    %dma_start3A_16 = tpu.memref_slice %arg2[%mul3A_14, %dma_start3A, %dma_start3A_15] : memref<2560x2x128xi32, #tpu.memory_space<hbm>> -> memref<1x2x128xi32, #tpu.memory_space<hbm>>
    %dma_start3A_17 = tpu.memref_squeeze %dma_start3A_16 : memref<1x2x128xi32, #tpu.memory_space<hbm>> -> memref<2x128xi32, #tpu.memory_space<hbm>>
    %dma_start3A_18 = arith.constant 0 : i32
    %dma_start3A_19 = arith.constant 0 : i32
    %dma_start3A_20 = tpu.memref_slice %arg2[%mul3A_14, %dma_start3A_18, %dma_start3A_19] : memref<2560x2x128xi32, #tpu.memory_space<hbm>> -> memref<1x2x128xi32, #tpu.memory_space<hbm>>
    %dma_start3A_21 = tpu.memref_squeeze %dma_start3A_20 : memref<1x2x128xi32, #tpu.memory_space<hbm>> -> memref<2x128xi32, #tpu.memory_space<hbm>>
    tpu.enqueue_dma source(%dma_start3A_21 : memref<2x128xi32, #tpu.memory_space<hbm>>) target(%arg6 : memref<2x128xi32, #tpu.memory_space<vmem>>) target_semaphore(%arg10 : memref<!tpu.dma_semaphore, #tpu.memory_space<semaphore_mem>>)
    %scan3A = arith.constant 0 : i32
    %scan3A_22 = arith.constant 0 : i32
    %scan3A_23 = arith.constant 40 : i32
    %scan3A_24 = arith.addi %scan3A_22, %scan3A_23 : i32
    %scan3A_25 = arith.constant 1 : i32
    scf.for %scan3A_51 = %scan3A_22 to %scan3A_24 step %scan3A_25  : i32 {
      %mul3A_52 = arith.constant 2 : i32
      %mul3A_53 = arith.muli %mul3A_52, %scan3A_51 : i32
      %add3A_54 = arith.constant 0 : i32
      %add3A_55 = arith.addi %mul3A_53, %add3A_54 : i32
      %add3A_56 = arith.addi %mul3A_14, %add3A_55 : i32
      %add3A_57 = arith.constant 1 : i32
      %add3A_58 = arith.addi %add3A_56, %add3A_57 : i32
      %dma_start3A_59 = arith.constant 0 : i32
      %dma_start3A_60 = arith.constant 0 : i32
      %dma_start3A_61 = tpu.memref_slice %arg2[%add3A_58, %dma_start3A_59, %dma_start3A_60] : memref<2560x2x128xi32, #tpu.memory_space<hbm>> -> memref<1x2x128xi32, #tpu.memory_space<hbm>>
      %dma_start3A_62 = tpu.memref_squeeze %dma_start3A_61 : memref<1x2x128xi32, #tpu.memory_space<hbm>> -> memref<2x128xi32, #tpu.memory_space<hbm>>
      %dma_start3A_63 = arith.constant 0 : i32
      %dma_start3A_64 = arith.constant 0 : i32
      %dma_start3A_65 = tpu.memref_slice %arg2[%add3A_58, %dma_start3A_63, %dma_start3A_64] : memref<2560x2x128xi32, #tpu.memory_space<hbm>> -> memref<1x2x128xi32, #tpu.memory_space<hbm>>
      %dma_start3A_66 = tpu.memref_squeeze %dma_start3A_65 : memref<1x2x128xi32, #tpu.memory_space<hbm>> -> memref<2x128xi32, #tpu.memory_space<hbm>>
      tpu.enqueue_dma source(%dma_start3A_66 : memref<2x128xi32, #tpu.memory_space<hbm>>) target(%arg7 : memref<2x128xi32, #tpu.memory_space<vmem>>) target_semaphore(%arg11 : memref<!tpu.dma_semaphore, #tpu.memory_space<semaphore_mem>>)
      %dma_wait3A = arith.constant 0 : i32
      %dma_wait3A_67 = arith.constant 0 : i32
      %dma_wait3A_68 = tpu.memref_slice %arg2[%mul3A_14, %dma_wait3A, %dma_wait3A_67] : memref<2560x2x128xi32, #tpu.memory_space<hbm>> -> memref<1x2x128xi32, #tpu.memory_space<hbm>>
      %dma_wait3A_69 = tpu.memref_squeeze %dma_wait3A_68 : memref<1x2x128xi32, #tpu.memory_space<hbm>> -> memref<2x128xi32, #tpu.memory_space<hbm>>
      %dma_wait3A_70 = arith.constant 0 : i32
      %dma_wait3A_71 = arith.constant 0 : i32
      %dma_wait3A_72 = tpu.memref_slice %arg2[%mul3A_14, %dma_wait3A_70, %dma_wait3A_71] : memref<2560x2x128xi32, #tpu.memory_space<hbm>> -> memref<1x2x128xi32, #tpu.memory_space<hbm>>
      %dma_wait3A_73 = tpu.memref_squeeze %dma_wait3A_72 : memref<1x2x128xi32, #tpu.memory_space<hbm>> -> memref<2x128xi32, #tpu.memory_space<hbm>>
      tpu.wait_dma2 semaphore(%arg10 : memref<!tpu.dma_semaphore, #tpu.memory_space<semaphore_mem>>) src(%dma_wait3A_73 : memref<2x128xi32, #tpu.memory_space<hbm>>) dst(%arg6 : memref<2x128xi32, #tpu.memory_space<vmem>>)
      %run_scoped3A = arith.constant 1 : i32
      "tpu.region"() ({
        %run_scoped3A_89 = tpu.sem_alloc : memref<!tpu.dma_semaphore, #tpu.memory_space<semaphore_mem>>
        %dma_start3A_90 = arith.constant 0 : i32
        %dma_start3A_91 = tpu.memref_slice %arg6[%run_scoped3A, %dma_start3A_90] : memref<2x128xi32, #tpu.memory_space<vmem>> -> memref<1x128xi32, #tpu.memory_space<vmem>>
        %dma_start3A_92 = tpu.memref_squeeze %dma_start3A_91 : memref<1x128xi32, #tpu.memory_space<vmem>> -> memref<128xi32, #tpu.memory_space<vmem>>
        %dma_start3A_93 = arith.constant 0 : i32
        %dma_start3A_94 = arith.constant 0 : i32
        %dma_start3A_95 = tpu.memref_slice %arg9[%dma_start3A_93, %dma_start3A_94] : memref<10240x128xf32, #tpu.memory_space<vmem_shared>> -> memref<10240x128xf32, #tpu.memory_space<vmem_shared>>
        tpu.enqueue_indirect_dma source(%arg8 : memref<128x128xf32, #tpu.memory_space<vmem>>) target(%dma_start3A_95 : memref<10240x128xf32, #tpu.memory_space<vmem_shared>>) offsets(%dma_start3A_92 : memref<128xi32, #tpu.memory_space<vmem>>) semaphore(%run_scoped3A_89 : memref<!tpu.dma_semaphore, #tpu.memory_space<semaphore_mem>>) {add = true}
        %dma_wait3A_96 = arith.constant 0 : i32
        %dma_wait3A_97 = tpu.memref_slice %arg6[%run_scoped3A, %dma_wait3A_96] : memref<2x128xi32, #tpu.memory_space<vmem>> -> memref<1x128xi32, #tpu.memory_space<vmem>>
        %dma_wait3A_98 = tpu.memref_squeeze %dma_wait3A_97 : memref<1x128xi32, #tpu.memory_space<vmem>> -> memref<128xi32, #tpu.memory_space<vmem>>
        %dma_wait3A_99 = arith.constant 0 : i32
        %dma_wait3A_100 = arith.constant 0 : i32
        %dma_wait3A_101 = tpu.memref_slice %arg9[%dma_wait3A_99, %dma_wait3A_100] : memref<10240x128xf32, #tpu.memory_space<vmem_shared>> -> memref<10240x128xf32, #tpu.memory_space<vmem_shared>>
        tpu.wait_indirect_dma semaphore(%run_scoped3A_89 : memref<!tpu.dma_semaphore, #tpu.memory_space<semaphore_mem>>) src(%arg8 : memref<128x128xf32, #tpu.memory_space<vmem>>) dst(%dma_wait3A_101 : memref<10240x128xf32, #tpu.memory_space<vmem_shared>>)
        tpu.yield
      }) : () -> ()
      %mul3A_74 = arith.constant 2 : i32
      %mul3A_75 = arith.muli %mul3A_74, %scan3A_51 : i32
      %add3A_76 = arith.constant 1 : i32
      %add3A_77 = arith.addi %mul3A_75, %add3A_76 : i32
      %lt3A = arith.constant 39 : i32
      %lt3A_78 = arith.cmpi slt, %scan3A_51, %lt3A : i32
      %convert_element_type3A = arith.extui %lt3A_78 : i1 to i32
      %cond3A = arith.constant 0 : i32
      %cond3A_79 = arith.cmpi ne, %convert_element_type3A, %cond3A : i32
      scf.if %cond3A_79 {
        %add3A_89 = arith.addi %mul3A_14, %add3A_77 : i32
        %add3A_90 = arith.constant 1 : i32
        %add3A_91 = arith.addi %add3A_89, %add3A_90 : i32
        %dma_start3A_92 = arith.constant 0 : i32
        %dma_start3A_93 = arith.constant 0 : i32
        %dma_start3A_94 = tpu.memref_slice %arg2[%add3A_91, %dma_start3A_92, %dma_start3A_93] : memref<2560x2x128xi32, #tpu.memory_space<hbm>> -> memref<1x2x128xi32, #tpu.memory_space<hbm>>
        %dma_start3A_95 = tpu.memref_squeeze %dma_start3A_94 : memref<1x2x128xi32, #tpu.memory_space<hbm>> -> memref<2x128xi32, #tpu.memory_space<hbm>>
        %dma_start3A_96 = arith.constant 0 : i32
        %dma_start3A_97 = arith.constant 0 : i32
        %dma_start3A_98 = tpu.memref_slice %arg2[%add3A_91, %dma_start3A_96, %dma_start3A_97] : memref<2560x2x128xi32, #tpu.memory_space<hbm>> -> memref<1x2x128xi32, #tpu.memory_space<hbm>>
        %dma_start3A_99 = tpu.memref_squeeze %dma_start3A_98 : memref<1x2x128xi32, #tpu.memory_space<hbm>> -> memref<2x128xi32, #tpu.memory_space<hbm>>
        tpu.enqueue_dma source(%dma_start3A_99 : memref<2x128xi32, #tpu.memory_space<hbm>>) target(%arg6 : memref<2x128xi32, #tpu.memory_space<vmem>>) target_semaphore(%arg10 : memref<!tpu.dma_semaphore, #tpu.memory_space<semaphore_mem>>)
      } else {
      }
      %dma_wait3A_80 = arith.constant 0 : i32
      %dma_wait3A_81 = arith.constant 0 : i32
      %dma_wait3A_82 = tpu.memref_slice %arg2[%mul3A_14, %dma_wait3A_80, %dma_wait3A_81] : memref<2560x2x128xi32, #tpu.memory_space<hbm>> -> memref<1x2x128xi32, #tpu.memory_space<hbm>>
      %dma_wait3A_83 = tpu.memref_squeeze %dma_wait3A_82 : memref<1x2x128xi32, #tpu.memory_space<hbm>> -> memref<2x128xi32, #tpu.memory_space<hbm>>
      %dma_wait3A_84 = arith.constant 0 : i32
      %dma_wait3A_85 = arith.constant 0 : i32
      %dma_wait3A_86 = tpu.memref_slice %arg2[%mul3A_14, %dma_wait3A_84, %dma_wait3A_85] : memref<2560x2x128xi32, #tpu.memory_space<hbm>> -> memref<1x2x128xi32, #tpu.memory_space<hbm>>
      %dma_wait3A_87 = tpu.memref_squeeze %dma_wait3A_86 : memref<1x2x128xi32, #tpu.memory_space<hbm>> -> memref<2x128xi32, #tpu.memory_space<hbm>>
      tpu.wait_dma2 semaphore(%arg11 : memref<!tpu.dma_semaphore, #tpu.memory_space<semaphore_mem>>) src(%dma_wait3A_87 : memref<2x128xi32, #tpu.memory_space<hbm>>) dst(%arg7 : memref<2x128xi32, #tpu.memory_space<vmem>>)
      %run_scoped3A_88 = arith.constant 1 : i32
      "tpu.region"() ({
        %run_scoped3A_89 = tpu.sem_alloc : memref<!tpu.dma_semaphore, #tpu.memory_space<semaphore_mem>>
        %dma_start3A_90 = arith.constant 0 : i32
        %dma_start3A_91 = tpu.memref_slice %arg7[%run_scoped3A_88, %dma_start3A_90] : memref<2x128xi32, #tpu.memory_space<vmem>> -> memref<1x128xi32, #tpu.memory_space<vmem>>
        %dma_start3A_92 = tpu.memref_squeeze %dma_start3A_91 : memref<1x128xi32, #tpu.memory_space<vmem>> -> memref<128xi32, #tpu.memory_space<vmem>>
        %dma_start3A_93 = arith.constant 0 : i32
        %dma_start3A_94 = arith.constant 0 : i32
        %dma_start3A_95 = tpu.memref_slice %arg9[%dma_start3A_93, %dma_start3A_94] : memref<10240x128xf32, #tpu.memory_space<vmem_shared>> -> memref<10240x128xf32, #tpu.memory_space<vmem_shared>>
        tpu.enqueue_indirect_dma source(%arg8 : memref<128x128xf32, #tpu.memory_space<vmem>>) target(%dma_start3A_95 : memref<10240x128xf32, #tpu.memory_space<vmem_shared>>) offsets(%dma_start3A_92 : memref<128xi32, #tpu.memory_space<vmem>>) semaphore(%run_scoped3A_89 : memref<!tpu.dma_semaphore, #tpu.memory_space<semaphore_mem>>) {add = true}
        %dma_wait3A_96 = arith.constant 0 : i32
        %dma_wait3A_97 = tpu.memref_slice %arg7[%run_scoped3A_88, %dma_wait3A_96] : memref<2x128xi32, #tpu.memory_space<vmem>> -> memref<1x128xi32, #tpu.memory_space<vmem>>
        %dma_wait3A_98 = tpu.memref_squeeze %dma_wait3A_97 : memref<1x128xi32, #tpu.memory_space<vmem>> -> memref<128xi32, #tpu.memory_space<vmem>>
        %dma_wait3A_99 = arith.constant 0 : i32
        %dma_wait3A_100 = arith.constant 0 : i32
        %dma_wait3A_101 = tpu.memref_slice %arg9[%dma_wait3A_99, %dma_wait3A_100] : memref<10240x128xf32, #tpu.memory_space<vmem_shared>> -> memref<10240x128xf32, #tpu.memory_space<vmem_shared>>
        tpu.wait_indirect_dma semaphore(%run_scoped3A_89 : memref<!tpu.dma_semaphore, #tpu.memory_space<semaphore_mem>>) src(%arg8 : memref<128x128xf32, #tpu.memory_space<vmem>>) dst(%dma_wait3A_101 : memref<10240x128xf32, #tpu.memory_space<vmem_shared>>)
        tpu.yield
      }) : () -> ()
    }
    %scan3A_26 = arith.constant 40 : i32
    %barrier3A_27 = arith.constant 0 : index
    tpu.barrier barrier_id(%barrier3A_27)
    %mul3A_28 = arith.constant 10240 : i32
    %mul3A_29 = arith.muli %arg0, %mul3A_28 : i32
    %add3A_30 = arith.addi %mul3A_29, %mul3A_0 : i32
    %add3A_31 = arith.constant 0 : i32
    %add3A_32 = arith.addi %mul3A_0, %add3A_31 : i32
    "tpu.region"() ({
      %run_scoped3A = tpu.sem_alloc : memref<!tpu.dma_semaphore, #tpu.memory_space<semaphore_mem>>
      %dma_start3A_51 = arith.constant 0 : i32
      %dma_start3A_52 = tpu.memref_slice %arg9[%add3A_32, %dma_start3A_51] : memref<10240x128xf32, #tpu.memory_space<vmem_shared>> -> memref<128x128xf32, #tpu.memory_space<vmem_shared>>
      %dma_start3A_53 = arith.constant 0 : i32
      %dma_start3A_54 = tpu.memref_slice %arg9[%add3A_32, %dma_start3A_53] : memref<10240x128xf32, #tpu.memory_space<vmem_shared>> -> memref<128x128xf32, #tpu.memory_space<vmem_shared>>
      tpu.enqueue_dma source(%dma_start3A_54 : memref<128x128xf32, #tpu.memory_space<vmem_shared>>) target(%arg8 : memref<128x128xf32, #tpu.memory_space<vmem>>) target_semaphore(%run_scoped3A : memref<!tpu.dma_semaphore, #tpu.memory_space<semaphore_mem>>)
      %dma_wait3A = arith.constant 0 : i32
      %dma_wait3A_55 = tpu.memref_slice %arg9[%add3A_32, %dma_wait3A] : memref<10240x128xf32, #tpu.memory_space<vmem_shared>> -> memref<128x128xf32, #tpu.memory_space<vmem_shared>>
      %dma_wait3A_56 = arith.constant 0 : i32
      %dma_wait3A_57 = tpu.memref_slice %arg9[%add3A_32, %dma_wait3A_56] : memref<10240x128xf32, #tpu.memory_space<vmem_shared>> -> memref<128x128xf32, #tpu.memory_space<vmem_shared>>
      tpu.wait_dma2 semaphore(%run_scoped3A : memref<!tpu.dma_semaphore, #tpu.memory_space<semaphore_mem>>) src(%dma_wait3A_57 : memref<128x128xf32, #tpu.memory_space<vmem_shared>>) dst(%arg8 : memref<128x128xf32, #tpu.memory_space<vmem>>)
      tpu.yield
    }) : () -> ()
    %add3A_33 = arith.constant 0 : i32
    %add3A_34 = arith.addi %add3A_30, %add3A_33 : i32
    "tpu.region"() ({
      %run_scoped3A = tpu.sem_alloc : memref<!tpu.dma_semaphore, #tpu.memory_space<semaphore_mem>>
      %dma_start3A_51 = arith.constant 0 : i32
      %dma_start3A_52 = tpu.memref_slice %arg5[%add3A_34, %dma_start3A_51] : memref<20480x128xf32, #tpu.memory_space<hbm>> -> memref<128x128xf32, #tpu.memory_space<hbm>>
      %dma_start3A_53 = arith.constant 0 : i32
      %dma_start3A_54 = tpu.memref_slice %arg5[%add3A_34, %dma_start3A_53] : memref<20480x128xf32, #tpu.memory_space<hbm>> -> memref<128x128xf32, #tpu.memory_space<hbm>>
      tpu.enqueue_dma source(%arg8 : memref<128x128xf32, #tpu.memory_space<vmem>>) target(%dma_start3A_54 : memref<128x128xf32, #tpu.memory_space<hbm>>) target_semaphore(%run_scoped3A : memref<!tpu.dma_semaphore, #tpu.memory_space<semaphore_mem>>)
      %dma_wait3A = arith.constant 0 : i32
      %dma_wait3A_55 = tpu.memref_slice %arg5[%add3A_34, %dma_wait3A] : memref<20480x128xf32, #tpu.memory_space<hbm>> -> memref<128x128xf32, #tpu.memory_space<hbm>>
      %dma_wait3A_56 = arith.constant 0 : i32
      %dma_wait3A_57 = tpu.memref_slice %arg5[%add3A_34, %dma_wait3A_56] : memref<20480x128xf32, #tpu.memory_space<hbm>> -> memref<128x128xf32, #tpu.memory_space<hbm>>
      tpu.wait_dma2 semaphore(%run_scoped3A : memref<!tpu.dma_semaphore, #tpu.memory_space<semaphore_mem>>) src(%arg8 : memref<128x128xf32, #tpu.memory_space<vmem>>) dst(%dma_wait3A_57 : memref<128x128xf32, #tpu.memory_space<hbm>>)
      tpu.yield
    }) : () -> ()
    %add3A_35 = arith.constant 128 : i32
    %add3A_36 = arith.addi %mul3A_0, %add3A_35 : i32
    "tpu.region"() ({
      %run_scoped3A = tpu.sem_alloc : memref<!tpu.dma_semaphore, #tpu.memory_space<semaphore_mem>>
      %dma_start3A_51 = arith.constant 0 : i32
      %dma_start3A_52 = tpu.memref_slice %arg9[%add3A_36, %dma_start3A_51] : memref<10240x128xf32, #tpu.memory_space<vmem_shared>> -> memref<128x128xf32, #tpu.memory_space<vmem_shared>>
      %dma_start3A_53 = arith.constant 0 : i32
      %dma_start3A_54 = tpu.memref_slice %arg9[%add3A_36, %dma_start3A_53] : memref<10240x128xf32, #tpu.memory_space<vmem_shared>> -> memref<128x128xf32, #tpu.memory_space<vmem_shared>>
      tpu.enqueue_dma source(%dma_start3A_54 : memref<128x128xf32, #tpu.memory_space<vmem_shared>>) target(%arg8 : memref<128x128xf32, #tpu.memory_space<vmem>>) target_semaphore(%run_scoped3A : memref<!tpu.dma_semaphore, #tpu.memory_space<semaphore_mem>>)
      %dma_wait3A = arith.constant 0 : i32
      %dma_wait3A_55 = tpu.memref_slice %arg9[%add3A_36, %dma_wait3A] : memref<10240x128xf32, #tpu.memory_space<vmem_shared>> -> memref<128x128xf32, #tpu.memory_space<vmem_shared>>
      %dma_wait3A_56 = arith.constant 0 : i32
      %dma_wait3A_57 = tpu.memref_slice %arg9[%add3A_36, %dma_wait3A_56] : memref<10240x128xf32, #tpu.memory_space<vmem_shared>> -> memref<128x128xf32, #tpu.memory_space<vmem_shared>>
      tpu.wait_dma2 semaphore(%run_scoped3A : memref<!tpu.dma_semaphore, #tpu.memory_space<semaphore_mem>>) src(%dma_wait3A_57 : memref<128x128xf32, #tpu.memory_space<vmem_shared>>) dst(%arg8 : memref<128x128xf32, #tpu.memory_space<vmem>>)
      tpu.yield
    }) : () -> ()
    %add3A_37 = arith.constant 128 : i32
    %add3A_38 = arith.addi %add3A_30, %add3A_37 : i32
    "tpu.region"() ({
      %run_scoped3A = tpu.sem_alloc : memref<!tpu.dma_semaphore, #tpu.memory_space<semaphore_mem>>
      %dma_start3A_51 = arith.constant 0 : i32
      %dma_start3A_52 = tpu.memref_slice %arg5[%add3A_38, %dma_start3A_51] : memref<20480x128xf32, #tpu.memory_space<hbm>> -> memref<128x128xf32, #tpu.memory_space<hbm>>
      %dma_start3A_53 = arith.constant 0 : i32
      %dma_start3A_54 = tpu.memref_slice %arg5[%add3A_38, %dma_start3A_53] : memref<20480x128xf32, #tpu.memory_space<hbm>> -> memref<128x128xf32, #tpu.memory_space<hbm>>
      tpu.enqueue_dma source(%arg8 : memref<128x128xf32, #tpu.memory_space<vmem>>) target(%dma_start3A_54 : memref<128x128xf32, #tpu.memory_space<hbm>>) target_semaphore(%run_scoped3A : memref<!tpu.dma_semaphore, #tpu.memory_space<semaphore_mem>>)
      %dma_wait3A = arith.constant 0 : i32
      %dma_wait3A_55 = tpu.memref_slice %arg5[%add3A_38, %dma_wait3A] : memref<20480x128xf32, #tpu.memory_space<hbm>> -> memref<128x128xf32, #tpu.memory_space<hbm>>
      %dma_wait3A_56 = arith.constant 0 : i32
      %dma_wait3A_57 = tpu.memref_slice %arg5[%add3A_38, %dma_wait3A_56] : memref<20480x128xf32, #tpu.memory_space<hbm>> -> memref<128x128xf32, #tpu.memory_space<hbm>>
      tpu.wait_dma2 semaphore(%run_scoped3A : memref<!tpu.dma_semaphore, #tpu.memory_space<semaphore_mem>>) src(%arg8 : memref<128x128xf32, #tpu.memory_space<vmem>>) dst(%dma_wait3A_57 : memref<128x128xf32, #tpu.memory_space<hbm>>)
      tpu.yield
    }) : () -> ()
    %add3A_39 = arith.constant 256 : i32
    %add3A_40 = arith.addi %mul3A_0, %add3A_39 : i32
    "tpu.region"() ({
      %run_scoped3A = tpu.sem_alloc : memref<!tpu.dma_semaphore, #tpu.memory_space<semaphore_mem>>
      %dma_start3A_51 = arith.constant 0 : i32
      %dma_start3A_52 = tpu.memref_slice %arg9[%add3A_40, %dma_start3A_51] : memref<10240x128xf32, #tpu.memory_space<vmem_shared>> -> memref<128x128xf32, #tpu.memory_space<vmem_shared>>
      %dma_start3A_53 = arith.constant 0 : i32
      %dma_start3A_54 = tpu.memref_slice %arg9[%add3A_40, %dma_start3A_53] : memref<10240x128xf32, #tpu.memory_space<vmem_shared>> -> memref<128x128xf32, #tpu.memory_space<vmem_shared>>
      tpu.enqueue_dma source(%dma_start3A_54 : memref<128x128xf32, #tpu.memory_space<vmem_shared>>) target(%arg8 : memref<128x128xf32, #tpu.memory_space<vmem>>) target_semaphore(%run_scoped3A : memref<!tpu.dma_semaphore, #tpu.memory_space<semaphore_mem>>)
      %dma_wait3A = arith.constant 0 : i32
      %dma_wait3A_55 = tpu.memref_slice %arg9[%add3A_40, %dma_wait3A] : memref<10240x128xf32, #tpu.memory_space<vmem_shared>> -> memref<128x128xf32, #tpu.memory_space<vmem_shared>>
      %dma_wait3A_56 = arith.constant 0 : i32
      %dma_wait3A_57 = tpu.memref_slice %arg9[%add3A_40, %dma_wait3A_56] : memref<10240x128xf32, #tpu.memory_space<vmem_shared>> -> memref<128x128xf32, #tpu.memory_space<vmem_shared>>
      tpu.wait_dma2 semaphore(%run_scoped3A : memref<!tpu.dma_semaphore, #tpu.memory_space<semaphore_mem>>) src(%dma_wait3A_57 : memref<128x128xf32, #tpu.memory_space<vmem_shared>>) dst(%arg8 : memref<128x128xf32, #tpu.memory_space<vmem>>)
      tpu.yield
    }) : () -> ()
    %add3A_41 = arith.constant 256 : i32
    %add3A_42 = arith.addi %add3A_30, %add3A_41 : i32
    "tpu.region"() ({
      %run_scoped3A = tpu.sem_alloc : memref<!tpu.dma_semaphore, #tpu.memory_space<semaphore_mem>>
      %dma_start3A_51 = arith.constant 0 : i32
      %dma_start3A_52 = tpu.memref_slice %arg5[%add3A_42, %dma_start3A_51] : memref<20480x128xf32, #tpu.memory_space<hbm>> -> memref<128x128xf32, #tpu.memory_space<hbm>>
      %dma_start3A_53 = arith.constant 0 : i32
      %dma_start3A_54 = tpu.memref_slice %arg5[%add3A_42, %dma_start3A_53] : memref<20480x128xf32, #tpu.memory_space<hbm>> -> memref<128x128xf32, #tpu.memory_space<hbm>>
      tpu.enqueue_dma source(%arg8 : memref<128x128xf32, #tpu.memory_space<vmem>>) target(%dma_start3A_54 : memref<128x128xf32, #tpu.memory_space<hbm>>) target_semaphore(%run_scoped3A : memref<!tpu.dma_semaphore, #tpu.memory_space<semaphore_mem>>)
      %dma_wait3A = arith.constant 0 : i32
      %dma_wait3A_55 = tpu.memref_slice %arg5[%add3A_42, %dma_wait3A] : memref<20480x128xf32, #tpu.memory_space<hbm>> -> memref<128x128xf32, #tpu.memory_space<hbm>>
      %dma_wait3A_56 = arith.constant 0 : i32
      %dma_wait3A_57 = tpu.memref_slice %arg5[%add3A_42, %dma_wait3A_56] : memref<20480x128xf32, #tpu.memory_space<hbm>> -> memref<128x128xf32, #tpu.memory_space<hbm>>
      tpu.wait_dma2 semaphore(%run_scoped3A : memref<!tpu.dma_semaphore, #tpu.memory_space<semaphore_mem>>) src(%arg8 : memref<128x128xf32, #tpu.memory_space<vmem>>) dst(%dma_wait3A_57 : memref<128x128xf32, #tpu.memory_space<hbm>>)
      tpu.yield
    }) : () -> ()
    %add3A_43 = arith.constant 384 : i32
    %add3A_44 = arith.addi %mul3A_0, %add3A_43 : i32
    "tpu.region"() ({
      %run_scoped3A = tpu.sem_alloc : memref<!tpu.dma_semaphore, #tpu.memory_space<semaphore_mem>>
      %dma_start3A_51 = arith.constant 0 : i32
      %dma_start3A_52 = tpu.memref_slice %arg9[%add3A_44, %dma_start3A_51] : memref<10240x128xf32, #tpu.memory_space<vmem_shared>> -> memref<128x128xf32, #tpu.memory_space<vmem_shared>>
      %dma_start3A_53 = arith.constant 0 : i32
      %dma_start3A_54 = tpu.memref_slice %arg9[%add3A_44, %dma_start3A_53] : memref<10240x128xf32, #tpu.memory_space<vmem_shared>> -> memref<128x128xf32, #tpu.memory_space<vmem_shared>>
      tpu.enqueue_dma source(%dma_start3A_54 : memref<128x128xf32, #tpu.memory_space<vmem_shared>>) target(%arg8 : memref<128x128xf32, #tpu.memory_space<vmem>>) target_semaphore(%run_scoped3A : memref<!tpu.dma_semaphore, #tpu.memory_space<semaphore_mem>>)
      %dma_wait3A = arith.constant 0 : i32
      %dma_wait3A_55 = tpu.memref_slice %arg9[%add3A_44, %dma_wait3A] : memref<10240x128xf32, #tpu.memory_space<vmem_shared>> -> memref<128x128xf32, #tpu.memory_space<vmem_shared>>
      %dma_wait3A_56 = arith.constant 0 : i32
      %dma_wait3A_57 = tpu.memref_slice %arg9[%add3A_44, %dma_wait3A_56] : memref<10240x128xf32, #tpu.memory_space<vmem_shared>> -> memref<128x128xf32, #tpu.memory_space<vmem_shared>>
      tpu.wait_dma2 semaphore(%run_scoped3A : memref<!tpu.dma_semaphore, #tpu.memory_space<semaphore_mem>>) src(%dma_wait3A_57 : memref<128x128xf32, #tpu.memory_space<vmem_shared>>) dst(%arg8 : memref<128x128xf32, #tpu.memory_space<vmem>>)
      tpu.yield
    }) : () -> ()
    %add3A_45 = arith.constant 384 : i32
    %add3A_46 = arith.addi %add3A_30, %add3A_45 : i32
    "tpu.region"() ({
      %run_scoped3A = tpu.sem_alloc : memref<!tpu.dma_semaphore, #tpu.memory_space<semaphore_mem>>
      %dma_start3A_51 = arith.constant 0 : i32
      %dma_start3A_52 = tpu.memref_slice %arg5[%add3A_46, %dma_start3A_51] : memref<20480x128xf32, #tpu.memory_space<hbm>> -> memref<128x128xf32, #tpu.memory_space<hbm>>
      %dma_start3A_53 = arith.constant 0 : i32
      %dma_start3A_54 = tpu.memref_slice %arg5[%add3A_46, %dma_start3A_53] : memref<20480x128xf32, #tpu.memory_space<hbm>> -> memref<128x128xf32, #tpu.memory_space<hbm>>
      tpu.enqueue_dma source(%arg8 : memref<128x128xf32, #tpu.memory_space<vmem>>) target(%dma_start3A_54 : memref<128x128xf32, #tpu.memory_space<hbm>>) target_semaphore(%run_scoped3A : memref<!tpu.dma_semaphore, #tpu.memory_space<semaphore_mem>>)
      %dma_wait3A = arith.constant 0 : i32
      %dma_wait3A_55 = tpu.memref_slice %arg5[%add3A_46, %dma_wait3A] : memref<20480x128xf32, #tpu.memory_space<hbm>> -> memref<128x128xf32, #tpu.memory_space<hbm>>
      %dma_wait3A_56 = arith.constant 0 : i32
      %dma_wait3A_57 = tpu.memref_slice %arg5[%add3A_46, %dma_wait3A_56] : memref<20480x128xf32, #tpu.memory_space<hbm>> -> memref<128x128xf32, #tpu.memory_space<hbm>>
      tpu.wait_dma2 semaphore(%run_scoped3A : memref<!tpu.dma_semaphore, #tpu.memory_space<semaphore_mem>>) src(%arg8 : memref<128x128xf32, #tpu.memory_space<vmem>>) dst(%dma_wait3A_57 : memref<128x128xf32, #tpu.memory_space<hbm>>)
      tpu.yield
    }) : () -> ()
    %add3A_47 = arith.constant 512 : i32
    %add3A_48 = arith.addi %mul3A_0, %add3A_47 : i32
    "tpu.region"() ({
      %run_scoped3A = tpu.sem_alloc : memref<!tpu.dma_semaphore, #tpu.memory_space<semaphore_mem>>
      %dma_start3A_51 = arith.constant 0 : i32
      %dma_start3A_52 = tpu.memref_slice %arg9[%add3A_48, %dma_start3A_51] : memref<10240x128xf32, #tpu.memory_space<vmem_shared>> -> memref<128x128xf32, #tpu.memory_space<vmem_shared>>
      %dma_start3A_53 = arith.constant 0 : i32
      %dma_start3A_54 = tpu.memref_slice %arg9[%add3A_48, %dma_start3A_53] : memref<10240x128xf32, #tpu.memory_space<vmem_shared>> -> memref<128x128xf32, #tpu.memory_space<vmem_shared>>
      tpu.enqueue_dma source(%dma_start3A_54 : memref<128x128xf32, #tpu.memory_space<vmem_shared>>) target(%arg8 : memref<128x128xf32, #tpu.memory_space<vmem>>) target_semaphore(%run_scoped3A : memref<!tpu.dma_semaphore, #tpu.memory_space<semaphore_mem>>)
      %dma_wait3A = arith.constant 0 : i32
      %dma_wait3A_55 = tpu.memref_slice %arg9[%add3A_48, %dma_wait3A] : memref<10240x128xf32, #tpu.memory_space<vmem_shared>> -> memref<128x128xf32, #tpu.memory_space<vmem_shared>>
      %dma_wait3A_56 = arith.constant 0 : i32
      %dma_wait3A_57 = tpu.memref_slice %arg9[%add3A_48, %dma_wait3A_56] : memref<10240x128xf32, #tpu.memory_space<vmem_shared>> -> memref<128x128xf32, #tpu.memory_space<vmem_shared>>
      tpu.wait_dma2 semaphore(%run_scoped3A : memref<!tpu.dma_semaphore, #tpu.memory_space<semaphore_mem>>) src(%dma_wait3A_57 : memref<128x128xf32, #tpu.memory_space<vmem_shared>>) dst(%arg8 : memref<128x128xf32, #tpu.memory_space<vmem>>)
      tpu.yield
    }) : () -> ()
    %add3A_49 = arith.constant 512 : i32
    %add3A_50 = arith.addi %add3A_30, %add3A_49 : i32
    "tpu.region"() ({
      %run_scoped3A = tpu.sem_alloc : memref<!tpu.dma_semaphore, #tpu.memory_space<semaphore_mem>>
      %dma_start3A_51 = arith.constant 0 : i32
      %dma_start3A_52 = tpu.memref_slice %arg5[%add3A_50, %dma_start3A_51] : memref<20480x128xf32, #tpu.memory_space<hbm>> -> memref<128x128xf32, #tpu.memory_space<hbm>>
      %dma_start3A_53 = arith.constant 0 : i32
      %dma_start3A_54 = tpu.memref_slice %arg5[%add3A_50, %dma_start3A_53] : memref<20480x128xf32, #tpu.memory_space<hbm>> -> memref<128x128xf32, #tpu.memory_space<hbm>>
      tpu.enqueue_dma source(%arg8 : memref<128x128xf32, #tpu.memory_space<vmem>>) target(%dma_start3A_54 : memref<128x128xf32, #tpu.memory_space<hbm>>) target_semaphore(%run_scoped3A : memref<!tpu.dma_semaphore, #tpu.memory_space<semaphore_mem>>)
      %dma_wait3A = arith.constant 0 : i32
      %dma_wait3A_55 = tpu.memref_slice %arg5[%add3A_50, %dma_wait3A] : memref<20480x128xf32, #tpu.memory_space<hbm>> -> memref<128x128xf32, #tpu.memory_space<hbm>>
      %dma_wait3A_56 = arith.constant 0 : i32
      %dma_wait3A_57 = tpu.memref_slice %arg5[%add3A_50, %dma_wait3A_56] : memref<20480x128xf32, #tpu.memory_space<hbm>> -> memref<128x128xf32, #tpu.memory_space<hbm>>
      tpu.wait_dma2 semaphore(%run_scoped3A : memref<!tpu.dma_semaphore, #tpu.memory_space<semaphore_mem>>) src(%arg8 : memref<128x128xf32, #tpu.memory_space<vmem>>) dst(%dma_wait3A_57 : memref<128x128xf32, #tpu.memory_space<hbm>>)
      tpu.yield
    }) : () -> ()
    return
  }
}

#map = affine_map<(d0, d1) -> (0, 0)>
#map1 = affine_map<(d0, d1) -> (0, 0, 0)>
module attributes {stable_mosaic.version = 14 : i64} {
  func.func @_agg_body(%arg0: i32, %arg1: i32, %arg2: memref<10000x128xf32, #tpu.memory_space<hbm>>, %arg3: memref<2560x2x128xi32, #tpu.memory_space<hbm>>, %arg4: memref<128x128xf32, #tpu.memory_space<hbm>>, %arg5: memref<20480x128xf32, #tpu.memory_space<hbm>>, %arg6: memref<2x128xi32, #tpu.memory_space<vmem>>, %arg7: memref<2x128xi32, #tpu.memory_space<vmem>>, %arg8: memref<2x128xi32, #tpu.memory_space<vmem>>, %arg9: memref<2x128xi32, #tpu.memory_space<vmem>>, %arg10: memref<128x128xf32, #tpu.memory_space<vmem>>, %arg11: memref<128x128xf32, #tpu.memory_space<vmem>>, %arg12: memref<10240x128xf32, #tpu.memory_space<vmem_shared>>, %arg13: memref<!tpu.dma_semaphore, #tpu.memory_space<semaphore_mem>>, %arg14: memref<!tpu.dma_semaphore, #tpu.memory_space<semaphore_mem>>, %arg15: memref<!tpu.dma_semaphore, #tpu.memory_space<semaphore_mem>>, %arg16: memref<!tpu.dma_semaphore, #tpu.memory_space<semaphore_mem>>, %arg17: memref<!tpu.dma_semaphore, #tpu.memory_space<semaphore_mem>>, %arg18: memref<!tpu.dma_semaphore, #tpu.memory_space<semaphore_mem>>) attributes {dimension_semantics = [#tpu.dimension_semantics<core_parallel>, #tpu.dimension_semantics<subcore_parallel>], iteration_bounds = array<i64: 2, 16>, scalar_prefetch = 0 : i64, scratch_operands = 13 : i64, tpu.core_type = #tpu.core_type<sc_vector_subcore>, window_params = [{transform_indices = #map}, {transform_indices = #map1}, {transform_indices = #map}, {transform_indices = #map}]} {
    %mul3A = arith.constant 640 : i32
    %mul3A_0 = arith.muli %arg1, %mul3A : i32
    "tpu.region"() ({
      %run_scoped3A = tpu.sem_alloc : memref<!tpu.dma_semaphore, #tpu.memory_space<semaphore_mem>>
      tpu.enqueue_dma source(%arg4 : memref<128x128xf32, #tpu.memory_space<hbm>>) target(%arg10 : memref<128x128xf32, #tpu.memory_space<vmem>>) target_semaphore(%run_scoped3A : memref<!tpu.dma_semaphore, #tpu.memory_space<semaphore_mem>>)
      tpu.wait_dma2 semaphore(%run_scoped3A : memref<!tpu.dma_semaphore, #tpu.memory_space<semaphore_mem>>) src(%arg4 : memref<128x128xf32, #tpu.memory_space<hbm>>) dst(%arg10 : memref<128x128xf32, #tpu.memory_space<vmem>>)
      tpu.yield
    }) : () -> ()
    %add3A = arith.constant 0 : i32
    %add3A_1 = arith.addi %mul3A_0, %add3A : i32
    "tpu.region"() ({
      %run_scoped3A = tpu.sem_alloc : memref<!tpu.dma_semaphore, #tpu.memory_space<semaphore_mem>>
      %dma_start3A_75 = arith.constant 0 : i32
      %dma_start3A_76 = tpu.memref_slice %arg12[%add3A_1, %dma_start3A_75] : memref<10240x128xf32, #tpu.memory_space<vmem_shared>> -> memref<128x128xf32, #tpu.memory_space<vmem_shared>>
      %dma_start3A_77 = arith.constant 0 : i32
      %dma_start3A_78 = tpu.memref_slice %arg12[%add3A_1, %dma_start3A_77] : memref<10240x128xf32, #tpu.memory_space<vmem_shared>> -> memref<128x128xf32, #tpu.memory_space<vmem_shared>>
      tpu.enqueue_dma source(%arg10 : memref<128x128xf32, #tpu.memory_space<vmem>>) target(%dma_start3A_78 : memref<128x128xf32, #tpu.memory_space<vmem_shared>>) target_semaphore(%run_scoped3A : memref<!tpu.dma_semaphore, #tpu.memory_space<semaphore_mem>>)
      %dma_wait3A_79 = arith.constant 0 : i32
      %dma_wait3A_80 = tpu.memref_slice %arg12[%add3A_1, %dma_wait3A_79] : memref<10240x128xf32, #tpu.memory_space<vmem_shared>> -> memref<128x128xf32, #tpu.memory_space<vmem_shared>>
      %dma_wait3A_81 = arith.constant 0 : i32
      %dma_wait3A_82 = tpu.memref_slice %arg12[%add3A_1, %dma_wait3A_81] : memref<10240x128xf32, #tpu.memory_space<vmem_shared>> -> memref<128x128xf32, #tpu.memory_space<vmem_shared>>
      tpu.wait_dma2 semaphore(%run_scoped3A : memref<!tpu.dma_semaphore, #tpu.memory_space<semaphore_mem>>) src(%arg10 : memref<128x128xf32, #tpu.memory_space<vmem>>) dst(%dma_wait3A_82 : memref<128x128xf32, #tpu.memory_space<vmem_shared>>)
      tpu.yield
    }) : () -> ()
    %add3A_2 = arith.constant 128 : i32
    %add3A_3 = arith.addi %mul3A_0, %add3A_2 : i32
    "tpu.region"() ({
      %run_scoped3A = tpu.sem_alloc : memref<!tpu.dma_semaphore, #tpu.memory_space<semaphore_mem>>
      %dma_start3A_75 = arith.constant 0 : i32
      %dma_start3A_76 = tpu.memref_slice %arg12[%add3A_3, %dma_start3A_75] : memref<10240x128xf32, #tpu.memory_space<vmem_shared>> -> memref<128x128xf32, #tpu.memory_space<vmem_shared>>
      %dma_start3A_77 = arith.constant 0 : i32
      %dma_start3A_78 = tpu.memref_slice %arg12[%add3A_3, %dma_start3A_77] : memref<10240x128xf32, #tpu.memory_space<vmem_shared>> -> memref<128x128xf32, #tpu.memory_space<vmem_shared>>
      tpu.enqueue_dma source(%arg10 : memref<128x128xf32, #tpu.memory_space<vmem>>) target(%dma_start3A_78 : memref<128x128xf32, #tpu.memory_space<vmem_shared>>) target_semaphore(%run_scoped3A : memref<!tpu.dma_semaphore, #tpu.memory_space<semaphore_mem>>)
      %dma_wait3A_79 = arith.constant 0 : i32
      %dma_wait3A_80 = tpu.memref_slice %arg12[%add3A_3, %dma_wait3A_79] : memref<10240x128xf32, #tpu.memory_space<vmem_shared>> -> memref<128x128xf32, #tpu.memory_space<vmem_shared>>
      %dma_wait3A_81 = arith.constant 0 : i32
      %dma_wait3A_82 = tpu.memref_slice %arg12[%add3A_3, %dma_wait3A_81] : memref<10240x128xf32, #tpu.memory_space<vmem_shared>> -> memref<128x128xf32, #tpu.memory_space<vmem_shared>>
      tpu.wait_dma2 semaphore(%run_scoped3A : memref<!tpu.dma_semaphore, #tpu.memory_space<semaphore_mem>>) src(%arg10 : memref<128x128xf32, #tpu.memory_space<vmem>>) dst(%dma_wait3A_82 : memref<128x128xf32, #tpu.memory_space<vmem_shared>>)
      tpu.yield
    }) : () -> ()
    %add3A_4 = arith.constant 256 : i32
    %add3A_5 = arith.addi %mul3A_0, %add3A_4 : i32
    "tpu.region"() ({
      %run_scoped3A = tpu.sem_alloc : memref<!tpu.dma_semaphore, #tpu.memory_space<semaphore_mem>>
      %dma_start3A_75 = arith.constant 0 : i32
      %dma_start3A_76 = tpu.memref_slice %arg12[%add3A_5, %dma_start3A_75] : memref<10240x128xf32, #tpu.memory_space<vmem_shared>> -> memref<128x128xf32, #tpu.memory_space<vmem_shared>>
      %dma_start3A_77 = arith.constant 0 : i32
      %dma_start3A_78 = tpu.memref_slice %arg12[%add3A_5, %dma_start3A_77] : memref<10240x128xf32, #tpu.memory_space<vmem_shared>> -> memref<128x128xf32, #tpu.memory_space<vmem_shared>>
      tpu.enqueue_dma source(%arg10 : memref<128x128xf32, #tpu.memory_space<vmem>>) target(%dma_start3A_78 : memref<128x128xf32, #tpu.memory_space<vmem_shared>>) target_semaphore(%run_scoped3A : memref<!tpu.dma_semaphore, #tpu.memory_space<semaphore_mem>>)
      %dma_wait3A_79 = arith.constant 0 : i32
      %dma_wait3A_80 = tpu.memref_slice %arg12[%add3A_5, %dma_wait3A_79] : memref<10240x128xf32, #tpu.memory_space<vmem_shared>> -> memref<128x128xf32, #tpu.memory_space<vmem_shared>>
      %dma_wait3A_81 = arith.constant 0 : i32
      %dma_wait3A_82 = tpu.memref_slice %arg12[%add3A_5, %dma_wait3A_81] : memref<10240x128xf32, #tpu.memory_space<vmem_shared>> -> memref<128x128xf32, #tpu.memory_space<vmem_shared>>
      tpu.wait_dma2 semaphore(%run_scoped3A : memref<!tpu.dma_semaphore, #tpu.memory_space<semaphore_mem>>) src(%arg10 : memref<128x128xf32, #tpu.memory_space<vmem>>) dst(%dma_wait3A_82 : memref<128x128xf32, #tpu.memory_space<vmem_shared>>)
      tpu.yield
    }) : () -> ()
    %add3A_6 = arith.constant 384 : i32
    %add3A_7 = arith.addi %mul3A_0, %add3A_6 : i32
    "tpu.region"() ({
      %run_scoped3A = tpu.sem_alloc : memref<!tpu.dma_semaphore, #tpu.memory_space<semaphore_mem>>
      %dma_start3A_75 = arith.constant 0 : i32
      %dma_start3A_76 = tpu.memref_slice %arg12[%add3A_7, %dma_start3A_75] : memref<10240x128xf32, #tpu.memory_space<vmem_shared>> -> memref<128x128xf32, #tpu.memory_space<vmem_shared>>
      %dma_start3A_77 = arith.constant 0 : i32
      %dma_start3A_78 = tpu.memref_slice %arg12[%add3A_7, %dma_start3A_77] : memref<10240x128xf32, #tpu.memory_space<vmem_shared>> -> memref<128x128xf32, #tpu.memory_space<vmem_shared>>
      tpu.enqueue_dma source(%arg10 : memref<128x128xf32, #tpu.memory_space<vmem>>) target(%dma_start3A_78 : memref<128x128xf32, #tpu.memory_space<vmem_shared>>) target_semaphore(%run_scoped3A : memref<!tpu.dma_semaphore, #tpu.memory_space<semaphore_mem>>)
      %dma_wait3A_79 = arith.constant 0 : i32
      %dma_wait3A_80 = tpu.memref_slice %arg12[%add3A_7, %dma_wait3A_79] : memref<10240x128xf32, #tpu.memory_space<vmem_shared>> -> memref<128x128xf32, #tpu.memory_space<vmem_shared>>
      %dma_wait3A_81 = arith.constant 0 : i32
      %dma_wait3A_82 = tpu.memref_slice %arg12[%add3A_7, %dma_wait3A_81] : memref<10240x128xf32, #tpu.memory_space<vmem_shared>> -> memref<128x128xf32, #tpu.memory_space<vmem_shared>>
      tpu.wait_dma2 semaphore(%run_scoped3A : memref<!tpu.dma_semaphore, #tpu.memory_space<semaphore_mem>>) src(%arg10 : memref<128x128xf32, #tpu.memory_space<vmem>>) dst(%dma_wait3A_82 : memref<128x128xf32, #tpu.memory_space<vmem_shared>>)
      tpu.yield
    }) : () -> ()
    %add3A_8 = arith.constant 512 : i32
    %add3A_9 = arith.addi %mul3A_0, %add3A_8 : i32
    "tpu.region"() ({
      %run_scoped3A = tpu.sem_alloc : memref<!tpu.dma_semaphore, #tpu.memory_space<semaphore_mem>>
      %dma_start3A_75 = arith.constant 0 : i32
      %dma_start3A_76 = tpu.memref_slice %arg12[%add3A_9, %dma_start3A_75] : memref<10240x128xf32, #tpu.memory_space<vmem_shared>> -> memref<128x128xf32, #tpu.memory_space<vmem_shared>>
      %dma_start3A_77 = arith.constant 0 : i32
      %dma_start3A_78 = tpu.memref_slice %arg12[%add3A_9, %dma_start3A_77] : memref<10240x128xf32, #tpu.memory_space<vmem_shared>> -> memref<128x128xf32, #tpu.memory_space<vmem_shared>>
      tpu.enqueue_dma source(%arg10 : memref<128x128xf32, #tpu.memory_space<vmem>>) target(%dma_start3A_78 : memref<128x128xf32, #tpu.memory_space<vmem_shared>>) target_semaphore(%run_scoped3A : memref<!tpu.dma_semaphore, #tpu.memory_space<semaphore_mem>>)
      %dma_wait3A_79 = arith.constant 0 : i32
      %dma_wait3A_80 = tpu.memref_slice %arg12[%add3A_9, %dma_wait3A_79] : memref<10240x128xf32, #tpu.memory_space<vmem_shared>> -> memref<128x128xf32, #tpu.memory_space<vmem_shared>>
      %dma_wait3A_81 = arith.constant 0 : i32
      %dma_wait3A_82 = tpu.memref_slice %arg12[%add3A_9, %dma_wait3A_81] : memref<10240x128xf32, #tpu.memory_space<vmem_shared>> -> memref<128x128xf32, #tpu.memory_space<vmem_shared>>
      tpu.wait_dma2 semaphore(%run_scoped3A : memref<!tpu.dma_semaphore, #tpu.memory_space<semaphore_mem>>) src(%arg10 : memref<128x128xf32, #tpu.memory_space<vmem>>) dst(%dma_wait3A_82 : memref<128x128xf32, #tpu.memory_space<vmem_shared>>)
      tpu.yield
    }) : () -> ()
    %barrier3A = arith.constant 0 : index
    tpu.barrier barrier_id(%barrier3A)
    %mul3A_10 = arith.constant 16 : i32
    %mul3A_11 = arith.muli %arg0, %mul3A_10 : i32
    %add3A_12 = arith.addi %mul3A_11, %arg1 : i32
    %mul3A_13 = arith.constant 80 : i32
    %mul3A_14 = arith.muli %add3A_12, %mul3A_13 : i32
    %dma_start3A = arith.constant 0 : i32
    %dma_start3A_15 = arith.constant 0 : i32
    %dma_start3A_16 = tpu.memref_slice %arg3[%mul3A_14, %dma_start3A, %dma_start3A_15] : memref<2560x2x128xi32, #tpu.memory_space<hbm>> -> memref<1x2x128xi32, #tpu.memory_space<hbm>>
    %dma_start3A_17 = tpu.memref_squeeze %dma_start3A_16 : memref<1x2x128xi32, #tpu.memory_space<hbm>> -> memref<2x128xi32, #tpu.memory_space<hbm>>
    %dma_start3A_18 = arith.constant 0 : i32
    %dma_start3A_19 = arith.constant 0 : i32
    %dma_start3A_20 = tpu.memref_slice %arg3[%mul3A_14, %dma_start3A_18, %dma_start3A_19] : memref<2560x2x128xi32, #tpu.memory_space<hbm>> -> memref<1x2x128xi32, #tpu.memory_space<hbm>>
    %dma_start3A_21 = tpu.memref_squeeze %dma_start3A_20 : memref<1x2x128xi32, #tpu.memory_space<hbm>> -> memref<2x128xi32, #tpu.memory_space<hbm>>
    tpu.enqueue_dma source(%dma_start3A_21 : memref<2x128xi32, #tpu.memory_space<hbm>>) target(%arg6 : memref<2x128xi32, #tpu.memory_space<vmem>>) target_semaphore(%arg13 : memref<!tpu.dma_semaphore, #tpu.memory_space<semaphore_mem>>)
    %add3A_22 = arith.constant 1 : i32
    %add3A_23 = arith.addi %mul3A_14, %add3A_22 : i32
    %dma_start3A_24 = arith.constant 0 : i32
    %dma_start3A_25 = arith.constant 0 : i32
    %dma_start3A_26 = tpu.memref_slice %arg3[%add3A_23, %dma_start3A_24, %dma_start3A_25] : memref<2560x2x128xi32, #tpu.memory_space<hbm>> -> memref<1x2x128xi32, #tpu.memory_space<hbm>>
    %dma_start3A_27 = tpu.memref_squeeze %dma_start3A_26 : memref<1x2x128xi32, #tpu.memory_space<hbm>> -> memref<2x128xi32, #tpu.memory_space<hbm>>
    %dma_start3A_28 = arith.constant 0 : i32
    %dma_start3A_29 = arith.constant 0 : i32
    %dma_start3A_30 = tpu.memref_slice %arg3[%add3A_23, %dma_start3A_28, %dma_start3A_29] : memref<2560x2x128xi32, #tpu.memory_space<hbm>> -> memref<1x2x128xi32, #tpu.memory_space<hbm>>
    %dma_start3A_31 = tpu.memref_squeeze %dma_start3A_30 : memref<1x2x128xi32, #tpu.memory_space<hbm>> -> memref<2x128xi32, #tpu.memory_space<hbm>>
    tpu.enqueue_dma source(%dma_start3A_31 : memref<2x128xi32, #tpu.memory_space<hbm>>) target(%arg7 : memref<2x128xi32, #tpu.memory_space<vmem>>) target_semaphore(%arg14 : memref<!tpu.dma_semaphore, #tpu.memory_space<semaphore_mem>>)
    %dma_wait3A = arith.constant 0 : i32
    %dma_wait3A_32 = arith.constant 0 : i32
    %dma_wait3A_33 = tpu.memref_slice %arg3[%mul3A_14, %dma_wait3A, %dma_wait3A_32] : memref<2560x2x128xi32, #tpu.memory_space<hbm>> -> memref<1x2x128xi32, #tpu.memory_space<hbm>>
    %dma_wait3A_34 = tpu.memref_squeeze %dma_wait3A_33 : memref<1x2x128xi32, #tpu.memory_space<hbm>> -> memref<2x128xi32, #tpu.memory_space<hbm>>
    %dma_wait3A_35 = arith.constant 0 : i32
    %dma_wait3A_36 = arith.constant 0 : i32
    %dma_wait3A_37 = tpu.memref_slice %arg3[%mul3A_14, %dma_wait3A_35, %dma_wait3A_36] : memref<2560x2x128xi32, #tpu.memory_space<hbm>> -> memref<1x2x128xi32, #tpu.memory_space<hbm>>
    %dma_wait3A_38 = tpu.memref_squeeze %dma_wait3A_37 : memref<1x2x128xi32, #tpu.memory_space<hbm>> -> memref<2x128xi32, #tpu.memory_space<hbm>>
    tpu.wait_dma2 semaphore(%arg13 : memref<!tpu.dma_semaphore, #tpu.memory_space<semaphore_mem>>) src(%dma_wait3A_38 : memref<2x128xi32, #tpu.memory_space<hbm>>) dst(%arg6 : memref<2x128xi32, #tpu.memory_space<vmem>>)
    %dma_start3A_39 = arith.constant 0 : i32
    %dma_start3A_40 = arith.constant 0 : i32
    %dma_start3A_41 = tpu.memref_slice %arg6[%dma_start3A_39, %dma_start3A_40] : memref<2x128xi32, #tpu.memory_space<vmem>> -> memref<1x128xi32, #tpu.memory_space<vmem>>
    %dma_start3A_42 = tpu.memref_squeeze %dma_start3A_41 : memref<1x128xi32, #tpu.memory_space<vmem>> -> memref<128xi32, #tpu.memory_space<vmem>>
    %dma_start3A_43 = arith.constant 0 : i32
    %dma_start3A_44 = arith.constant 0 : i32
    %dma_start3A_45 = tpu.memref_slice %arg2[%dma_start3A_43, %dma_start3A_44] : memref<10000x128xf32, #tpu.memory_space<hbm>> -> memref<10000x128xf32, #tpu.memory_space<hbm>>
    tpu.enqueue_indirect_dma source(%dma_start3A_45 : memref<10000x128xf32, #tpu.memory_space<hbm>>) target(%arg10 : memref<128x128xf32, #tpu.memory_space<vmem>>) offsets(%dma_start3A_42 : memref<128xi32, #tpu.memory_space<vmem>>) semaphore(%arg17 : memref<!tpu.dma_semaphore, #tpu.memory_space<semaphore_mem>>)
    %scan3A = arith.constant 0 : i32
    %scan3A_46 = arith.constant 0 : i32
    %scan3A_47 = arith.constant 20 : i32
    %scan3A_48 = arith.addi %scan3A_46, %scan3A_47 : i32
    %scan3A_49 = arith.constant 1 : i32
    scf.for %scan3A_75 = %scan3A_46 to %scan3A_48 step %scan3A_49  : i32 {
      %mul3A_76 = arith.constant 4 : i32
      %mul3A_77 = arith.muli %mul3A_76, %scan3A_75 : i32
      %add3A_78 = arith.constant 0 : i32
      %add3A_79 = arith.addi %mul3A_77, %add3A_78 : i32
      %add3A_80 = arith.addi %mul3A_14, %add3A_79 : i32
      %add3A_81 = arith.constant 2 : i32
      %add3A_82 = arith.addi %add3A_80, %add3A_81 : i32
      %dma_start3A_83 = arith.constant 0 : i32
      %dma_start3A_84 = arith.constant 0 : i32
      %dma_start3A_85 = tpu.memref_slice %arg3[%add3A_82, %dma_start3A_83, %dma_start3A_84] : memref<2560x2x128xi32, #tpu.memory_space<hbm>> -> memref<1x2x128xi32, #tpu.memory_space<hbm>>
      %dma_start3A_86 = tpu.memref_squeeze %dma_start3A_85 : memref<1x2x128xi32, #tpu.memory_space<hbm>> -> memref<2x128xi32, #tpu.memory_space<hbm>>
      %dma_start3A_87 = arith.constant 0 : i32
      %dma_start3A_88 = arith.constant 0 : i32
      %dma_start3A_89 = tpu.memref_slice %arg3[%add3A_82, %dma_start3A_87, %dma_start3A_88] : memref<2560x2x128xi32, #tpu.memory_space<hbm>> -> memref<1x2x128xi32, #tpu.memory_space<hbm>>
      %dma_start3A_90 = tpu.memref_squeeze %dma_start3A_89 : memref<1x2x128xi32, #tpu.memory_space<hbm>> -> memref<2x128xi32, #tpu.memory_space<hbm>>
      tpu.enqueue_dma source(%dma_start3A_90 : memref<2x128xi32, #tpu.memory_space<hbm>>) target(%arg8 : memref<2x128xi32, #tpu.memory_space<vmem>>) target_semaphore(%arg15 : memref<!tpu.dma_semaphore, #tpu.memory_space<semaphore_mem>>)
      %dma_wait3A_91 = arith.constant 0 : i32
      %dma_wait3A_92 = arith.constant 0 : i32
      %dma_wait3A_93 = tpu.memref_slice %arg3[%mul3A_14, %dma_wait3A_91, %dma_wait3A_92] : memref<2560x2x128xi32, #tpu.memory_space<hbm>> -> memref<1x2x128xi32, #tpu.memory_space<hbm>>
      %dma_wait3A_94 = tpu.memref_squeeze %dma_wait3A_93 : memref<1x2x128xi32, #tpu.memory_space<hbm>> -> memref<2x128xi32, #tpu.memory_space<hbm>>
      %dma_wait3A_95 = arith.constant 0 : i32
      %dma_wait3A_96 = arith.constant 0 : i32
      %dma_wait3A_97 = tpu.memref_slice %arg3[%mul3A_14, %dma_wait3A_95, %dma_wait3A_96] : memref<2560x2x128xi32, #tpu.memory_space<hbm>> -> memref<1x2x128xi32, #tpu.memory_space<hbm>>
      %dma_wait3A_98 = tpu.memref_squeeze %dma_wait3A_97 : memref<1x2x128xi32, #tpu.memory_space<hbm>> -> memref<2x128xi32, #tpu.memory_space<hbm>>
      tpu.wait_dma2 semaphore(%arg14 : memref<!tpu.dma_semaphore, #tpu.memory_space<semaphore_mem>>) src(%dma_wait3A_98 : memref<2x128xi32, #tpu.memory_space<hbm>>) dst(%arg7 : memref<2x128xi32, #tpu.memory_space<vmem>>)
      %dma_start3A_99 = arith.constant 0 : i32
      %dma_start3A_100 = arith.constant 0 : i32
      %dma_start3A_101 = tpu.memref_slice %arg7[%dma_start3A_99, %dma_start3A_100] : memref<2x128xi32, #tpu.memory_space<vmem>> -> memref<1x128xi32, #tpu.memory_space<vmem>>
      %dma_start3A_102 = tpu.memref_squeeze %dma_start3A_101 : memref<1x128xi32, #tpu.memory_space<vmem>> -> memref<128xi32, #tpu.memory_space<vmem>>
      %dma_start3A_103 = arith.constant 0 : i32
      %dma_start3A_104 = arith.constant 0 : i32
      %dma_start3A_105 = tpu.memref_slice %arg2[%dma_start3A_103, %dma_start3A_104] : memref<10000x128xf32, #tpu.memory_space<hbm>> -> memref<10000x128xf32, #tpu.memory_space<hbm>>
      tpu.enqueue_indirect_dma source(%dma_start3A_105 : memref<10000x128xf32, #tpu.memory_space<hbm>>) target(%arg11 : memref<128x128xf32, #tpu.memory_space<vmem>>) offsets(%dma_start3A_102 : memref<128xi32, #tpu.memory_space<vmem>>) semaphore(%arg18 : memref<!tpu.dma_semaphore, #tpu.memory_space<semaphore_mem>>)
      %dma_wait3A_106 = arith.constant 0 : i32
      %dma_wait3A_107 = arith.constant 0 : i32
      %dma_wait3A_108 = tpu.memref_slice %arg6[%dma_wait3A_106, %dma_wait3A_107] : memref<2x128xi32, #tpu.memory_space<vmem>> -> memref<1x128xi32, #tpu.memory_space<vmem>>
      %dma_wait3A_109 = tpu.memref_squeeze %dma_wait3A_108 : memref<1x128xi32, #tpu.memory_space<vmem>> -> memref<128xi32, #tpu.memory_space<vmem>>
      %dma_wait3A_110 = arith.constant 0 : i32
      %dma_wait3A_111 = arith.constant 0 : i32
      %dma_wait3A_112 = tpu.memref_slice %arg2[%dma_wait3A_110, %dma_wait3A_111] : memref<10000x128xf32, #tpu.memory_space<hbm>> -> memref<10000x128xf32, #tpu.memory_space<hbm>>
      tpu.wait_indirect_dma semaphore(%arg17 : memref<!tpu.dma_semaphore, #tpu.memory_space<semaphore_mem>>) src(%dma_wait3A_112 : memref<10000x128xf32, #tpu.memory_space<hbm>>) dst(%arg10 : memref<128x128xf32, #tpu.memory_space<vmem>>)
      %run_scoped3A = arith.constant 1 : i32
      "tpu.region"() ({
        %run_scoped3A_202 = tpu.sem_alloc : memref<!tpu.dma_semaphore, #tpu.memory_space<semaphore_mem>>
        %dma_start3A_203 = arith.constant 0 : i32
        %dma_start3A_204 = tpu.memref_slice %arg6[%run_scoped3A, %dma_start3A_203] : memref<2x128xi32, #tpu.memory_space<vmem>> -> memref<1x128xi32, #tpu.memory_space<vmem>>
        %dma_start3A_205 = tpu.memref_squeeze %dma_start3A_204 : memref<1x128xi32, #tpu.memory_space<vmem>> -> memref<128xi32, #tpu.memory_space<vmem>>
        %dma_start3A_206 = arith.constant 0 : i32
        %dma_start3A_207 = arith.constant 0 : i32
        %dma_start3A_208 = tpu.memref_slice %arg12[%dma_start3A_206, %dma_start3A_207] : memref<10240x128xf32, #tpu.memory_space<vmem_shared>> -> memref<10240x128xf32, #tpu.memory_space<vmem_shared>>
        tpu.enqueue_indirect_dma source(%arg10 : memref<128x128xf32, #tpu.memory_space<vmem>>) target(%dma_start3A_208 : memref<10240x128xf32, #tpu.memory_space<vmem_shared>>) offsets(%dma_start3A_205 : memref<128xi32, #tpu.memory_space<vmem>>) semaphore(%run_scoped3A_202 : memref<!tpu.dma_semaphore, #tpu.memory_space<semaphore_mem>>) {add = true}
        %dma_wait3A_209 = arith.constant 0 : i32
        %dma_wait3A_210 = tpu.memref_slice %arg6[%run_scoped3A, %dma_wait3A_209] : memref<2x128xi32, #tpu.memory_space<vmem>> -> memref<1x128xi32, #tpu.memory_space<vmem>>
        %dma_wait3A_211 = tpu.memref_squeeze %dma_wait3A_210 : memref<1x128xi32, #tpu.memory_space<vmem>> -> memref<128xi32, #tpu.memory_space<vmem>>
        %dma_wait3A_212 = arith.constant 0 : i32
        %dma_wait3A_213 = arith.constant 0 : i32
        %dma_wait3A_214 = tpu.memref_slice %arg12[%dma_wait3A_212, %dma_wait3A_213] : memref<10240x128xf32, #tpu.memory_space<vmem_shared>> -> memref<10240x128xf32, #tpu.memory_space<vmem_shared>>
        tpu.wait_indirect_dma semaphore(%run_scoped3A_202 : memref<!tpu.dma_semaphore, #tpu.memory_space<semaphore_mem>>) src(%arg10 : memref<128x128xf32, #tpu.memory_space<vmem>>) dst(%dma_wait3A_214 : memref<10240x128xf32, #tpu.memory_space<vmem_shared>>)
        tpu.yield
      }) : () -> ()
      %mul3A_113 = arith.constant 4 : i32
      %mul3A_114 = arith.muli %mul3A_113, %scan3A_75 : i32
      %add3A_115 = arith.constant 1 : i32
      %add3A_116 = arith.addi %mul3A_114, %add3A_115 : i32
      %add3A_117 = arith.addi %mul3A_14, %add3A_116 : i32
      %add3A_118 = arith.constant 2 : i32
      %add3A_119 = arith.addi %add3A_117, %add3A_118 : i32
      %dma_start3A_120 = arith.constant 0 : i32
      %dma_start3A_121 = arith.constant 0 : i32
      %dma_start3A_122 = tpu.memref_slice %arg3[%add3A_119, %dma_start3A_120, %dma_start3A_121] : memref<2560x2x128xi32, #tpu.memory_space<hbm>> -> memref<1x2x128xi32, #tpu.memory_space<hbm>>
      %dma_start3A_123 = tpu.memref_squeeze %dma_start3A_122 : memref<1x2x128xi32, #tpu.memory_space<hbm>> -> memref<2x128xi32, #tpu.memory_space<hbm>>
      %dma_start3A_124 = arith.constant 0 : i32
      %dma_start3A_125 = arith.constant 0 : i32
      %dma_start3A_126 = tpu.memref_slice %arg3[%add3A_119, %dma_start3A_124, %dma_start3A_125] : memref<2560x2x128xi32, #tpu.memory_space<hbm>> -> memref<1x2x128xi32, #tpu.memory_space<hbm>>
      %dma_start3A_127 = tpu.memref_squeeze %dma_start3A_126 : memref<1x2x128xi32, #tpu.memory_space<hbm>> -> memref<2x128xi32, #tpu.memory_space<hbm>>
      tpu.enqueue_dma source(%dma_start3A_127 : memref<2x128xi32, #tpu.memory_space<hbm>>) target(%arg9 : memref<2x128xi32, #tpu.memory_space<vmem>>) target_semaphore(%arg16 : memref<!tpu.dma_semaphore, #tpu.memory_space<semaphore_mem>>)
      %dma_wait3A_128 = arith.constant 0 : i32
      %dma_wait3A_129 = arith.constant 0 : i32
      %dma_wait3A_130 = tpu.memref_slice %arg3[%mul3A_14, %dma_wait3A_128, %dma_wait3A_129] : memref<2560x2x128xi32, #tpu.memory_space<hbm>> -> memref<1x2x128xi32, #tpu.memory_space<hbm>>
      %dma_wait3A_131 = tpu.memref_squeeze %dma_wait3A_130 : memref<1x2x128xi32, #tpu.memory_space<hbm>> -> memref<2x128xi32, #tpu.memory_space<hbm>>
      %dma_wait3A_132 = arith.constant 0 : i32
      %dma_wait3A_133 = arith.constant 0 : i32
      %dma_wait3A_134 = tpu.memref_slice %arg3[%mul3A_14, %dma_wait3A_132, %dma_wait3A_133] : memref<2560x2x128xi32, #tpu.memory_space<hbm>> -> memref<1x2x128xi32, #tpu.memory_space<hbm>>
      %dma_wait3A_135 = tpu.memref_squeeze %dma_wait3A_134 : memref<1x2x128xi32, #tpu.memory_space<hbm>> -> memref<2x128xi32, #tpu.memory_space<hbm>>
      tpu.wait_dma2 semaphore(%arg15 : memref<!tpu.dma_semaphore, #tpu.memory_space<semaphore_mem>>) src(%dma_wait3A_135 : memref<2x128xi32, #tpu.memory_space<hbm>>) dst(%arg8 : memref<2x128xi32, #tpu.memory_space<vmem>>)
      %dma_start3A_136 = arith.constant 0 : i32
      %dma_start3A_137 = arith.constant 0 : i32
      %dma_start3A_138 = tpu.memref_slice %arg8[%dma_start3A_136, %dma_start3A_137] : memref<2x128xi32, #tpu.memory_space<vmem>> -> memref<1x128xi32, #tpu.memory_space<vmem>>
      %dma_start3A_139 = tpu.memref_squeeze %dma_start3A_138 : memref<1x128xi32, #tpu.memory_space<vmem>> -> memref<128xi32, #tpu.memory_space<vmem>>
      %dma_start3A_140 = arith.constant 0 : i32
      %dma_start3A_141 = arith.constant 0 : i32
      %dma_start3A_142 = tpu.memref_slice %arg2[%dma_start3A_140, %dma_start3A_141] : memref<10000x128xf32, #tpu.memory_space<hbm>> -> memref<10000x128xf32, #tpu.memory_space<hbm>>
      tpu.enqueue_indirect_dma source(%dma_start3A_142 : memref<10000x128xf32, #tpu.memory_space<hbm>>) target(%arg10 : memref<128x128xf32, #tpu.memory_space<vmem>>) offsets(%dma_start3A_139 : memref<128xi32, #tpu.memory_space<vmem>>) semaphore(%arg17 : memref<!tpu.dma_semaphore, #tpu.memory_space<semaphore_mem>>)
      %dma_wait3A_143 = arith.constant 0 : i32
      %dma_wait3A_144 = arith.constant 0 : i32
      %dma_wait3A_145 = tpu.memref_slice %arg7[%dma_wait3A_143, %dma_wait3A_144] : memref<2x128xi32, #tpu.memory_space<vmem>> -> memref<1x128xi32, #tpu.memory_space<vmem>>
      %dma_wait3A_146 = tpu.memref_squeeze %dma_wait3A_145 : memref<1x128xi32, #tpu.memory_space<vmem>> -> memref<128xi32, #tpu.memory_space<vmem>>
      %dma_wait3A_147 = arith.constant 0 : i32
      %dma_wait3A_148 = arith.constant 0 : i32
      %dma_wait3A_149 = tpu.memref_slice %arg2[%dma_wait3A_147, %dma_wait3A_148] : memref<10000x128xf32, #tpu.memory_space<hbm>> -> memref<10000x128xf32, #tpu.memory_space<hbm>>
      tpu.wait_indirect_dma semaphore(%arg18 : memref<!tpu.dma_semaphore, #tpu.memory_space<semaphore_mem>>) src(%dma_wait3A_149 : memref<10000x128xf32, #tpu.memory_space<hbm>>) dst(%arg11 : memref<128x128xf32, #tpu.memory_space<vmem>>)
      %run_scoped3A_150 = arith.constant 1 : i32
      "tpu.region"() ({
        %run_scoped3A_202 = tpu.sem_alloc : memref<!tpu.dma_semaphore, #tpu.memory_space<semaphore_mem>>
        %dma_start3A_203 = arith.constant 0 : i32
        %dma_start3A_204 = tpu.memref_slice %arg7[%run_scoped3A_150, %dma_start3A_203] : memref<2x128xi32, #tpu.memory_space<vmem>> -> memref<1x128xi32, #tpu.memory_space<vmem>>
        %dma_start3A_205 = tpu.memref_squeeze %dma_start3A_204 : memref<1x128xi32, #tpu.memory_space<vmem>> -> memref<128xi32, #tpu.memory_space<vmem>>
        %dma_start3A_206 = arith.constant 0 : i32
        %dma_start3A_207 = arith.constant 0 : i32
        %dma_start3A_208 = tpu.memref_slice %arg12[%dma_start3A_206, %dma_start3A_207] : memref<10240x128xf32, #tpu.memory_space<vmem_shared>> -> memref<10240x128xf32, #tpu.memory_space<vmem_shared>>
        tpu.enqueue_indirect_dma source(%arg11 : memref<128x128xf32, #tpu.memory_space<vmem>>) target(%dma_start3A_208 : memref<10240x128xf32, #tpu.memory_space<vmem_shared>>) offsets(%dma_start3A_205 : memref<128xi32, #tpu.memory_space<vmem>>) semaphore(%run_scoped3A_202 : memref<!tpu.dma_semaphore, #tpu.memory_space<semaphore_mem>>) {add = true}
        %dma_wait3A_209 = arith.constant 0 : i32
        %dma_wait3A_210 = tpu.memref_slice %arg7[%run_scoped3A_150, %dma_wait3A_209] : memref<2x128xi32, #tpu.memory_space<vmem>> -> memref<1x128xi32, #tpu.memory_space<vmem>>
        %dma_wait3A_211 = tpu.memref_squeeze %dma_wait3A_210 : memref<1x128xi32, #tpu.memory_space<vmem>> -> memref<128xi32, #tpu.memory_space<vmem>>
        %dma_wait3A_212 = arith.constant 0 : i32
        %dma_wait3A_213 = arith.constant 0 : i32
        %dma_wait3A_214 = tpu.memref_slice %arg12[%dma_wait3A_212, %dma_wait3A_213] : memref<10240x128xf32, #tpu.memory_space<vmem_shared>> -> memref<10240x128xf32, #tpu.memory_space<vmem_shared>>
        tpu.wait_indirect_dma semaphore(%run_scoped3A_202 : memref<!tpu.dma_semaphore, #tpu.memory_space<semaphore_mem>>) src(%arg11 : memref<128x128xf32, #tpu.memory_space<vmem>>) dst(%dma_wait3A_214 : memref<10240x128xf32, #tpu.memory_space<vmem_shared>>)
        tpu.yield
      }) : () -> ()
      %mul3A_151 = arith.constant 4 : i32
      %mul3A_152 = arith.muli %mul3A_151, %scan3A_75 : i32
      %add3A_153 = arith.constant 2 : i32
      %add3A_154 = arith.addi %mul3A_152, %add3A_153 : i32
      %lt3A = arith.constant 19 : i32
      %lt3A_155 = arith.cmpi slt, %scan3A_75, %lt3A : i32
      %convert_element_type3A = arith.extui %lt3A_155 : i1 to i32
      %cond3A = arith.constant 0 : i32
      %cond3A_156 = arith.cmpi ne, %convert_element_type3A, %cond3A : i32
      scf.if %cond3A_156 {
        %add3A_202 = arith.addi %mul3A_14, %add3A_154 : i32
        %add3A_203 = arith.constant 2 : i32
        %add3A_204 = arith.addi %add3A_202, %add3A_203 : i32
        %dma_start3A_205 = arith.constant 0 : i32
        %dma_start3A_206 = arith.constant 0 : i32
        %dma_start3A_207 = tpu.memref_slice %arg3[%add3A_204, %dma_start3A_205, %dma_start3A_206] : memref<2560x2x128xi32, #tpu.memory_space<hbm>> -> memref<1x2x128xi32, #tpu.memory_space<hbm>>
        %dma_start3A_208 = tpu.memref_squeeze %dma_start3A_207 : memref<1x2x128xi32, #tpu.memory_space<hbm>> -> memref<2x128xi32, #tpu.memory_space<hbm>>
        %dma_start3A_209 = arith.constant 0 : i32
        %dma_start3A_210 = arith.constant 0 : i32
        %dma_start3A_211 = tpu.memref_slice %arg3[%add3A_204, %dma_start3A_209, %dma_start3A_210] : memref<2560x2x128xi32, #tpu.memory_space<hbm>> -> memref<1x2x128xi32, #tpu.memory_space<hbm>>
        %dma_start3A_212 = tpu.memref_squeeze %dma_start3A_211 : memref<1x2x128xi32, #tpu.memory_space<hbm>> -> memref<2x128xi32, #tpu.memory_space<hbm>>
        tpu.enqueue_dma source(%dma_start3A_212 : memref<2x128xi32, #tpu.memory_space<hbm>>) target(%arg6 : memref<2x128xi32, #tpu.memory_space<vmem>>) target_semaphore(%arg13 : memref<!tpu.dma_semaphore, #tpu.memory_space<semaphore_mem>>)
      } else {
      }
      %dma_wait3A_157 = arith.constant 0 : i32
      %dma_wait3A_158 = arith.constant 0 : i32
      %dma_wait3A_159 = tpu.memref_slice %arg3[%mul3A_14, %dma_wait3A_157, %dma_wait3A_158] : memref<2560x2x128xi32, #tpu.memory_space<hbm>> -> memref<1x2x128xi32, #tpu.memory_space<hbm>>
      %dma_wait3A_160 = tpu.memref_squeeze %dma_wait3A_159 : memref<1x2x128xi32, #tpu.memory_space<hbm>> -> memref<2x128xi32, #tpu.memory_space<hbm>>
      %dma_wait3A_161 = arith.constant 0 : i32
      %dma_wait3A_162 = arith.constant 0 : i32
      %dma_wait3A_163 = tpu.memref_slice %arg3[%mul3A_14, %dma_wait3A_161, %dma_wait3A_162] : memref<2560x2x128xi32, #tpu.memory_space<hbm>> -> memref<1x2x128xi32, #tpu.memory_space<hbm>>
      %dma_wait3A_164 = tpu.memref_squeeze %dma_wait3A_163 : memref<1x2x128xi32, #tpu.memory_space<hbm>> -> memref<2x128xi32, #tpu.memory_space<hbm>>
      tpu.wait_dma2 semaphore(%arg16 : memref<!tpu.dma_semaphore, #tpu.memory_space<semaphore_mem>>) src(%dma_wait3A_164 : memref<2x128xi32, #tpu.memory_space<hbm>>) dst(%arg9 : memref<2x128xi32, #tpu.memory_space<vmem>>)
      %dma_start3A_165 = arith.constant 0 : i32
      %dma_start3A_166 = arith.constant 0 : i32
      %dma_start3A_167 = tpu.memref_slice %arg9[%dma_start3A_165, %dma_start3A_166] : memref<2x128xi32, #tpu.memory_space<vmem>> -> memref<1x128xi32, #tpu.memory_space<vmem>>
      %dma_start3A_168 = tpu.memref_squeeze %dma_start3A_167 : memref<1x128xi32, #tpu.memory_space<vmem>> -> memref<128xi32, #tpu.memory_space<vmem>>
      %dma_start3A_169 = arith.constant 0 : i32
      %dma_start3A_170 = arith.constant 0 : i32
      %dma_start3A_171 = tpu.memref_slice %arg2[%dma_start3A_169, %dma_start3A_170] : memref<10000x128xf32, #tpu.memory_space<hbm>> -> memref<10000x128xf32, #tpu.memory_space<hbm>>
      tpu.enqueue_indirect_dma source(%dma_start3A_171 : memref<10000x128xf32, #tpu.memory_space<hbm>>) target(%arg11 : memref<128x128xf32, #tpu.memory_space<vmem>>) offsets(%dma_start3A_168 : memref<128xi32, #tpu.memory_space<vmem>>) semaphore(%arg18 : memref<!tpu.dma_semaphore, #tpu.memory_space<semaphore_mem>>)
      %dma_wait3A_172 = arith.constant 0 : i32
      %dma_wait3A_173 = arith.constant 0 : i32
      %dma_wait3A_174 = tpu.memref_slice %arg8[%dma_wait3A_172, %dma_wait3A_173] : memref<2x128xi32, #tpu.memory_space<vmem>> -> memref<1x128xi32, #tpu.memory_space<vmem>>
      %dma_wait3A_175 = tpu.memref_squeeze %dma_wait3A_174 : memref<1x128xi32, #tpu.memory_space<vmem>> -> memref<128xi32, #tpu.memory_space<vmem>>
      %dma_wait3A_176 = arith.constant 0 : i32
      %dma_wait3A_177 = arith.constant 0 : i32
      %dma_wait3A_178 = tpu.memref_slice %arg2[%dma_wait3A_176, %dma_wait3A_177] : memref<10000x128xf32, #tpu.memory_space<hbm>> -> memref<10000x128xf32, #tpu.memory_space<hbm>>
      tpu.wait_indirect_dma semaphore(%arg17 : memref<!tpu.dma_semaphore, #tpu.memory_space<semaphore_mem>>) src(%dma_wait3A_178 : memref<10000x128xf32, #tpu.memory_space<hbm>>) dst(%arg10 : memref<128x128xf32, #tpu.memory_space<vmem>>)
      %run_scoped3A_179 = arith.constant 1 : i32
      "tpu.region"() ({
        %run_scoped3A_202 = tpu.sem_alloc : memref<!tpu.dma_semaphore, #tpu.memory_space<semaphore_mem>>
        %dma_start3A_203 = arith.constant 0 : i32
        %dma_start3A_204 = tpu.memref_slice %arg8[%run_scoped3A_179, %dma_start3A_203] : memref<2x128xi32, #tpu.memory_space<vmem>> -> memref<1x128xi32, #tpu.memory_space<vmem>>
        %dma_start3A_205 = tpu.memref_squeeze %dma_start3A_204 : memref<1x128xi32, #tpu.memory_space<vmem>> -> memref<128xi32, #tpu.memory_space<vmem>>
        %dma_start3A_206 = arith.constant 0 : i32
        %dma_start3A_207 = arith.constant 0 : i32
        %dma_start3A_208 = tpu.memref_slice %arg12[%dma_start3A_206, %dma_start3A_207] : memref<10240x128xf32, #tpu.memory_space<vmem_shared>> -> memref<10240x128xf32, #tpu.memory_space<vmem_shared>>
        tpu.enqueue_indirect_dma source(%arg10 : memref<128x128xf32, #tpu.memory_space<vmem>>) target(%dma_start3A_208 : memref<10240x128xf32, #tpu.memory_space<vmem_shared>>) offsets(%dma_start3A_205 : memref<128xi32, #tpu.memory_space<vmem>>) semaphore(%run_scoped3A_202 : memref<!tpu.dma_semaphore, #tpu.memory_space<semaphore_mem>>) {add = true}
        %dma_wait3A_209 = arith.constant 0 : i32
        %dma_wait3A_210 = tpu.memref_slice %arg8[%run_scoped3A_179, %dma_wait3A_209] : memref<2x128xi32, #tpu.memory_space<vmem>> -> memref<1x128xi32, #tpu.memory_space<vmem>>
        %dma_wait3A_211 = tpu.memref_squeeze %dma_wait3A_210 : memref<1x128xi32, #tpu.memory_space<vmem>> -> memref<128xi32, #tpu.memory_space<vmem>>
        %dma_wait3A_212 = arith.constant 0 : i32
        %dma_wait3A_213 = arith.constant 0 : i32
        %dma_wait3A_214 = tpu.memref_slice %arg12[%dma_wait3A_212, %dma_wait3A_213] : memref<10240x128xf32, #tpu.memory_space<vmem_shared>> -> memref<10240x128xf32, #tpu.memory_space<vmem_shared>>
        tpu.wait_indirect_dma semaphore(%run_scoped3A_202 : memref<!tpu.dma_semaphore, #tpu.memory_space<semaphore_mem>>) src(%arg10 : memref<128x128xf32, #tpu.memory_space<vmem>>) dst(%dma_wait3A_214 : memref<10240x128xf32, #tpu.memory_space<vmem_shared>>)
        tpu.yield
      }) : () -> ()
      %mul3A_180 = arith.constant 4 : i32
      %mul3A_181 = arith.muli %mul3A_180, %scan3A_75 : i32
      %add3A_182 = arith.constant 3 : i32
      %add3A_183 = arith.addi %mul3A_181, %add3A_182 : i32
      %lt3A_184 = arith.constant 19 : i32
      %lt3A_185 = arith.cmpi slt, %scan3A_75, %lt3A_184 : i32
      %convert_element_type3A_186 = arith.extui %lt3A_185 : i1 to i32
      %cond3A_187 = arith.constant 0 : i32
      %cond3A_188 = arith.cmpi ne, %convert_element_type3A_186, %cond3A_187 : i32
      scf.if %cond3A_188 {
        %add3A_202 = arith.addi %mul3A_14, %add3A_183 : i32
        %add3A_203 = arith.constant 2 : i32
        %add3A_204 = arith.addi %add3A_202, %add3A_203 : i32
        %dma_start3A_205 = arith.constant 0 : i32
        %dma_start3A_206 = arith.constant 0 : i32
        %dma_start3A_207 = tpu.memref_slice %arg3[%add3A_204, %dma_start3A_205, %dma_start3A_206] : memref<2560x2x128xi32, #tpu.memory_space<hbm>> -> memref<1x2x128xi32, #tpu.memory_space<hbm>>
        %dma_start3A_208 = tpu.memref_squeeze %dma_start3A_207 : memref<1x2x128xi32, #tpu.memory_space<hbm>> -> memref<2x128xi32, #tpu.memory_space<hbm>>
        %dma_start3A_209 = arith.constant 0 : i32
        %dma_start3A_210 = arith.constant 0 : i32
        %dma_start3A_211 = tpu.memref_slice %arg3[%add3A_204, %dma_start3A_209, %dma_start3A_210] : memref<2560x2x128xi32, #tpu.memory_space<hbm>> -> memref<1x2x128xi32, #tpu.memory_space<hbm>>
        %dma_start3A_212 = tpu.memref_squeeze %dma_start3A_211 : memref<1x2x128xi32, #tpu.memory_space<hbm>> -> memref<2x128xi32, #tpu.memory_space<hbm>>
        tpu.enqueue_dma source(%dma_start3A_212 : memref<2x128xi32, #tpu.memory_space<hbm>>) target(%arg7 : memref<2x128xi32, #tpu.memory_space<vmem>>) target_semaphore(%arg14 : memref<!tpu.dma_semaphore, #tpu.memory_space<semaphore_mem>>)
      } else {
      }
      %lt3A_189 = arith.constant 19 : i32
      %lt3A_190 = arith.cmpi slt, %scan3A_75, %lt3A_189 : i32
      %convert_element_type3A_191 = arith.extui %lt3A_190 : i1 to i32
      %cond3A_192 = arith.constant 0 : i32
      %cond3A_193 = arith.cmpi ne, %convert_element_type3A_191, %cond3A_192 : i32
      scf.if %cond3A_193 {
        %dma_wait3A_202 = arith.constant 0 : i32
        %dma_wait3A_203 = arith.constant 0 : i32
        %dma_wait3A_204 = tpu.memref_slice %arg3[%mul3A_14, %dma_wait3A_202, %dma_wait3A_203] : memref<2560x2x128xi32, #tpu.memory_space<hbm>> -> memref<1x2x128xi32, #tpu.memory_space<hbm>>
        %dma_wait3A_205 = tpu.memref_squeeze %dma_wait3A_204 : memref<1x2x128xi32, #tpu.memory_space<hbm>> -> memref<2x128xi32, #tpu.memory_space<hbm>>
        %dma_wait3A_206 = arith.constant 0 : i32
        %dma_wait3A_207 = arith.constant 0 : i32
        %dma_wait3A_208 = tpu.memref_slice %arg3[%mul3A_14, %dma_wait3A_206, %dma_wait3A_207] : memref<2560x2x128xi32, #tpu.memory_space<hbm>> -> memref<1x2x128xi32, #tpu.memory_space<hbm>>
        %dma_wait3A_209 = tpu.memref_squeeze %dma_wait3A_208 : memref<1x2x128xi32, #tpu.memory_space<hbm>> -> memref<2x128xi32, #tpu.memory_space<hbm>>
        tpu.wait_dma2 semaphore(%arg13 : memref<!tpu.dma_semaphore, #tpu.memory_space<semaphore_mem>>) src(%dma_wait3A_209 : memref<2x128xi32, #tpu.memory_space<hbm>>) dst(%arg6 : memref<2x128xi32, #tpu.memory_space<vmem>>)
        %dma_start3A_210 = arith.constant 0 : i32
        %dma_start3A_211 = arith.constant 0 : i32
        %dma_start3A_212 = tpu.memref_slice %arg6[%dma_start3A_210, %dma_start3A_211] : memref<2x128xi32, #tpu.memory_space<vmem>> -> memref<1x128xi32, #tpu.memory_space<vmem>>
        %dma_start3A_213 = tpu.memref_squeeze %dma_start3A_212 : memref<1x128xi32, #tpu.memory_space<vmem>> -> memref<128xi32, #tpu.memory_space<vmem>>
        %dma_start3A_214 = arith.constant 0 : i32
        %dma_start3A_215 = arith.constant 0 : i32
        %dma_start3A_216 = tpu.memref_slice %arg2[%dma_start3A_214, %dma_start3A_215] : memref<10000x128xf32, #tpu.memory_space<hbm>> -> memref<10000x128xf32, #tpu.memory_space<hbm>>
        tpu.enqueue_indirect_dma source(%dma_start3A_216 : memref<10000x128xf32, #tpu.memory_space<hbm>>) target(%arg10 : memref<128x128xf32, #tpu.memory_space<vmem>>) offsets(%dma_start3A_213 : memref<128xi32, #tpu.memory_space<vmem>>) semaphore(%arg17 : memref<!tpu.dma_semaphore, #tpu.memory_space<semaphore_mem>>)
      } else {
      }
      %dma_wait3A_194 = arith.constant 0 : i32
      %dma_wait3A_195 = arith.constant 0 : i32
      %dma_wait3A_196 = tpu.memref_slice %arg9[%dma_wait3A_194, %dma_wait3A_195] : memref<2x128xi32, #tpu.memory_space<vmem>> -> memref<1x128xi32, #tpu.memory_space<vmem>>
      %dma_wait3A_197 = tpu.memref_squeeze %dma_wait3A_196 : memref<1x128xi32, #tpu.memory_space<vmem>> -> memref<128xi32, #tpu.memory_space<vmem>>
      %dma_wait3A_198 = arith.constant 0 : i32
      %dma_wait3A_199 = arith.constant 0 : i32
      %dma_wait3A_200 = tpu.memref_slice %arg2[%dma_wait3A_198, %dma_wait3A_199] : memref<10000x128xf32, #tpu.memory_space<hbm>> -> memref<10000x128xf32, #tpu.memory_space<hbm>>
      tpu.wait_indirect_dma semaphore(%arg18 : memref<!tpu.dma_semaphore, #tpu.memory_space<semaphore_mem>>) src(%dma_wait3A_200 : memref<10000x128xf32, #tpu.memory_space<hbm>>) dst(%arg11 : memref<128x128xf32, #tpu.memory_space<vmem>>)
      %run_scoped3A_201 = arith.constant 1 : i32
      "tpu.region"() ({
        %run_scoped3A_202 = tpu.sem_alloc : memref<!tpu.dma_semaphore, #tpu.memory_space<semaphore_mem>>
        %dma_start3A_203 = arith.constant 0 : i32
        %dma_start3A_204 = tpu.memref_slice %arg9[%run_scoped3A_201, %dma_start3A_203] : memref<2x128xi32, #tpu.memory_space<vmem>> -> memref<1x128xi32, #tpu.memory_space<vmem>>
        %dma_start3A_205 = tpu.memref_squeeze %dma_start3A_204 : memref<1x128xi32, #tpu.memory_space<vmem>> -> memref<128xi32, #tpu.memory_space<vmem>>
        %dma_start3A_206 = arith.constant 0 : i32
        %dma_start3A_207 = arith.constant 0 : i32
        %dma_start3A_208 = tpu.memref_slice %arg12[%dma_start3A_206, %dma_start3A_207] : memref<10240x128xf32, #tpu.memory_space<vmem_shared>> -> memref<10240x128xf32, #tpu.memory_space<vmem_shared>>
        tpu.enqueue_indirect_dma source(%arg11 : memref<128x128xf32, #tpu.memory_space<vmem>>) target(%dma_start3A_208 : memref<10240x128xf32, #tpu.memory_space<vmem_shared>>) offsets(%dma_start3A_205 : memref<128xi32, #tpu.memory_space<vmem>>) semaphore(%run_scoped3A_202 : memref<!tpu.dma_semaphore, #tpu.memory_space<semaphore_mem>>) {add = true}
        %dma_wait3A_209 = arith.constant 0 : i32
        %dma_wait3A_210 = tpu.memref_slice %arg9[%run_scoped3A_201, %dma_wait3A_209] : memref<2x128xi32, #tpu.memory_space<vmem>> -> memref<1x128xi32, #tpu.memory_space<vmem>>
        %dma_wait3A_211 = tpu.memref_squeeze %dma_wait3A_210 : memref<1x128xi32, #tpu.memory_space<vmem>> -> memref<128xi32, #tpu.memory_space<vmem>>
        %dma_wait3A_212 = arith.constant 0 : i32
        %dma_wait3A_213 = arith.constant 0 : i32
        %dma_wait3A_214 = tpu.memref_slice %arg12[%dma_wait3A_212, %dma_wait3A_213] : memref<10240x128xf32, #tpu.memory_space<vmem_shared>> -> memref<10240x128xf32, #tpu.memory_space<vmem_shared>>
        tpu.wait_indirect_dma semaphore(%run_scoped3A_202 : memref<!tpu.dma_semaphore, #tpu.memory_space<semaphore_mem>>) src(%arg11 : memref<128x128xf32, #tpu.memory_space<vmem>>) dst(%dma_wait3A_214 : memref<10240x128xf32, #tpu.memory_space<vmem_shared>>)
        tpu.yield
      }) : () -> ()
    }
    %scan3A_50 = arith.constant 20 : i32
    %barrier3A_51 = arith.constant 0 : index
    tpu.barrier barrier_id(%barrier3A_51)
    %mul3A_52 = arith.constant 10240 : i32
    %mul3A_53 = arith.muli %arg0, %mul3A_52 : i32
    %add3A_54 = arith.addi %mul3A_53, %mul3A_0 : i32
    %add3A_55 = arith.constant 0 : i32
    %add3A_56 = arith.addi %mul3A_0, %add3A_55 : i32
    "tpu.region"() ({
      %run_scoped3A = tpu.sem_alloc : memref<!tpu.dma_semaphore, #tpu.memory_space<semaphore_mem>>
      %dma_start3A_75 = arith.constant 0 : i32
      %dma_start3A_76 = tpu.memref_slice %arg12[%add3A_56, %dma_start3A_75] : memref<10240x128xf32, #tpu.memory_space<vmem_shared>> -> memref<128x128xf32, #tpu.memory_space<vmem_shared>>
      %dma_start3A_77 = arith.constant 0 : i32
      %dma_start3A_78 = tpu.memref_slice %arg12[%add3A_56, %dma_start3A_77] : memref<10240x128xf32, #tpu.memory_space<vmem_shared>> -> memref<128x128xf32, #tpu.memory_space<vmem_shared>>
      tpu.enqueue_dma source(%dma_start3A_78 : memref<128x128xf32, #tpu.memory_space<vmem_shared>>) target(%arg10 : memref<128x128xf32, #tpu.memory_space<vmem>>) target_semaphore(%run_scoped3A : memref<!tpu.dma_semaphore, #tpu.memory_space<semaphore_mem>>)
      %dma_wait3A_79 = arith.constant 0 : i32
      %dma_wait3A_80 = tpu.memref_slice %arg12[%add3A_56, %dma_wait3A_79] : memref<10240x128xf32, #tpu.memory_space<vmem_shared>> -> memref<128x128xf32, #tpu.memory_space<vmem_shared>>
      %dma_wait3A_81 = arith.constant 0 : i32
      %dma_wait3A_82 = tpu.memref_slice %arg12[%add3A_56, %dma_wait3A_81] : memref<10240x128xf32, #tpu.memory_space<vmem_shared>> -> memref<128x128xf32, #tpu.memory_space<vmem_shared>>
      tpu.wait_dma2 semaphore(%run_scoped3A : memref<!tpu.dma_semaphore, #tpu.memory_space<semaphore_mem>>) src(%dma_wait3A_82 : memref<128x128xf32, #tpu.memory_space<vmem_shared>>) dst(%arg10 : memref<128x128xf32, #tpu.memory_space<vmem>>)
      tpu.yield
    }) : () -> ()
    %add3A_57 = arith.constant 0 : i32
    %add3A_58 = arith.addi %add3A_54, %add3A_57 : i32
    "tpu.region"() ({
      %run_scoped3A = tpu.sem_alloc : memref<!tpu.dma_semaphore, #tpu.memory_space<semaphore_mem>>
      %dma_start3A_75 = arith.constant 0 : i32
      %dma_start3A_76 = tpu.memref_slice %arg5[%add3A_58, %dma_start3A_75] : memref<20480x128xf32, #tpu.memory_space<hbm>> -> memref<128x128xf32, #tpu.memory_space<hbm>>
      %dma_start3A_77 = arith.constant 0 : i32
      %dma_start3A_78 = tpu.memref_slice %arg5[%add3A_58, %dma_start3A_77] : memref<20480x128xf32, #tpu.memory_space<hbm>> -> memref<128x128xf32, #tpu.memory_space<hbm>>
      tpu.enqueue_dma source(%arg10 : memref<128x128xf32, #tpu.memory_space<vmem>>) target(%dma_start3A_78 : memref<128x128xf32, #tpu.memory_space<hbm>>) target_semaphore(%run_scoped3A : memref<!tpu.dma_semaphore, #tpu.memory_space<semaphore_mem>>)
      %dma_wait3A_79 = arith.constant 0 : i32
      %dma_wait3A_80 = tpu.memref_slice %arg5[%add3A_58, %dma_wait3A_79] : memref<20480x128xf32, #tpu.memory_space<hbm>> -> memref<128x128xf32, #tpu.memory_space<hbm>>
      %dma_wait3A_81 = arith.constant 0 : i32
      %dma_wait3A_82 = tpu.memref_slice %arg5[%add3A_58, %dma_wait3A_81] : memref<20480x128xf32, #tpu.memory_space<hbm>> -> memref<128x128xf32, #tpu.memory_space<hbm>>
      tpu.wait_dma2 semaphore(%run_scoped3A : memref<!tpu.dma_semaphore, #tpu.memory_space<semaphore_mem>>) src(%arg10 : memref<128x128xf32, #tpu.memory_space<vmem>>) dst(%dma_wait3A_82 : memref<128x128xf32, #tpu.memory_space<hbm>>)
      tpu.yield
    }) : () -> ()
    %add3A_59 = arith.constant 128 : i32
    %add3A_60 = arith.addi %mul3A_0, %add3A_59 : i32
    "tpu.region"() ({
      %run_scoped3A = tpu.sem_alloc : memref<!tpu.dma_semaphore, #tpu.memory_space<semaphore_mem>>
      %dma_start3A_75 = arith.constant 0 : i32
      %dma_start3A_76 = tpu.memref_slice %arg12[%add3A_60, %dma_start3A_75] : memref<10240x128xf32, #tpu.memory_space<vmem_shared>> -> memref<128x128xf32, #tpu.memory_space<vmem_shared>>
      %dma_start3A_77 = arith.constant 0 : i32
      %dma_start3A_78 = tpu.memref_slice %arg12[%add3A_60, %dma_start3A_77] : memref<10240x128xf32, #tpu.memory_space<vmem_shared>> -> memref<128x128xf32, #tpu.memory_space<vmem_shared>>
      tpu.enqueue_dma source(%dma_start3A_78 : memref<128x128xf32, #tpu.memory_space<vmem_shared>>) target(%arg10 : memref<128x128xf32, #tpu.memory_space<vmem>>) target_semaphore(%run_scoped3A : memref<!tpu.dma_semaphore, #tpu.memory_space<semaphore_mem>>)
      %dma_wait3A_79 = arith.constant 0 : i32
      %dma_wait3A_80 = tpu.memref_slice %arg12[%add3A_60, %dma_wait3A_79] : memref<10240x128xf32, #tpu.memory_space<vmem_shared>> -> memref<128x128xf32, #tpu.memory_space<vmem_shared>>
      %dma_wait3A_81 = arith.constant 0 : i32
      %dma_wait3A_82 = tpu.memref_slice %arg12[%add3A_60, %dma_wait3A_81] : memref<10240x128xf32, #tpu.memory_space<vmem_shared>> -> memref<128x128xf32, #tpu.memory_space<vmem_shared>>
      tpu.wait_dma2 semaphore(%run_scoped3A : memref<!tpu.dma_semaphore, #tpu.memory_space<semaphore_mem>>) src(%dma_wait3A_82 : memref<128x128xf32, #tpu.memory_space<vmem_shared>>) dst(%arg10 : memref<128x128xf32, #tpu.memory_space<vmem>>)
      tpu.yield
    }) : () -> ()
    %add3A_61 = arith.constant 128 : i32
    %add3A_62 = arith.addi %add3A_54, %add3A_61 : i32
    "tpu.region"() ({
      %run_scoped3A = tpu.sem_alloc : memref<!tpu.dma_semaphore, #tpu.memory_space<semaphore_mem>>
      %dma_start3A_75 = arith.constant 0 : i32
      %dma_start3A_76 = tpu.memref_slice %arg5[%add3A_62, %dma_start3A_75] : memref<20480x128xf32, #tpu.memory_space<hbm>> -> memref<128x128xf32, #tpu.memory_space<hbm>>
      %dma_start3A_77 = arith.constant 0 : i32
      %dma_start3A_78 = tpu.memref_slice %arg5[%add3A_62, %dma_start3A_77] : memref<20480x128xf32, #tpu.memory_space<hbm>> -> memref<128x128xf32, #tpu.memory_space<hbm>>
      tpu.enqueue_dma source(%arg10 : memref<128x128xf32, #tpu.memory_space<vmem>>) target(%dma_start3A_78 : memref<128x128xf32, #tpu.memory_space<hbm>>) target_semaphore(%run_scoped3A : memref<!tpu.dma_semaphore, #tpu.memory_space<semaphore_mem>>)
      %dma_wait3A_79 = arith.constant 0 : i32
      %dma_wait3A_80 = tpu.memref_slice %arg5[%add3A_62, %dma_wait3A_79] : memref<20480x128xf32, #tpu.memory_space<hbm>> -> memref<128x128xf32, #tpu.memory_space<hbm>>
      %dma_wait3A_81 = arith.constant 0 : i32
      %dma_wait3A_82 = tpu.memref_slice %arg5[%add3A_62, %dma_wait3A_81] : memref<20480x128xf32, #tpu.memory_space<hbm>> -> memref<128x128xf32, #tpu.memory_space<hbm>>
      tpu.wait_dma2 semaphore(%run_scoped3A : memref<!tpu.dma_semaphore, #tpu.memory_space<semaphore_mem>>) src(%arg10 : memref<128x128xf32, #tpu.memory_space<vmem>>) dst(%dma_wait3A_82 : memref<128x128xf32, #tpu.memory_space<hbm>>)
      tpu.yield
    }) : () -> ()
    %add3A_63 = arith.constant 256 : i32
    %add3A_64 = arith.addi %mul3A_0, %add3A_63 : i32
    "tpu.region"() ({
      %run_scoped3A = tpu.sem_alloc : memref<!tpu.dma_semaphore, #tpu.memory_space<semaphore_mem>>
      %dma_start3A_75 = arith.constant 0 : i32
      %dma_start3A_76 = tpu.memref_slice %arg12[%add3A_64, %dma_start3A_75] : memref<10240x128xf32, #tpu.memory_space<vmem_shared>> -> memref<128x128xf32, #tpu.memory_space<vmem_shared>>
      %dma_start3A_77 = arith.constant 0 : i32
      %dma_start3A_78 = tpu.memref_slice %arg12[%add3A_64, %dma_start3A_77] : memref<10240x128xf32, #tpu.memory_space<vmem_shared>> -> memref<128x128xf32, #tpu.memory_space<vmem_shared>>
      tpu.enqueue_dma source(%dma_start3A_78 : memref<128x128xf32, #tpu.memory_space<vmem_shared>>) target(%arg10 : memref<128x128xf32, #tpu.memory_space<vmem>>) target_semaphore(%run_scoped3A : memref<!tpu.dma_semaphore, #tpu.memory_space<semaphore_mem>>)
      %dma_wait3A_79 = arith.constant 0 : i32
      %dma_wait3A_80 = tpu.memref_slice %arg12[%add3A_64, %dma_wait3A_79] : memref<10240x128xf32, #tpu.memory_space<vmem_shared>> -> memref<128x128xf32, #tpu.memory_space<vmem_shared>>
      %dma_wait3A_81 = arith.constant 0 : i32
      %dma_wait3A_82 = tpu.memref_slice %arg12[%add3A_64, %dma_wait3A_81] : memref<10240x128xf32, #tpu.memory_space<vmem_shared>> -> memref<128x128xf32, #tpu.memory_space<vmem_shared>>
      tpu.wait_dma2 semaphore(%run_scoped3A : memref<!tpu.dma_semaphore, #tpu.memory_space<semaphore_mem>>) src(%dma_wait3A_82 : memref<128x128xf32, #tpu.memory_space<vmem_shared>>) dst(%arg10 : memref<128x128xf32, #tpu.memory_space<vmem>>)
      tpu.yield
    }) : () -> ()
    %add3A_65 = arith.constant 256 : i32
    %add3A_66 = arith.addi %add3A_54, %add3A_65 : i32
    "tpu.region"() ({
      %run_scoped3A = tpu.sem_alloc : memref<!tpu.dma_semaphore, #tpu.memory_space<semaphore_mem>>
      %dma_start3A_75 = arith.constant 0 : i32
      %dma_start3A_76 = tpu.memref_slice %arg5[%add3A_66, %dma_start3A_75] : memref<20480x128xf32, #tpu.memory_space<hbm>> -> memref<128x128xf32, #tpu.memory_space<hbm>>
      %dma_start3A_77 = arith.constant 0 : i32
      %dma_start3A_78 = tpu.memref_slice %arg5[%add3A_66, %dma_start3A_77] : memref<20480x128xf32, #tpu.memory_space<hbm>> -> memref<128x128xf32, #tpu.memory_space<hbm>>
      tpu.enqueue_dma source(%arg10 : memref<128x128xf32, #tpu.memory_space<vmem>>) target(%dma_start3A_78 : memref<128x128xf32, #tpu.memory_space<hbm>>) target_semaphore(%run_scoped3A : memref<!tpu.dma_semaphore, #tpu.memory_space<semaphore_mem>>)
      %dma_wait3A_79 = arith.constant 0 : i32
      %dma_wait3A_80 = tpu.memref_slice %arg5[%add3A_66, %dma_wait3A_79] : memref<20480x128xf32, #tpu.memory_space<hbm>> -> memref<128x128xf32, #tpu.memory_space<hbm>>
      %dma_wait3A_81 = arith.constant 0 : i32
      %dma_wait3A_82 = tpu.memref_slice %arg5[%add3A_66, %dma_wait3A_81] : memref<20480x128xf32, #tpu.memory_space<hbm>> -> memref<128x128xf32, #tpu.memory_space<hbm>>
      tpu.wait_dma2 semaphore(%run_scoped3A : memref<!tpu.dma_semaphore, #tpu.memory_space<semaphore_mem>>) src(%arg10 : memref<128x128xf32, #tpu.memory_space<vmem>>) dst(%dma_wait3A_82 : memref<128x128xf32, #tpu.memory_space<hbm>>)
      tpu.yield
    }) : () -> ()
    %add3A_67 = arith.constant 384 : i32
    %add3A_68 = arith.addi %mul3A_0, %add3A_67 : i32
    "tpu.region"() ({
      %run_scoped3A = tpu.sem_alloc : memref<!tpu.dma_semaphore, #tpu.memory_space<semaphore_mem>>
      %dma_start3A_75 = arith.constant 0 : i32
      %dma_start3A_76 = tpu.memref_slice %arg12[%add3A_68, %dma_start3A_75] : memref<10240x128xf32, #tpu.memory_space<vmem_shared>> -> memref<128x128xf32, #tpu.memory_space<vmem_shared>>
      %dma_start3A_77 = arith.constant 0 : i32
      %dma_start3A_78 = tpu.memref_slice %arg12[%add3A_68, %dma_start3A_77] : memref<10240x128xf32, #tpu.memory_space<vmem_shared>> -> memref<128x128xf32, #tpu.memory_space<vmem_shared>>
      tpu.enqueue_dma source(%dma_start3A_78 : memref<128x128xf32, #tpu.memory_space<vmem_shared>>) target(%arg10 : memref<128x128xf32, #tpu.memory_space<vmem>>) target_semaphore(%run_scoped3A : memref<!tpu.dma_semaphore, #tpu.memory_space<semaphore_mem>>)
      %dma_wait3A_79 = arith.constant 0 : i32
      %dma_wait3A_80 = tpu.memref_slice %arg12[%add3A_68, %dma_wait3A_79] : memref<10240x128xf32, #tpu.memory_space<vmem_shared>> -> memref<128x128xf32, #tpu.memory_space<vmem_shared>>
      %dma_wait3A_81 = arith.constant 0 : i32
      %dma_wait3A_82 = tpu.memref_slice %arg12[%add3A_68, %dma_wait3A_81] : memref<10240x128xf32, #tpu.memory_space<vmem_shared>> -> memref<128x128xf32, #tpu.memory_space<vmem_shared>>
      tpu.wait_dma2 semaphore(%run_scoped3A : memref<!tpu.dma_semaphore, #tpu.memory_space<semaphore_mem>>) src(%dma_wait3A_82 : memref<128x128xf32, #tpu.memory_space<vmem_shared>>) dst(%arg10 : memref<128x128xf32, #tpu.memory_space<vmem>>)
      tpu.yield
    }) : () -> ()
    %add3A_69 = arith.constant 384 : i32
    %add3A_70 = arith.addi %add3A_54, %add3A_69 : i32
    "tpu.region"() ({
      %run_scoped3A = tpu.sem_alloc : memref<!tpu.dma_semaphore, #tpu.memory_space<semaphore_mem>>
      %dma_start3A_75 = arith.constant 0 : i32
      %dma_start3A_76 = tpu.memref_slice %arg5[%add3A_70, %dma_start3A_75] : memref<20480x128xf32, #tpu.memory_space<hbm>> -> memref<128x128xf32, #tpu.memory_space<hbm>>
      %dma_start3A_77 = arith.constant 0 : i32
      %dma_start3A_78 = tpu.memref_slice %arg5[%add3A_70, %dma_start3A_77] : memref<20480x128xf32, #tpu.memory_space<hbm>> -> memref<128x128xf32, #tpu.memory_space<hbm>>
      tpu.enqueue_dma source(%arg10 : memref<128x128xf32, #tpu.memory_space<vmem>>) target(%dma_start3A_78 : memref<128x128xf32, #tpu.memory_space<hbm>>) target_semaphore(%run_scoped3A : memref<!tpu.dma_semaphore, #tpu.memory_space<semaphore_mem>>)
      %dma_wait3A_79 = arith.constant 0 : i32
      %dma_wait3A_80 = tpu.memref_slice %arg5[%add3A_70, %dma_wait3A_79] : memref<20480x128xf32, #tpu.memory_space<hbm>> -> memref<128x128xf32, #tpu.memory_space<hbm>>
      %dma_wait3A_81 = arith.constant 0 : i32
      %dma_wait3A_82 = tpu.memref_slice %arg5[%add3A_70, %dma_wait3A_81] : memref<20480x128xf32, #tpu.memory_space<hbm>> -> memref<128x128xf32, #tpu.memory_space<hbm>>
      tpu.wait_dma2 semaphore(%run_scoped3A : memref<!tpu.dma_semaphore, #tpu.memory_space<semaphore_mem>>) src(%arg10 : memref<128x128xf32, #tpu.memory_space<vmem>>) dst(%dma_wait3A_82 : memref<128x128xf32, #tpu.memory_space<hbm>>)
      tpu.yield
    }) : () -> ()
    %add3A_71 = arith.constant 512 : i32
    %add3A_72 = arith.addi %mul3A_0, %add3A_71 : i32
    "tpu.region"() ({
      %run_scoped3A = tpu.sem_alloc : memref<!tpu.dma_semaphore, #tpu.memory_space<semaphore_mem>>
      %dma_start3A_75 = arith.constant 0 : i32
      %dma_start3A_76 = tpu.memref_slice %arg12[%add3A_72, %dma_start3A_75] : memref<10240x128xf32, #tpu.memory_space<vmem_shared>> -> memref<128x128xf32, #tpu.memory_space<vmem_shared>>
      %dma_start3A_77 = arith.constant 0 : i32
      %dma_start3A_78 = tpu.memref_slice %arg12[%add3A_72, %dma_start3A_77] : memref<10240x128xf32, #tpu.memory_space<vmem_shared>> -> memref<128x128xf32, #tpu.memory_space<vmem_shared>>
      tpu.enqueue_dma source(%dma_start3A_78 : memref<128x128xf32, #tpu.memory_space<vmem_shared>>) target(%arg10 : memref<128x128xf32, #tpu.memory_space<vmem>>) target_semaphore(%run_scoped3A : memref<!tpu.dma_semaphore, #tpu.memory_space<semaphore_mem>>)
      %dma_wait3A_79 = arith.constant 0 : i32
      %dma_wait3A_80 = tpu.memref_slice %arg12[%add3A_72, %dma_wait3A_79] : memref<10240x128xf32, #tpu.memory_space<vmem_shared>> -> memref<128x128xf32, #tpu.memory_space<vmem_shared>>
      %dma_wait3A_81 = arith.constant 0 : i32
      %dma_wait3A_82 = tpu.memref_slice %arg12[%add3A_72, %dma_wait3A_81] : memref<10240x128xf32, #tpu.memory_space<vmem_shared>> -> memref<128x128xf32, #tpu.memory_space<vmem_shared>>
      tpu.wait_dma2 semaphore(%run_scoped3A : memref<!tpu.dma_semaphore, #tpu.memory_space<semaphore_mem>>) src(%dma_wait3A_82 : memref<128x128xf32, #tpu.memory_space<vmem_shared>>) dst(%arg10 : memref<128x128xf32, #tpu.memory_space<vmem>>)
      tpu.yield
    }) : () -> ()
    %add3A_73 = arith.constant 512 : i32
    %add3A_74 = arith.addi %add3A_54, %add3A_73 : i32
    "tpu.region"() ({
      %run_scoped3A = tpu.sem_alloc : memref<!tpu.dma_semaphore, #tpu.memory_space<semaphore_mem>>
      %dma_start3A_75 = arith.constant 0 : i32
      %dma_start3A_76 = tpu.memref_slice %arg5[%add3A_74, %dma_start3A_75] : memref<20480x128xf32, #tpu.memory_space<hbm>> -> memref<128x128xf32, #tpu.memory_space<hbm>>
      %dma_start3A_77 = arith.constant 0 : i32
      %dma_start3A_78 = tpu.memref_slice %arg5[%add3A_74, %dma_start3A_77] : memref<20480x128xf32, #tpu.memory_space<hbm>> -> memref<128x128xf32, #tpu.memory_space<hbm>>
      tpu.enqueue_dma source(%arg10 : memref<128x128xf32, #tpu.memory_space<vmem>>) target(%dma_start3A_78 : memref<128x128xf32, #tpu.memory_space<hbm>>) target_semaphore(%run_scoped3A : memref<!tpu.dma_semaphore, #tpu.memory_space<semaphore_mem>>)
      %dma_wait3A_79 = arith.constant 0 : i32
      %dma_wait3A_80 = tpu.memref_slice %arg5[%add3A_74, %dma_wait3A_79] : memref<20480x128xf32, #tpu.memory_space<hbm>> -> memref<128x128xf32, #tpu.memory_space<hbm>>
      %dma_wait3A_81 = arith.constant 0 : i32
      %dma_wait3A_82 = tpu.memref_slice %arg5[%add3A_74, %dma_wait3A_81] : memref<20480x128xf32, #tpu.memory_space<hbm>> -> memref<128x128xf32, #tpu.memory_space<hbm>>
      tpu.wait_dma2 semaphore(%run_scoped3A : memref<!tpu.dma_semaphore, #tpu.memory_space<semaphore_mem>>) src(%arg10 : memref<128x128xf32, #tpu.memory_space<vmem>>) dst(%dma_wait3A_82 : memref<128x128xf32, #tpu.memory_space<hbm>>)
      tpu.yield
    }) : () -> ()
    return
  }
}

#map = affine_map<(d0, d1) -> (0, 0)>
#map1 = affine_map<(d0, d1) -> (0, 0, 0)>
module attributes {stable_mosaic.version = 14 : i64} {
  func.func @_agg_body(%arg0: i32, %arg1: i32, %arg2: memref<10000x128xf32, #tpu.memory_space<hbm>>, %arg3: memref<2560x2x128xi32, #tpu.memory_space<hbm>>, %arg4: memref<128x128xf32, #tpu.memory_space<hbm>>, %arg5: memref<20480x128xf32, #tpu.memory_space<hbm>>, %arg6: memref<2x128xi32, #tpu.memory_space<vmem>>, %arg7: memref<2x128xi32, #tpu.memory_space<vmem>>, %arg8: memref<2x128xi32, #tpu.memory_space<vmem>>, %arg9: memref<2x128xi32, #tpu.memory_space<vmem>>, %arg10: memref<128x128xf32, #tpu.memory_space<vmem>>, %arg11: memref<128x128xf32, #tpu.memory_space<vmem>>, %arg12: memref<10240x128xf32, #tpu.memory_space<vmem_shared>>, %arg13: memref<!tpu.dma_semaphore, #tpu.memory_space<semaphore_mem>>, %arg14: memref<!tpu.dma_semaphore, #tpu.memory_space<semaphore_mem>>, %arg15: memref<!tpu.dma_semaphore, #tpu.memory_space<semaphore_mem>>, %arg16: memref<!tpu.dma_semaphore, #tpu.memory_space<semaphore_mem>>, %arg17: memref<!tpu.dma_semaphore, #tpu.memory_space<semaphore_mem>>, %arg18: memref<!tpu.dma_semaphore, #tpu.memory_space<semaphore_mem>>) attributes {dimension_semantics = [#tpu.dimension_semantics<core_parallel>, #tpu.dimension_semantics<subcore_parallel>], iteration_bounds = array<i64: 2, 16>, scalar_prefetch = 0 : i64, scratch_operands = 13 : i64, tpu.core_type = #tpu.core_type<sc_vector_subcore>, window_params = [{transform_indices = #map}, {transform_indices = #map1}, {transform_indices = #map}, {transform_indices = #map}]} {
    %mul3A = arith.constant 640 : i32
    %mul3A_0 = arith.muli %arg1, %mul3A : i32
    "tpu.region"() ({
      %run_scoped3A = tpu.sem_alloc : memref<!tpu.dma_semaphore, #tpu.memory_space<semaphore_mem>>
      tpu.enqueue_dma source(%arg4 : memref<128x128xf32, #tpu.memory_space<hbm>>) target(%arg10 : memref<128x128xf32, #tpu.memory_space<vmem>>) target_semaphore(%run_scoped3A : memref<!tpu.dma_semaphore, #tpu.memory_space<semaphore_mem>>)
      tpu.wait_dma2 semaphore(%run_scoped3A : memref<!tpu.dma_semaphore, #tpu.memory_space<semaphore_mem>>) src(%arg4 : memref<128x128xf32, #tpu.memory_space<hbm>>) dst(%arg10 : memref<128x128xf32, #tpu.memory_space<vmem>>)
      tpu.yield
    }) : () -> ()
    %add3A = arith.constant 0 : i32
    %add3A_1 = arith.addi %mul3A_0, %add3A : i32
    "tpu.region"() ({
      %run_scoped3A = tpu.sem_alloc : memref<!tpu.dma_semaphore, #tpu.memory_space<semaphore_mem>>
      %dma_start3A_75 = arith.constant 0 : i32
      %dma_start3A_76 = tpu.memref_slice %arg12[%add3A_1, %dma_start3A_75] : memref<10240x128xf32, #tpu.memory_space<vmem_shared>> -> memref<128x128xf32, #tpu.memory_space<vmem_shared>>
      %dma_start3A_77 = arith.constant 0 : i32
      %dma_start3A_78 = tpu.memref_slice %arg12[%add3A_1, %dma_start3A_77] : memref<10240x128xf32, #tpu.memory_space<vmem_shared>> -> memref<128x128xf32, #tpu.memory_space<vmem_shared>>
      tpu.enqueue_dma source(%arg10 : memref<128x128xf32, #tpu.memory_space<vmem>>) target(%dma_start3A_78 : memref<128x128xf32, #tpu.memory_space<vmem_shared>>) target_semaphore(%run_scoped3A : memref<!tpu.dma_semaphore, #tpu.memory_space<semaphore_mem>>)
      %dma_wait3A_79 = arith.constant 0 : i32
      %dma_wait3A_80 = tpu.memref_slice %arg12[%add3A_1, %dma_wait3A_79] : memref<10240x128xf32, #tpu.memory_space<vmem_shared>> -> memref<128x128xf32, #tpu.memory_space<vmem_shared>>
      %dma_wait3A_81 = arith.constant 0 : i32
      %dma_wait3A_82 = tpu.memref_slice %arg12[%add3A_1, %dma_wait3A_81] : memref<10240x128xf32, #tpu.memory_space<vmem_shared>> -> memref<128x128xf32, #tpu.memory_space<vmem_shared>>
      tpu.wait_dma2 semaphore(%run_scoped3A : memref<!tpu.dma_semaphore, #tpu.memory_space<semaphore_mem>>) src(%arg10 : memref<128x128xf32, #tpu.memory_space<vmem>>) dst(%dma_wait3A_82 : memref<128x128xf32, #tpu.memory_space<vmem_shared>>)
      tpu.yield
    }) : () -> ()
    %add3A_2 = arith.constant 128 : i32
    %add3A_3 = arith.addi %mul3A_0, %add3A_2 : i32
    "tpu.region"() ({
      %run_scoped3A = tpu.sem_alloc : memref<!tpu.dma_semaphore, #tpu.memory_space<semaphore_mem>>
      %dma_start3A_75 = arith.constant 0 : i32
      %dma_start3A_76 = tpu.memref_slice %arg12[%add3A_3, %dma_start3A_75] : memref<10240x128xf32, #tpu.memory_space<vmem_shared>> -> memref<128x128xf32, #tpu.memory_space<vmem_shared>>
      %dma_start3A_77 = arith.constant 0 : i32
      %dma_start3A_78 = tpu.memref_slice %arg12[%add3A_3, %dma_start3A_77] : memref<10240x128xf32, #tpu.memory_space<vmem_shared>> -> memref<128x128xf32, #tpu.memory_space<vmem_shared>>
      tpu.enqueue_dma source(%arg10 : memref<128x128xf32, #tpu.memory_space<vmem>>) target(%dma_start3A_78 : memref<128x128xf32, #tpu.memory_space<vmem_shared>>) target_semaphore(%run_scoped3A : memref<!tpu.dma_semaphore, #tpu.memory_space<semaphore_mem>>)
      %dma_wait3A_79 = arith.constant 0 : i32
      %dma_wait3A_80 = tpu.memref_slice %arg12[%add3A_3, %dma_wait3A_79] : memref<10240x128xf32, #tpu.memory_space<vmem_shared>> -> memref<128x128xf32, #tpu.memory_space<vmem_shared>>
      %dma_wait3A_81 = arith.constant 0 : i32
      %dma_wait3A_82 = tpu.memref_slice %arg12[%add3A_3, %dma_wait3A_81] : memref<10240x128xf32, #tpu.memory_space<vmem_shared>> -> memref<128x128xf32, #tpu.memory_space<vmem_shared>>
      tpu.wait_dma2 semaphore(%run_scoped3A : memref<!tpu.dma_semaphore, #tpu.memory_space<semaphore_mem>>) src(%arg10 : memref<128x128xf32, #tpu.memory_space<vmem>>) dst(%dma_wait3A_82 : memref<128x128xf32, #tpu.memory_space<vmem_shared>>)
      tpu.yield
    }) : () -> ()
    %add3A_4 = arith.constant 256 : i32
    %add3A_5 = arith.addi %mul3A_0, %add3A_4 : i32
    "tpu.region"() ({
      %run_scoped3A = tpu.sem_alloc : memref<!tpu.dma_semaphore, #tpu.memory_space<semaphore_mem>>
      %dma_start3A_75 = arith.constant 0 : i32
      %dma_start3A_76 = tpu.memref_slice %arg12[%add3A_5, %dma_start3A_75] : memref<10240x128xf32, #tpu.memory_space<vmem_shared>> -> memref<128x128xf32, #tpu.memory_space<vmem_shared>>
      %dma_start3A_77 = arith.constant 0 : i32
      %dma_start3A_78 = tpu.memref_slice %arg12[%add3A_5, %dma_start3A_77] : memref<10240x128xf32, #tpu.memory_space<vmem_shared>> -> memref<128x128xf32, #tpu.memory_space<vmem_shared>>
      tpu.enqueue_dma source(%arg10 : memref<128x128xf32, #tpu.memory_space<vmem>>) target(%dma_start3A_78 : memref<128x128xf32, #tpu.memory_space<vmem_shared>>) target_semaphore(%run_scoped3A : memref<!tpu.dma_semaphore, #tpu.memory_space<semaphore_mem>>)
      %dma_wait3A_79 = arith.constant 0 : i32
      %dma_wait3A_80 = tpu.memref_slice %arg12[%add3A_5, %dma_wait3A_79] : memref<10240x128xf32, #tpu.memory_space<vmem_shared>> -> memref<128x128xf32, #tpu.memory_space<vmem_shared>>
      %dma_wait3A_81 = arith.constant 0 : i32
      %dma_wait3A_82 = tpu.memref_slice %arg12[%add3A_5, %dma_wait3A_81] : memref<10240x128xf32, #tpu.memory_space<vmem_shared>> -> memref<128x128xf32, #tpu.memory_space<vmem_shared>>
      tpu.wait_dma2 semaphore(%run_scoped3A : memref<!tpu.dma_semaphore, #tpu.memory_space<semaphore_mem>>) src(%arg10 : memref<128x128xf32, #tpu.memory_space<vmem>>) dst(%dma_wait3A_82 : memref<128x128xf32, #tpu.memory_space<vmem_shared>>)
      tpu.yield
    }) : () -> ()
    %add3A_6 = arith.constant 384 : i32
    %add3A_7 = arith.addi %mul3A_0, %add3A_6 : i32
    "tpu.region"() ({
      %run_scoped3A = tpu.sem_alloc : memref<!tpu.dma_semaphore, #tpu.memory_space<semaphore_mem>>
      %dma_start3A_75 = arith.constant 0 : i32
      %dma_start3A_76 = tpu.memref_slice %arg12[%add3A_7, %dma_start3A_75] : memref<10240x128xf32, #tpu.memory_space<vmem_shared>> -> memref<128x128xf32, #tpu.memory_space<vmem_shared>>
      %dma_start3A_77 = arith.constant 0 : i32
      %dma_start3A_78 = tpu.memref_slice %arg12[%add3A_7, %dma_start3A_77] : memref<10240x128xf32, #tpu.memory_space<vmem_shared>> -> memref<128x128xf32, #tpu.memory_space<vmem_shared>>
      tpu.enqueue_dma source(%arg10 : memref<128x128xf32, #tpu.memory_space<vmem>>) target(%dma_start3A_78 : memref<128x128xf32, #tpu.memory_space<vmem_shared>>) target_semaphore(%run_scoped3A : memref<!tpu.dma_semaphore, #tpu.memory_space<semaphore_mem>>)
      %dma_wait3A_79 = arith.constant 0 : i32
      %dma_wait3A_80 = tpu.memref_slice %arg12[%add3A_7, %dma_wait3A_79] : memref<10240x128xf32, #tpu.memory_space<vmem_shared>> -> memref<128x128xf32, #tpu.memory_space<vmem_shared>>
      %dma_wait3A_81 = arith.constant 0 : i32
      %dma_wait3A_82 = tpu.memref_slice %arg12[%add3A_7, %dma_wait3A_81] : memref<10240x128xf32, #tpu.memory_space<vmem_shared>> -> memref<128x128xf32, #tpu.memory_space<vmem_shared>>
      tpu.wait_dma2 semaphore(%run_scoped3A : memref<!tpu.dma_semaphore, #tpu.memory_space<semaphore_mem>>) src(%arg10 : memref<128x128xf32, #tpu.memory_space<vmem>>) dst(%dma_wait3A_82 : memref<128x128xf32, #tpu.memory_space<vmem_shared>>)
      tpu.yield
    }) : () -> ()
    %add3A_8 = arith.constant 512 : i32
    %add3A_9 = arith.addi %mul3A_0, %add3A_8 : i32
    "tpu.region"() ({
      %run_scoped3A = tpu.sem_alloc : memref<!tpu.dma_semaphore, #tpu.memory_space<semaphore_mem>>
      %dma_start3A_75 = arith.constant 0 : i32
      %dma_start3A_76 = tpu.memref_slice %arg12[%add3A_9, %dma_start3A_75] : memref<10240x128xf32, #tpu.memory_space<vmem_shared>> -> memref<128x128xf32, #tpu.memory_space<vmem_shared>>
      %dma_start3A_77 = arith.constant 0 : i32
      %dma_start3A_78 = tpu.memref_slice %arg12[%add3A_9, %dma_start3A_77] : memref<10240x128xf32, #tpu.memory_space<vmem_shared>> -> memref<128x128xf32, #tpu.memory_space<vmem_shared>>
      tpu.enqueue_dma source(%arg10 : memref<128x128xf32, #tpu.memory_space<vmem>>) target(%dma_start3A_78 : memref<128x128xf32, #tpu.memory_space<vmem_shared>>) target_semaphore(%run_scoped3A : memref<!tpu.dma_semaphore, #tpu.memory_space<semaphore_mem>>)
      %dma_wait3A_79 = arith.constant 0 : i32
      %dma_wait3A_80 = tpu.memref_slice %arg12[%add3A_9, %dma_wait3A_79] : memref<10240x128xf32, #tpu.memory_space<vmem_shared>> -> memref<128x128xf32, #tpu.memory_space<vmem_shared>>
      %dma_wait3A_81 = arith.constant 0 : i32
      %dma_wait3A_82 = tpu.memref_slice %arg12[%add3A_9, %dma_wait3A_81] : memref<10240x128xf32, #tpu.memory_space<vmem_shared>> -> memref<128x128xf32, #tpu.memory_space<vmem_shared>>
      tpu.wait_dma2 semaphore(%run_scoped3A : memref<!tpu.dma_semaphore, #tpu.memory_space<semaphore_mem>>) src(%arg10 : memref<128x128xf32, #tpu.memory_space<vmem>>) dst(%dma_wait3A_82 : memref<128x128xf32, #tpu.memory_space<vmem_shared>>)
      tpu.yield
    }) : () -> ()
    %barrier3A = arith.constant 0 : index
    tpu.barrier barrier_id(%barrier3A)
    %mul3A_10 = arith.constant 16 : i32
    %mul3A_11 = arith.muli %arg0, %mul3A_10 : i32
    %add3A_12 = arith.addi %mul3A_11, %arg1 : i32
    %mul3A_13 = arith.constant 80 : i32
    %mul3A_14 = arith.muli %add3A_12, %mul3A_13 : i32
    %dma_start3A = arith.constant 0 : i32
    %dma_start3A_15 = arith.constant 0 : i32
    %dma_start3A_16 = tpu.memref_slice %arg3[%mul3A_14, %dma_start3A, %dma_start3A_15] : memref<2560x2x128xi32, #tpu.memory_space<hbm>> -> memref<1x2x128xi32, #tpu.memory_space<hbm>>
    %dma_start3A_17 = tpu.memref_squeeze %dma_start3A_16 : memref<1x2x128xi32, #tpu.memory_space<hbm>> -> memref<2x128xi32, #tpu.memory_space<hbm>>
    %dma_start3A_18 = arith.constant 0 : i32
    %dma_start3A_19 = arith.constant 0 : i32
    %dma_start3A_20 = tpu.memref_slice %arg3[%mul3A_14, %dma_start3A_18, %dma_start3A_19] : memref<2560x2x128xi32, #tpu.memory_space<hbm>> -> memref<1x2x128xi32, #tpu.memory_space<hbm>>
    %dma_start3A_21 = tpu.memref_squeeze %dma_start3A_20 : memref<1x2x128xi32, #tpu.memory_space<hbm>> -> memref<2x128xi32, #tpu.memory_space<hbm>>
    tpu.enqueue_dma source(%dma_start3A_21 : memref<2x128xi32, #tpu.memory_space<hbm>>) target(%arg6 : memref<2x128xi32, #tpu.memory_space<vmem>>) target_semaphore(%arg13 : memref<!tpu.dma_semaphore, #tpu.memory_space<semaphore_mem>>)
    %add3A_22 = arith.constant 1 : i32
    %add3A_23 = arith.addi %mul3A_14, %add3A_22 : i32
    %dma_start3A_24 = arith.constant 0 : i32
    %dma_start3A_25 = arith.constant 0 : i32
    %dma_start3A_26 = tpu.memref_slice %arg3[%add3A_23, %dma_start3A_24, %dma_start3A_25] : memref<2560x2x128xi32, #tpu.memory_space<hbm>> -> memref<1x2x128xi32, #tpu.memory_space<hbm>>
    %dma_start3A_27 = tpu.memref_squeeze %dma_start3A_26 : memref<1x2x128xi32, #tpu.memory_space<hbm>> -> memref<2x128xi32, #tpu.memory_space<hbm>>
    %dma_start3A_28 = arith.constant 0 : i32
    %dma_start3A_29 = arith.constant 0 : i32
    %dma_start3A_30 = tpu.memref_slice %arg3[%add3A_23, %dma_start3A_28, %dma_start3A_29] : memref<2560x2x128xi32, #tpu.memory_space<hbm>> -> memref<1x2x128xi32, #tpu.memory_space<hbm>>
    %dma_start3A_31 = tpu.memref_squeeze %dma_start3A_30 : memref<1x2x128xi32, #tpu.memory_space<hbm>> -> memref<2x128xi32, #tpu.memory_space<hbm>>
    tpu.enqueue_dma source(%dma_start3A_31 : memref<2x128xi32, #tpu.memory_space<hbm>>) target(%arg7 : memref<2x128xi32, #tpu.memory_space<vmem>>) target_semaphore(%arg14 : memref<!tpu.dma_semaphore, #tpu.memory_space<semaphore_mem>>)
    %dma_wait3A = arith.constant 0 : i32
    %dma_wait3A_32 = arith.constant 0 : i32
    %dma_wait3A_33 = tpu.memref_slice %arg3[%mul3A_14, %dma_wait3A, %dma_wait3A_32] : memref<2560x2x128xi32, #tpu.memory_space<hbm>> -> memref<1x2x128xi32, #tpu.memory_space<hbm>>
    %dma_wait3A_34 = tpu.memref_squeeze %dma_wait3A_33 : memref<1x2x128xi32, #tpu.memory_space<hbm>> -> memref<2x128xi32, #tpu.memory_space<hbm>>
    %dma_wait3A_35 = arith.constant 0 : i32
    %dma_wait3A_36 = arith.constant 0 : i32
    %dma_wait3A_37 = tpu.memref_slice %arg3[%mul3A_14, %dma_wait3A_35, %dma_wait3A_36] : memref<2560x2x128xi32, #tpu.memory_space<hbm>> -> memref<1x2x128xi32, #tpu.memory_space<hbm>>
    %dma_wait3A_38 = tpu.memref_squeeze %dma_wait3A_37 : memref<1x2x128xi32, #tpu.memory_space<hbm>> -> memref<2x128xi32, #tpu.memory_space<hbm>>
    tpu.wait_dma2 semaphore(%arg13 : memref<!tpu.dma_semaphore, #tpu.memory_space<semaphore_mem>>) src(%dma_wait3A_38 : memref<2x128xi32, #tpu.memory_space<hbm>>) dst(%arg6 : memref<2x128xi32, #tpu.memory_space<vmem>>)
    %dma_start3A_39 = arith.constant 0 : i32
    %dma_start3A_40 = arith.constant 0 : i32
    %dma_start3A_41 = tpu.memref_slice %arg6[%dma_start3A_39, %dma_start3A_40] : memref<2x128xi32, #tpu.memory_space<vmem>> -> memref<1x128xi32, #tpu.memory_space<vmem>>
    %dma_start3A_42 = tpu.memref_squeeze %dma_start3A_41 : memref<1x128xi32, #tpu.memory_space<vmem>> -> memref<128xi32, #tpu.memory_space<vmem>>
    %dma_start3A_43 = arith.constant 0 : i32
    %dma_start3A_44 = arith.constant 0 : i32
    %dma_start3A_45 = tpu.memref_slice %arg2[%dma_start3A_43, %dma_start3A_44] : memref<10000x128xf32, #tpu.memory_space<hbm>> -> memref<10000x128xf32, #tpu.memory_space<hbm>>
    tpu.enqueue_indirect_dma source(%dma_start3A_45 : memref<10000x128xf32, #tpu.memory_space<hbm>>) target(%arg10 : memref<128x128xf32, #tpu.memory_space<vmem>>) offsets(%dma_start3A_42 : memref<128xi32, #tpu.memory_space<vmem>>) semaphore(%arg17 : memref<!tpu.dma_semaphore, #tpu.memory_space<semaphore_mem>>)
    %scan3A = arith.constant 0 : i32
    %scan3A_46 = arith.constant 0 : i32
    %scan3A_47 = arith.constant 20 : i32
    %scan3A_48 = arith.addi %scan3A_46, %scan3A_47 : i32
    %scan3A_49 = arith.constant 1 : i32
    scf.for %scan3A_75 = %scan3A_46 to %scan3A_48 step %scan3A_49  : i32 {
      %mul3A_76 = arith.constant 4 : i32
      %mul3A_77 = arith.muli %mul3A_76, %scan3A_75 : i32
      %add3A_78 = arith.constant 0 : i32
      %add3A_79 = arith.addi %mul3A_77, %add3A_78 : i32
      %add3A_80 = arith.addi %mul3A_14, %add3A_79 : i32
      %add3A_81 = arith.constant 2 : i32
      %add3A_82 = arith.addi %add3A_80, %add3A_81 : i32
      %dma_start3A_83 = arith.constant 0 : i32
      %dma_start3A_84 = arith.constant 0 : i32
      %dma_start3A_85 = tpu.memref_slice %arg3[%add3A_82, %dma_start3A_83, %dma_start3A_84] : memref<2560x2x128xi32, #tpu.memory_space<hbm>> -> memref<1x2x128xi32, #tpu.memory_space<hbm>>
      %dma_start3A_86 = tpu.memref_squeeze %dma_start3A_85 : memref<1x2x128xi32, #tpu.memory_space<hbm>> -> memref<2x128xi32, #tpu.memory_space<hbm>>
      %dma_start3A_87 = arith.constant 0 : i32
      %dma_start3A_88 = arith.constant 0 : i32
      %dma_start3A_89 = tpu.memref_slice %arg3[%add3A_82, %dma_start3A_87, %dma_start3A_88] : memref<2560x2x128xi32, #tpu.memory_space<hbm>> -> memref<1x2x128xi32, #tpu.memory_space<hbm>>
      %dma_start3A_90 = tpu.memref_squeeze %dma_start3A_89 : memref<1x2x128xi32, #tpu.memory_space<hbm>> -> memref<2x128xi32, #tpu.memory_space<hbm>>
      tpu.enqueue_dma source(%dma_start3A_90 : memref<2x128xi32, #tpu.memory_space<hbm>>) target(%arg8 : memref<2x128xi32, #tpu.memory_space<vmem>>) target_semaphore(%arg15 : memref<!tpu.dma_semaphore, #tpu.memory_space<semaphore_mem>>)
      %dma_wait3A_91 = arith.constant 0 : i32
      %dma_wait3A_92 = arith.constant 0 : i32
      %dma_wait3A_93 = tpu.memref_slice %arg3[%mul3A_14, %dma_wait3A_91, %dma_wait3A_92] : memref<2560x2x128xi32, #tpu.memory_space<hbm>> -> memref<1x2x128xi32, #tpu.memory_space<hbm>>
      %dma_wait3A_94 = tpu.memref_squeeze %dma_wait3A_93 : memref<1x2x128xi32, #tpu.memory_space<hbm>> -> memref<2x128xi32, #tpu.memory_space<hbm>>
      %dma_wait3A_95 = arith.constant 0 : i32
      %dma_wait3A_96 = arith.constant 0 : i32
      %dma_wait3A_97 = tpu.memref_slice %arg3[%mul3A_14, %dma_wait3A_95, %dma_wait3A_96] : memref<2560x2x128xi32, #tpu.memory_space<hbm>> -> memref<1x2x128xi32, #tpu.memory_space<hbm>>
      %dma_wait3A_98 = tpu.memref_squeeze %dma_wait3A_97 : memref<1x2x128xi32, #tpu.memory_space<hbm>> -> memref<2x128xi32, #tpu.memory_space<hbm>>
      tpu.wait_dma2 semaphore(%arg14 : memref<!tpu.dma_semaphore, #tpu.memory_space<semaphore_mem>>) src(%dma_wait3A_98 : memref<2x128xi32, #tpu.memory_space<hbm>>) dst(%arg7 : memref<2x128xi32, #tpu.memory_space<vmem>>)
      %dma_start3A_99 = arith.constant 0 : i32
      %dma_start3A_100 = arith.constant 0 : i32
      %dma_start3A_101 = tpu.memref_slice %arg7[%dma_start3A_99, %dma_start3A_100] : memref<2x128xi32, #tpu.memory_space<vmem>> -> memref<1x128xi32, #tpu.memory_space<vmem>>
      %dma_start3A_102 = tpu.memref_squeeze %dma_start3A_101 : memref<1x128xi32, #tpu.memory_space<vmem>> -> memref<128xi32, #tpu.memory_space<vmem>>
      %dma_start3A_103 = arith.constant 0 : i32
      %dma_start3A_104 = arith.constant 0 : i32
      %dma_start3A_105 = tpu.memref_slice %arg2[%dma_start3A_103, %dma_start3A_104] : memref<10000x128xf32, #tpu.memory_space<hbm>> -> memref<10000x128xf32, #tpu.memory_space<hbm>>
      tpu.enqueue_indirect_dma source(%dma_start3A_105 : memref<10000x128xf32, #tpu.memory_space<hbm>>) target(%arg11 : memref<128x128xf32, #tpu.memory_space<vmem>>) offsets(%dma_start3A_102 : memref<128xi32, #tpu.memory_space<vmem>>) semaphore(%arg18 : memref<!tpu.dma_semaphore, #tpu.memory_space<semaphore_mem>>)
      %dma_wait3A_106 = arith.constant 0 : i32
      %dma_wait3A_107 = arith.constant 0 : i32
      %dma_wait3A_108 = tpu.memref_slice %arg6[%dma_wait3A_106, %dma_wait3A_107] : memref<2x128xi32, #tpu.memory_space<vmem>> -> memref<1x128xi32, #tpu.memory_space<vmem>>
      %dma_wait3A_109 = tpu.memref_squeeze %dma_wait3A_108 : memref<1x128xi32, #tpu.memory_space<vmem>> -> memref<128xi32, #tpu.memory_space<vmem>>
      %dma_wait3A_110 = arith.constant 0 : i32
      %dma_wait3A_111 = arith.constant 0 : i32
      %dma_wait3A_112 = tpu.memref_slice %arg2[%dma_wait3A_110, %dma_wait3A_111] : memref<10000x128xf32, #tpu.memory_space<hbm>> -> memref<10000x128xf32, #tpu.memory_space<hbm>>
      tpu.wait_indirect_dma semaphore(%arg17 : memref<!tpu.dma_semaphore, #tpu.memory_space<semaphore_mem>>) src(%dma_wait3A_112 : memref<10000x128xf32, #tpu.memory_space<hbm>>) dst(%arg10 : memref<128x128xf32, #tpu.memory_space<vmem>>)
      %run_scoped3A = arith.constant 1 : i32
      "tpu.region"() ({
        %run_scoped3A_202 = tpu.sem_alloc : memref<!tpu.dma_semaphore, #tpu.memory_space<semaphore_mem>>
        %dma_start3A_203 = arith.constant 0 : i32
        %dma_start3A_204 = tpu.memref_slice %arg6[%run_scoped3A, %dma_start3A_203] : memref<2x128xi32, #tpu.memory_space<vmem>> -> memref<1x128xi32, #tpu.memory_space<vmem>>
        %dma_start3A_205 = tpu.memref_squeeze %dma_start3A_204 : memref<1x128xi32, #tpu.memory_space<vmem>> -> memref<128xi32, #tpu.memory_space<vmem>>
        %dma_start3A_206 = arith.constant 0 : i32
        %dma_start3A_207 = arith.constant 0 : i32
        %dma_start3A_208 = tpu.memref_slice %arg12[%dma_start3A_206, %dma_start3A_207] : memref<10240x128xf32, #tpu.memory_space<vmem_shared>> -> memref<10240x128xf32, #tpu.memory_space<vmem_shared>>
        tpu.enqueue_indirect_dma source(%arg10 : memref<128x128xf32, #tpu.memory_space<vmem>>) target(%dma_start3A_208 : memref<10240x128xf32, #tpu.memory_space<vmem_shared>>) offsets(%dma_start3A_205 : memref<128xi32, #tpu.memory_space<vmem>>) semaphore(%run_scoped3A_202 : memref<!tpu.dma_semaphore, #tpu.memory_space<semaphore_mem>>) {add = true}
        %dma_wait3A_209 = arith.constant 0 : i32
        %dma_wait3A_210 = tpu.memref_slice %arg6[%run_scoped3A, %dma_wait3A_209] : memref<2x128xi32, #tpu.memory_space<vmem>> -> memref<1x128xi32, #tpu.memory_space<vmem>>
        %dma_wait3A_211 = tpu.memref_squeeze %dma_wait3A_210 : memref<1x128xi32, #tpu.memory_space<vmem>> -> memref<128xi32, #tpu.memory_space<vmem>>
        %dma_wait3A_212 = arith.constant 0 : i32
        %dma_wait3A_213 = arith.constant 0 : i32
        %dma_wait3A_214 = tpu.memref_slice %arg12[%dma_wait3A_212, %dma_wait3A_213] : memref<10240x128xf32, #tpu.memory_space<vmem_shared>> -> memref<10240x128xf32, #tpu.memory_space<vmem_shared>>
        tpu.wait_indirect_dma semaphore(%run_scoped3A_202 : memref<!tpu.dma_semaphore, #tpu.memory_space<semaphore_mem>>) src(%arg10 : memref<128x128xf32, #tpu.memory_space<vmem>>) dst(%dma_wait3A_214 : memref<10240x128xf32, #tpu.memory_space<vmem_shared>>)
        tpu.yield
      }) : () -> ()
      %mul3A_113 = arith.constant 4 : i32
      %mul3A_114 = arith.muli %mul3A_113, %scan3A_75 : i32
      %add3A_115 = arith.constant 1 : i32
      %add3A_116 = arith.addi %mul3A_114, %add3A_115 : i32
      %add3A_117 = arith.addi %mul3A_14, %add3A_116 : i32
      %add3A_118 = arith.constant 2 : i32
      %add3A_119 = arith.addi %add3A_117, %add3A_118 : i32
      %dma_start3A_120 = arith.constant 0 : i32
      %dma_start3A_121 = arith.constant 0 : i32
      %dma_start3A_122 = tpu.memref_slice %arg3[%add3A_119, %dma_start3A_120, %dma_start3A_121] : memref<2560x2x128xi32, #tpu.memory_space<hbm>> -> memref<1x2x128xi32, #tpu.memory_space<hbm>>
      %dma_start3A_123 = tpu.memref_squeeze %dma_start3A_122 : memref<1x2x128xi32, #tpu.memory_space<hbm>> -> memref<2x128xi32, #tpu.memory_space<hbm>>
      %dma_start3A_124 = arith.constant 0 : i32
      %dma_start3A_125 = arith.constant 0 : i32
      %dma_start3A_126 = tpu.memref_slice %arg3[%add3A_119, %dma_start3A_124, %dma_start3A_125] : memref<2560x2x128xi32, #tpu.memory_space<hbm>> -> memref<1x2x128xi32, #tpu.memory_space<hbm>>
      %dma_start3A_127 = tpu.memref_squeeze %dma_start3A_126 : memref<1x2x128xi32, #tpu.memory_space<hbm>> -> memref<2x128xi32, #tpu.memory_space<hbm>>
      tpu.enqueue_dma source(%dma_start3A_127 : memref<2x128xi32, #tpu.memory_space<hbm>>) target(%arg9 : memref<2x128xi32, #tpu.memory_space<vmem>>) target_semaphore(%arg16 : memref<!tpu.dma_semaphore, #tpu.memory_space<semaphore_mem>>)
      %dma_wait3A_128 = arith.constant 0 : i32
      %dma_wait3A_129 = arith.constant 0 : i32
      %dma_wait3A_130 = tpu.memref_slice %arg3[%mul3A_14, %dma_wait3A_128, %dma_wait3A_129] : memref<2560x2x128xi32, #tpu.memory_space<hbm>> -> memref<1x2x128xi32, #tpu.memory_space<hbm>>
      %dma_wait3A_131 = tpu.memref_squeeze %dma_wait3A_130 : memref<1x2x128xi32, #tpu.memory_space<hbm>> -> memref<2x128xi32, #tpu.memory_space<hbm>>
      %dma_wait3A_132 = arith.constant 0 : i32
      %dma_wait3A_133 = arith.constant 0 : i32
      %dma_wait3A_134 = tpu.memref_slice %arg3[%mul3A_14, %dma_wait3A_132, %dma_wait3A_133] : memref<2560x2x128xi32, #tpu.memory_space<hbm>> -> memref<1x2x128xi32, #tpu.memory_space<hbm>>
      %dma_wait3A_135 = tpu.memref_squeeze %dma_wait3A_134 : memref<1x2x128xi32, #tpu.memory_space<hbm>> -> memref<2x128xi32, #tpu.memory_space<hbm>>
      tpu.wait_dma2 semaphore(%arg15 : memref<!tpu.dma_semaphore, #tpu.memory_space<semaphore_mem>>) src(%dma_wait3A_135 : memref<2x128xi32, #tpu.memory_space<hbm>>) dst(%arg8 : memref<2x128xi32, #tpu.memory_space<vmem>>)
      %dma_start3A_136 = arith.constant 0 : i32
      %dma_start3A_137 = arith.constant 0 : i32
      %dma_start3A_138 = tpu.memref_slice %arg8[%dma_start3A_136, %dma_start3A_137] : memref<2x128xi32, #tpu.memory_space<vmem>> -> memref<1x128xi32, #tpu.memory_space<vmem>>
      %dma_start3A_139 = tpu.memref_squeeze %dma_start3A_138 : memref<1x128xi32, #tpu.memory_space<vmem>> -> memref<128xi32, #tpu.memory_space<vmem>>
      %dma_start3A_140 = arith.constant 0 : i32
      %dma_start3A_141 = arith.constant 0 : i32
      %dma_start3A_142 = tpu.memref_slice %arg2[%dma_start3A_140, %dma_start3A_141] : memref<10000x128xf32, #tpu.memory_space<hbm>> -> memref<10000x128xf32, #tpu.memory_space<hbm>>
      tpu.enqueue_indirect_dma source(%dma_start3A_142 : memref<10000x128xf32, #tpu.memory_space<hbm>>) target(%arg10 : memref<128x128xf32, #tpu.memory_space<vmem>>) offsets(%dma_start3A_139 : memref<128xi32, #tpu.memory_space<vmem>>) semaphore(%arg17 : memref<!tpu.dma_semaphore, #tpu.memory_space<semaphore_mem>>)
      %dma_wait3A_143 = arith.constant 0 : i32
      %dma_wait3A_144 = arith.constant 0 : i32
      %dma_wait3A_145 = tpu.memref_slice %arg7[%dma_wait3A_143, %dma_wait3A_144] : memref<2x128xi32, #tpu.memory_space<vmem>> -> memref<1x128xi32, #tpu.memory_space<vmem>>
      %dma_wait3A_146 = tpu.memref_squeeze %dma_wait3A_145 : memref<1x128xi32, #tpu.memory_space<vmem>> -> memref<128xi32, #tpu.memory_space<vmem>>
      %dma_wait3A_147 = arith.constant 0 : i32
      %dma_wait3A_148 = arith.constant 0 : i32
      %dma_wait3A_149 = tpu.memref_slice %arg2[%dma_wait3A_147, %dma_wait3A_148] : memref<10000x128xf32, #tpu.memory_space<hbm>> -> memref<10000x128xf32, #tpu.memory_space<hbm>>
      tpu.wait_indirect_dma semaphore(%arg18 : memref<!tpu.dma_semaphore, #tpu.memory_space<semaphore_mem>>) src(%dma_wait3A_149 : memref<10000x128xf32, #tpu.memory_space<hbm>>) dst(%arg11 : memref<128x128xf32, #tpu.memory_space<vmem>>)
      %run_scoped3A_150 = arith.constant 1 : i32
      "tpu.region"() ({
        %run_scoped3A_202 = tpu.sem_alloc : memref<!tpu.dma_semaphore, #tpu.memory_space<semaphore_mem>>
        %dma_start3A_203 = arith.constant 0 : i32
        %dma_start3A_204 = tpu.memref_slice %arg7[%run_scoped3A_150, %dma_start3A_203] : memref<2x128xi32, #tpu.memory_space<vmem>> -> memref<1x128xi32, #tpu.memory_space<vmem>>
        %dma_start3A_205 = tpu.memref_squeeze %dma_start3A_204 : memref<1x128xi32, #tpu.memory_space<vmem>> -> memref<128xi32, #tpu.memory_space<vmem>>
        %dma_start3A_206 = arith.constant 0 : i32
        %dma_start3A_207 = arith.constant 0 : i32
        %dma_start3A_208 = tpu.memref_slice %arg12[%dma_start3A_206, %dma_start3A_207] : memref<10240x128xf32, #tpu.memory_space<vmem_shared>> -> memref<10240x128xf32, #tpu.memory_space<vmem_shared>>
        tpu.enqueue_indirect_dma source(%arg11 : memref<128x128xf32, #tpu.memory_space<vmem>>) target(%dma_start3A_208 : memref<10240x128xf32, #tpu.memory_space<vmem_shared>>) offsets(%dma_start3A_205 : memref<128xi32, #tpu.memory_space<vmem>>) semaphore(%run_scoped3A_202 : memref<!tpu.dma_semaphore, #tpu.memory_space<semaphore_mem>>) {add = true}
        %dma_wait3A_209 = arith.constant 0 : i32
        %dma_wait3A_210 = tpu.memref_slice %arg7[%run_scoped3A_150, %dma_wait3A_209] : memref<2x128xi32, #tpu.memory_space<vmem>> -> memref<1x128xi32, #tpu.memory_space<vmem>>
        %dma_wait3A_211 = tpu.memref_squeeze %dma_wait3A_210 : memref<1x128xi32, #tpu.memory_space<vmem>> -> memref<128xi32, #tpu.memory_space<vmem>>
        %dma_wait3A_212 = arith.constant 0 : i32
        %dma_wait3A_213 = arith.constant 0 : i32
        %dma_wait3A_214 = tpu.memref_slice %arg12[%dma_wait3A_212, %dma_wait3A_213] : memref<10240x128xf32, #tpu.memory_space<vmem_shared>> -> memref<10240x128xf32, #tpu.memory_space<vmem_shared>>
        tpu.wait_indirect_dma semaphore(%run_scoped3A_202 : memref<!tpu.dma_semaphore, #tpu.memory_space<semaphore_mem>>) src(%arg11 : memref<128x128xf32, #tpu.memory_space<vmem>>) dst(%dma_wait3A_214 : memref<10240x128xf32, #tpu.memory_space<vmem_shared>>)
        tpu.yield
      }) : () -> ()
      %mul3A_151 = arith.constant 4 : i32
      %mul3A_152 = arith.muli %mul3A_151, %scan3A_75 : i32
      %add3A_153 = arith.constant 2 : i32
      %add3A_154 = arith.addi %mul3A_152, %add3A_153 : i32
      %lt3A = arith.constant 19 : i32
      %lt3A_155 = arith.cmpi slt, %scan3A_75, %lt3A : i32
      %convert_element_type3A = arith.extui %lt3A_155 : i1 to i32
      %cond3A = arith.constant 0 : i32
      %cond3A_156 = arith.cmpi ne, %convert_element_type3A, %cond3A : i32
      scf.if %cond3A_156 {
        %add3A_202 = arith.addi %mul3A_14, %add3A_154 : i32
        %add3A_203 = arith.constant 2 : i32
        %add3A_204 = arith.addi %add3A_202, %add3A_203 : i32
        %dma_start3A_205 = arith.constant 0 : i32
        %dma_start3A_206 = arith.constant 0 : i32
        %dma_start3A_207 = tpu.memref_slice %arg3[%add3A_204, %dma_start3A_205, %dma_start3A_206] : memref<2560x2x128xi32, #tpu.memory_space<hbm>> -> memref<1x2x128xi32, #tpu.memory_space<hbm>>
        %dma_start3A_208 = tpu.memref_squeeze %dma_start3A_207 : memref<1x2x128xi32, #tpu.memory_space<hbm>> -> memref<2x128xi32, #tpu.memory_space<hbm>>
        %dma_start3A_209 = arith.constant 0 : i32
        %dma_start3A_210 = arith.constant 0 : i32
        %dma_start3A_211 = tpu.memref_slice %arg3[%add3A_204, %dma_start3A_209, %dma_start3A_210] : memref<2560x2x128xi32, #tpu.memory_space<hbm>> -> memref<1x2x128xi32, #tpu.memory_space<hbm>>
        %dma_start3A_212 = tpu.memref_squeeze %dma_start3A_211 : memref<1x2x128xi32, #tpu.memory_space<hbm>> -> memref<2x128xi32, #tpu.memory_space<hbm>>
        tpu.enqueue_dma source(%dma_start3A_212 : memref<2x128xi32, #tpu.memory_space<hbm>>) target(%arg6 : memref<2x128xi32, #tpu.memory_space<vmem>>) target_semaphore(%arg13 : memref<!tpu.dma_semaphore, #tpu.memory_space<semaphore_mem>>)
      } else {
      }
      %dma_wait3A_157 = arith.constant 0 : i32
      %dma_wait3A_158 = arith.constant 0 : i32
      %dma_wait3A_159 = tpu.memref_slice %arg3[%mul3A_14, %dma_wait3A_157, %dma_wait3A_158] : memref<2560x2x128xi32, #tpu.memory_space<hbm>> -> memref<1x2x128xi32, #tpu.memory_space<hbm>>
      %dma_wait3A_160 = tpu.memref_squeeze %dma_wait3A_159 : memref<1x2x128xi32, #tpu.memory_space<hbm>> -> memref<2x128xi32, #tpu.memory_space<hbm>>
      %dma_wait3A_161 = arith.constant 0 : i32
      %dma_wait3A_162 = arith.constant 0 : i32
      %dma_wait3A_163 = tpu.memref_slice %arg3[%mul3A_14, %dma_wait3A_161, %dma_wait3A_162] : memref<2560x2x128xi32, #tpu.memory_space<hbm>> -> memref<1x2x128xi32, #tpu.memory_space<hbm>>
      %dma_wait3A_164 = tpu.memref_squeeze %dma_wait3A_163 : memref<1x2x128xi32, #tpu.memory_space<hbm>> -> memref<2x128xi32, #tpu.memory_space<hbm>>
      tpu.wait_dma2 semaphore(%arg16 : memref<!tpu.dma_semaphore, #tpu.memory_space<semaphore_mem>>) src(%dma_wait3A_164 : memref<2x128xi32, #tpu.memory_space<hbm>>) dst(%arg9 : memref<2x128xi32, #tpu.memory_space<vmem>>)
      %dma_start3A_165 = arith.constant 0 : i32
      %dma_start3A_166 = arith.constant 0 : i32
      %dma_start3A_167 = tpu.memref_slice %arg9[%dma_start3A_165, %dma_start3A_166] : memref<2x128xi32, #tpu.memory_space<vmem>> -> memref<1x128xi32, #tpu.memory_space<vmem>>
      %dma_start3A_168 = tpu.memref_squeeze %dma_start3A_167 : memref<1x128xi32, #tpu.memory_space<vmem>> -> memref<128xi32, #tpu.memory_space<vmem>>
      %dma_start3A_169 = arith.constant 0 : i32
      %dma_start3A_170 = arith.constant 0 : i32
      %dma_start3A_171 = tpu.memref_slice %arg2[%dma_start3A_169, %dma_start3A_170] : memref<10000x128xf32, #tpu.memory_space<hbm>> -> memref<10000x128xf32, #tpu.memory_space<hbm>>
      tpu.enqueue_indirect_dma source(%dma_start3A_171 : memref<10000x128xf32, #tpu.memory_space<hbm>>) target(%arg11 : memref<128x128xf32, #tpu.memory_space<vmem>>) offsets(%dma_start3A_168 : memref<128xi32, #tpu.memory_space<vmem>>) semaphore(%arg18 : memref<!tpu.dma_semaphore, #tpu.memory_space<semaphore_mem>>)
      %dma_wait3A_172 = arith.constant 0 : i32
      %dma_wait3A_173 = arith.constant 0 : i32
      %dma_wait3A_174 = tpu.memref_slice %arg8[%dma_wait3A_172, %dma_wait3A_173] : memref<2x128xi32, #tpu.memory_space<vmem>> -> memref<1x128xi32, #tpu.memory_space<vmem>>
      %dma_wait3A_175 = tpu.memref_squeeze %dma_wait3A_174 : memref<1x128xi32, #tpu.memory_space<vmem>> -> memref<128xi32, #tpu.memory_space<vmem>>
      %dma_wait3A_176 = arith.constant 0 : i32
      %dma_wait3A_177 = arith.constant 0 : i32
      %dma_wait3A_178 = tpu.memref_slice %arg2[%dma_wait3A_176, %dma_wait3A_177] : memref<10000x128xf32, #tpu.memory_space<hbm>> -> memref<10000x128xf32, #tpu.memory_space<hbm>>
      tpu.wait_indirect_dma semaphore(%arg17 : memref<!tpu.dma_semaphore, #tpu.memory_space<semaphore_mem>>) src(%dma_wait3A_178 : memref<10000x128xf32, #tpu.memory_space<hbm>>) dst(%arg10 : memref<128x128xf32, #tpu.memory_space<vmem>>)
      %run_scoped3A_179 = arith.constant 1 : i32
      "tpu.region"() ({
        %run_scoped3A_202 = tpu.sem_alloc : memref<!tpu.dma_semaphore, #tpu.memory_space<semaphore_mem>>
        %dma_start3A_203 = arith.constant 0 : i32
        %dma_start3A_204 = tpu.memref_slice %arg8[%run_scoped3A_179, %dma_start3A_203] : memref<2x128xi32, #tpu.memory_space<vmem>> -> memref<1x128xi32, #tpu.memory_space<vmem>>
        %dma_start3A_205 = tpu.memref_squeeze %dma_start3A_204 : memref<1x128xi32, #tpu.memory_space<vmem>> -> memref<128xi32, #tpu.memory_space<vmem>>
        %dma_start3A_206 = arith.constant 0 : i32
        %dma_start3A_207 = arith.constant 0 : i32
        %dma_start3A_208 = tpu.memref_slice %arg12[%dma_start3A_206, %dma_start3A_207] : memref<10240x128xf32, #tpu.memory_space<vmem_shared>> -> memref<10240x128xf32, #tpu.memory_space<vmem_shared>>
        tpu.enqueue_indirect_dma source(%arg10 : memref<128x128xf32, #tpu.memory_space<vmem>>) target(%dma_start3A_208 : memref<10240x128xf32, #tpu.memory_space<vmem_shared>>) offsets(%dma_start3A_205 : memref<128xi32, #tpu.memory_space<vmem>>) semaphore(%run_scoped3A_202 : memref<!tpu.dma_semaphore, #tpu.memory_space<semaphore_mem>>) {add = true}
        %dma_wait3A_209 = arith.constant 0 : i32
        %dma_wait3A_210 = tpu.memref_slice %arg8[%run_scoped3A_179, %dma_wait3A_209] : memref<2x128xi32, #tpu.memory_space<vmem>> -> memref<1x128xi32, #tpu.memory_space<vmem>>
        %dma_wait3A_211 = tpu.memref_squeeze %dma_wait3A_210 : memref<1x128xi32, #tpu.memory_space<vmem>> -> memref<128xi32, #tpu.memory_space<vmem>>
        %dma_wait3A_212 = arith.constant 0 : i32
        %dma_wait3A_213 = arith.constant 0 : i32
        %dma_wait3A_214 = tpu.memref_slice %arg12[%dma_wait3A_212, %dma_wait3A_213] : memref<10240x128xf32, #tpu.memory_space<vmem_shared>> -> memref<10240x128xf32, #tpu.memory_space<vmem_shared>>
        tpu.wait_indirect_dma semaphore(%run_scoped3A_202 : memref<!tpu.dma_semaphore, #tpu.memory_space<semaphore_mem>>) src(%arg10 : memref<128x128xf32, #tpu.memory_space<vmem>>) dst(%dma_wait3A_214 : memref<10240x128xf32, #tpu.memory_space<vmem_shared>>)
        tpu.yield
      }) : () -> ()
      %mul3A_180 = arith.constant 4 : i32
      %mul3A_181 = arith.muli %mul3A_180, %scan3A_75 : i32
      %add3A_182 = arith.constant 3 : i32
      %add3A_183 = arith.addi %mul3A_181, %add3A_182 : i32
      %lt3A_184 = arith.constant 19 : i32
      %lt3A_185 = arith.cmpi slt, %scan3A_75, %lt3A_184 : i32
      %convert_element_type3A_186 = arith.extui %lt3A_185 : i1 to i32
      %cond3A_187 = arith.constant 0 : i32
      %cond3A_188 = arith.cmpi ne, %convert_element_type3A_186, %cond3A_187 : i32
      scf.if %cond3A_188 {
        %add3A_202 = arith.addi %mul3A_14, %add3A_183 : i32
        %add3A_203 = arith.constant 2 : i32
        %add3A_204 = arith.addi %add3A_202, %add3A_203 : i32
        %dma_start3A_205 = arith.constant 0 : i32
        %dma_start3A_206 = arith.constant 0 : i32
        %dma_start3A_207 = tpu.memref_slice %arg3[%add3A_204, %dma_start3A_205, %dma_start3A_206] : memref<2560x2x128xi32, #tpu.memory_space<hbm>> -> memref<1x2x128xi32, #tpu.memory_space<hbm>>
        %dma_start3A_208 = tpu.memref_squeeze %dma_start3A_207 : memref<1x2x128xi32, #tpu.memory_space<hbm>> -> memref<2x128xi32, #tpu.memory_space<hbm>>
        %dma_start3A_209 = arith.constant 0 : i32
        %dma_start3A_210 = arith.constant 0 : i32
        %dma_start3A_211 = tpu.memref_slice %arg3[%add3A_204, %dma_start3A_209, %dma_start3A_210] : memref<2560x2x128xi32, #tpu.memory_space<hbm>> -> memref<1x2x128xi32, #tpu.memory_space<hbm>>
        %dma_start3A_212 = tpu.memref_squeeze %dma_start3A_211 : memref<1x2x128xi32, #tpu.memory_space<hbm>> -> memref<2x128xi32, #tpu.memory_space<hbm>>
        tpu.enqueue_dma source(%dma_start3A_212 : memref<2x128xi32, #tpu.memory_space<hbm>>) target(%arg7 : memref<2x128xi32, #tpu.memory_space<vmem>>) target_semaphore(%arg14 : memref<!tpu.dma_semaphore, #tpu.memory_space<semaphore_mem>>)
      } else {
      }
      %lt3A_189 = arith.constant 19 : i32
      %lt3A_190 = arith.cmpi slt, %scan3A_75, %lt3A_189 : i32
      %convert_element_type3A_191 = arith.extui %lt3A_190 : i1 to i32
      %cond3A_192 = arith.constant 0 : i32
      %cond3A_193 = arith.cmpi ne, %convert_element_type3A_191, %cond3A_192 : i32
      scf.if %cond3A_193 {
        %dma_wait3A_202 = arith.constant 0 : i32
        %dma_wait3A_203 = arith.constant 0 : i32
        %dma_wait3A_204 = tpu.memref_slice %arg3[%mul3A_14, %dma_wait3A_202, %dma_wait3A_203] : memref<2560x2x128xi32, #tpu.memory_space<hbm>> -> memref<1x2x128xi32, #tpu.memory_space<hbm>>
        %dma_wait3A_205 = tpu.memref_squeeze %dma_wait3A_204 : memref<1x2x128xi32, #tpu.memory_space<hbm>> -> memref<2x128xi32, #tpu.memory_space<hbm>>
        %dma_wait3A_206 = arith.constant 0 : i32
        %dma_wait3A_207 = arith.constant 0 : i32
        %dma_wait3A_208 = tpu.memref_slice %arg3[%mul3A_14, %dma_wait3A_206, %dma_wait3A_207] : memref<2560x2x128xi32, #tpu.memory_space<hbm>> -> memref<1x2x128xi32, #tpu.memory_space<hbm>>
        %dma_wait3A_209 = tpu.memref_squeeze %dma_wait3A_208 : memref<1x2x128xi32, #tpu.memory_space<hbm>> -> memref<2x128xi32, #tpu.memory_space<hbm>>
        tpu.wait_dma2 semaphore(%arg13 : memref<!tpu.dma_semaphore, #tpu.memory_space<semaphore_mem>>) src(%dma_wait3A_209 : memref<2x128xi32, #tpu.memory_space<hbm>>) dst(%arg6 : memref<2x128xi32, #tpu.memory_space<vmem>>)
        %dma_start3A_210 = arith.constant 0 : i32
        %dma_start3A_211 = arith.constant 0 : i32
        %dma_start3A_212 = tpu.memref_slice %arg6[%dma_start3A_210, %dma_start3A_211] : memref<2x128xi32, #tpu.memory_space<vmem>> -> memref<1x128xi32, #tpu.memory_space<vmem>>
        %dma_start3A_213 = tpu.memref_squeeze %dma_start3A_212 : memref<1x128xi32, #tpu.memory_space<vmem>> -> memref<128xi32, #tpu.memory_space<vmem>>
        %dma_start3A_214 = arith.constant 0 : i32
        %dma_start3A_215 = arith.constant 0 : i32
        %dma_start3A_216 = tpu.memref_slice %arg2[%dma_start3A_214, %dma_start3A_215] : memref<10000x128xf32, #tpu.memory_space<hbm>> -> memref<10000x128xf32, #tpu.memory_space<hbm>>
        tpu.enqueue_indirect_dma source(%dma_start3A_216 : memref<10000x128xf32, #tpu.memory_space<hbm>>) target(%arg10 : memref<128x128xf32, #tpu.memory_space<vmem>>) offsets(%dma_start3A_213 : memref<128xi32, #tpu.memory_space<vmem>>) semaphore(%arg17 : memref<!tpu.dma_semaphore, #tpu.memory_space<semaphore_mem>>)
      } else {
      }
      %dma_wait3A_194 = arith.constant 0 : i32
      %dma_wait3A_195 = arith.constant 0 : i32
      %dma_wait3A_196 = tpu.memref_slice %arg9[%dma_wait3A_194, %dma_wait3A_195] : memref<2x128xi32, #tpu.memory_space<vmem>> -> memref<1x128xi32, #tpu.memory_space<vmem>>
      %dma_wait3A_197 = tpu.memref_squeeze %dma_wait3A_196 : memref<1x128xi32, #tpu.memory_space<vmem>> -> memref<128xi32, #tpu.memory_space<vmem>>
      %dma_wait3A_198 = arith.constant 0 : i32
      %dma_wait3A_199 = arith.constant 0 : i32
      %dma_wait3A_200 = tpu.memref_slice %arg2[%dma_wait3A_198, %dma_wait3A_199] : memref<10000x128xf32, #tpu.memory_space<hbm>> -> memref<10000x128xf32, #tpu.memory_space<hbm>>
      tpu.wait_indirect_dma semaphore(%arg18 : memref<!tpu.dma_semaphore, #tpu.memory_space<semaphore_mem>>) src(%dma_wait3A_200 : memref<10000x128xf32, #tpu.memory_space<hbm>>) dst(%arg11 : memref<128x128xf32, #tpu.memory_space<vmem>>)
      %run_scoped3A_201 = arith.constant 1 : i32
      "tpu.region"() ({
        %run_scoped3A_202 = tpu.sem_alloc : memref<!tpu.dma_semaphore, #tpu.memory_space<semaphore_mem>>
        %dma_start3A_203 = arith.constant 0 : i32
        %dma_start3A_204 = tpu.memref_slice %arg9[%run_scoped3A_201, %dma_start3A_203] : memref<2x128xi32, #tpu.memory_space<vmem>> -> memref<1x128xi32, #tpu.memory_space<vmem>>
        %dma_start3A_205 = tpu.memref_squeeze %dma_start3A_204 : memref<1x128xi32, #tpu.memory_space<vmem>> -> memref<128xi32, #tpu.memory_space<vmem>>
        %dma_start3A_206 = arith.constant 0 : i32
        %dma_start3A_207 = arith.constant 0 : i32
        %dma_start3A_208 = tpu.memref_slice %arg12[%dma_start3A_206, %dma_start3A_207] : memref<10240x128xf32, #tpu.memory_space<vmem_shared>> -> memref<10240x128xf32, #tpu.memory_space<vmem_shared>>
        tpu.enqueue_indirect_dma source(%arg11 : memref<128x128xf32, #tpu.memory_space<vmem>>) target(%dma_start3A_208 : memref<10240x128xf32, #tpu.memory_space<vmem_shared>>) offsets(%dma_start3A_205 : memref<128xi32, #tpu.memory_space<vmem>>) semaphore(%run_scoped3A_202 : memref<!tpu.dma_semaphore, #tpu.memory_space<semaphore_mem>>) {add = true}
        %dma_wait3A_209 = arith.constant 0 : i32
        %dma_wait3A_210 = tpu.memref_slice %arg9[%run_scoped3A_201, %dma_wait3A_209] : memref<2x128xi32, #tpu.memory_space<vmem>> -> memref<1x128xi32, #tpu.memory_space<vmem>>
        %dma_wait3A_211 = tpu.memref_squeeze %dma_wait3A_210 : memref<1x128xi32, #tpu.memory_space<vmem>> -> memref<128xi32, #tpu.memory_space<vmem>>
        %dma_wait3A_212 = arith.constant 0 : i32
        %dma_wait3A_213 = arith.constant 0 : i32
        %dma_wait3A_214 = tpu.memref_slice %arg12[%dma_wait3A_212, %dma_wait3A_213] : memref<10240x128xf32, #tpu.memory_space<vmem_shared>> -> memref<10240x128xf32, #tpu.memory_space<vmem_shared>>
        tpu.wait_indirect_dma semaphore(%run_scoped3A_202 : memref<!tpu.dma_semaphore, #tpu.memory_space<semaphore_mem>>) src(%arg11 : memref<128x128xf32, #tpu.memory_space<vmem>>) dst(%dma_wait3A_214 : memref<10240x128xf32, #tpu.memory_space<vmem_shared>>)
        tpu.yield
      }) : () -> ()
    }
    %scan3A_50 = arith.constant 20 : i32
    %barrier3A_51 = arith.constant 0 : index
    tpu.barrier barrier_id(%barrier3A_51)
    %mul3A_52 = arith.constant 10240 : i32
    %mul3A_53 = arith.muli %arg0, %mul3A_52 : i32
    %add3A_54 = arith.addi %mul3A_53, %mul3A_0 : i32
    %add3A_55 = arith.constant 0 : i32
    %add3A_56 = arith.addi %mul3A_0, %add3A_55 : i32
    "tpu.region"() ({
      %run_scoped3A = tpu.sem_alloc : memref<!tpu.dma_semaphore, #tpu.memory_space<semaphore_mem>>
      %dma_start3A_75 = arith.constant 0 : i32
      %dma_start3A_76 = tpu.memref_slice %arg12[%add3A_56, %dma_start3A_75] : memref<10240x128xf32, #tpu.memory_space<vmem_shared>> -> memref<128x128xf32, #tpu.memory_space<vmem_shared>>
      %dma_start3A_77 = arith.constant 0 : i32
      %dma_start3A_78 = tpu.memref_slice %arg12[%add3A_56, %dma_start3A_77] : memref<10240x128xf32, #tpu.memory_space<vmem_shared>> -> memref<128x128xf32, #tpu.memory_space<vmem_shared>>
      tpu.enqueue_dma source(%dma_start3A_78 : memref<128x128xf32, #tpu.memory_space<vmem_shared>>) target(%arg10 : memref<128x128xf32, #tpu.memory_space<vmem>>) target_semaphore(%run_scoped3A : memref<!tpu.dma_semaphore, #tpu.memory_space<semaphore_mem>>)
      %dma_wait3A_79 = arith.constant 0 : i32
      %dma_wait3A_80 = tpu.memref_slice %arg12[%add3A_56, %dma_wait3A_79] : memref<10240x128xf32, #tpu.memory_space<vmem_shared>> -> memref<128x128xf32, #tpu.memory_space<vmem_shared>>
      %dma_wait3A_81 = arith.constant 0 : i32
      %dma_wait3A_82 = tpu.memref_slice %arg12[%add3A_56, %dma_wait3A_81] : memref<10240x128xf32, #tpu.memory_space<vmem_shared>> -> memref<128x128xf32, #tpu.memory_space<vmem_shared>>
      tpu.wait_dma2 semaphore(%run_scoped3A : memref<!tpu.dma_semaphore, #tpu.memory_space<semaphore_mem>>) src(%dma_wait3A_82 : memref<128x128xf32, #tpu.memory_space<vmem_shared>>) dst(%arg10 : memref<128x128xf32, #tpu.memory_space<vmem>>)
      tpu.yield
    }) : () -> ()
    %add3A_57 = arith.constant 0 : i32
    %add3A_58 = arith.addi %add3A_54, %add3A_57 : i32
    "tpu.region"() ({
      %run_scoped3A = tpu.sem_alloc : memref<!tpu.dma_semaphore, #tpu.memory_space<semaphore_mem>>
      %dma_start3A_75 = arith.constant 0 : i32
      %dma_start3A_76 = tpu.memref_slice %arg5[%add3A_58, %dma_start3A_75] : memref<20480x128xf32, #tpu.memory_space<hbm>> -> memref<128x128xf32, #tpu.memory_space<hbm>>
      %dma_start3A_77 = arith.constant 0 : i32
      %dma_start3A_78 = tpu.memref_slice %arg5[%add3A_58, %dma_start3A_77] : memref<20480x128xf32, #tpu.memory_space<hbm>> -> memref<128x128xf32, #tpu.memory_space<hbm>>
      tpu.enqueue_dma source(%arg10 : memref<128x128xf32, #tpu.memory_space<vmem>>) target(%dma_start3A_78 : memref<128x128xf32, #tpu.memory_space<hbm>>) target_semaphore(%run_scoped3A : memref<!tpu.dma_semaphore, #tpu.memory_space<semaphore_mem>>)
      %dma_wait3A_79 = arith.constant 0 : i32
      %dma_wait3A_80 = tpu.memref_slice %arg5[%add3A_58, %dma_wait3A_79] : memref<20480x128xf32, #tpu.memory_space<hbm>> -> memref<128x128xf32, #tpu.memory_space<hbm>>
      %dma_wait3A_81 = arith.constant 0 : i32
      %dma_wait3A_82 = tpu.memref_slice %arg5[%add3A_58, %dma_wait3A_81] : memref<20480x128xf32, #tpu.memory_space<hbm>> -> memref<128x128xf32, #tpu.memory_space<hbm>>
      tpu.wait_dma2 semaphore(%run_scoped3A : memref<!tpu.dma_semaphore, #tpu.memory_space<semaphore_mem>>) src(%arg10 : memref<128x128xf32, #tpu.memory_space<vmem>>) dst(%dma_wait3A_82 : memref<128x128xf32, #tpu.memory_space<hbm>>)
      tpu.yield
    }) : () -> ()
    %add3A_59 = arith.constant 128 : i32
    %add3A_60 = arith.addi %mul3A_0, %add3A_59 : i32
    "tpu.region"() ({
      %run_scoped3A = tpu.sem_alloc : memref<!tpu.dma_semaphore, #tpu.memory_space<semaphore_mem>>
      %dma_start3A_75 = arith.constant 0 : i32
      %dma_start3A_76 = tpu.memref_slice %arg12[%add3A_60, %dma_start3A_75] : memref<10240x128xf32, #tpu.memory_space<vmem_shared>> -> memref<128x128xf32, #tpu.memory_space<vmem_shared>>
      %dma_start3A_77 = arith.constant 0 : i32
      %dma_start3A_78 = tpu.memref_slice %arg12[%add3A_60, %dma_start3A_77] : memref<10240x128xf32, #tpu.memory_space<vmem_shared>> -> memref<128x128xf32, #tpu.memory_space<vmem_shared>>
      tpu.enqueue_dma source(%dma_start3A_78 : memref<128x128xf32, #tpu.memory_space<vmem_shared>>) target(%arg10 : memref<128x128xf32, #tpu.memory_space<vmem>>) target_semaphore(%run_scoped3A : memref<!tpu.dma_semaphore, #tpu.memory_space<semaphore_mem>>)
      %dma_wait3A_79 = arith.constant 0 : i32
      %dma_wait3A_80 = tpu.memref_slice %arg12[%add3A_60, %dma_wait3A_79] : memref<10240x128xf32, #tpu.memory_space<vmem_shared>> -> memref<128x128xf32, #tpu.memory_space<vmem_shared>>
      %dma_wait3A_81 = arith.constant 0 : i32
      %dma_wait3A_82 = tpu.memref_slice %arg12[%add3A_60, %dma_wait3A_81] : memref<10240x128xf32, #tpu.memory_space<vmem_shared>> -> memref<128x128xf32, #tpu.memory_space<vmem_shared>>
      tpu.wait_dma2 semaphore(%run_scoped3A : memref<!tpu.dma_semaphore, #tpu.memory_space<semaphore_mem>>) src(%dma_wait3A_82 : memref<128x128xf32, #tpu.memory_space<vmem_shared>>) dst(%arg10 : memref<128x128xf32, #tpu.memory_space<vmem>>)
      tpu.yield
    }) : () -> ()
    %add3A_61 = arith.constant 128 : i32
    %add3A_62 = arith.addi %add3A_54, %add3A_61 : i32
    "tpu.region"() ({
      %run_scoped3A = tpu.sem_alloc : memref<!tpu.dma_semaphore, #tpu.memory_space<semaphore_mem>>
      %dma_start3A_75 = arith.constant 0 : i32
      %dma_start3A_76 = tpu.memref_slice %arg5[%add3A_62, %dma_start3A_75] : memref<20480x128xf32, #tpu.memory_space<hbm>> -> memref<128x128xf32, #tpu.memory_space<hbm>>
      %dma_start3A_77 = arith.constant 0 : i32
      %dma_start3A_78 = tpu.memref_slice %arg5[%add3A_62, %dma_start3A_77] : memref<20480x128xf32, #tpu.memory_space<hbm>> -> memref<128x128xf32, #tpu.memory_space<hbm>>
      tpu.enqueue_dma source(%arg10 : memref<128x128xf32, #tpu.memory_space<vmem>>) target(%dma_start3A_78 : memref<128x128xf32, #tpu.memory_space<hbm>>) target_semaphore(%run_scoped3A : memref<!tpu.dma_semaphore, #tpu.memory_space<semaphore_mem>>)
      %dma_wait3A_79 = arith.constant 0 : i32
      %dma_wait3A_80 = tpu.memref_slice %arg5[%add3A_62, %dma_wait3A_79] : memref<20480x128xf32, #tpu.memory_space<hbm>> -> memref<128x128xf32, #tpu.memory_space<hbm>>
      %dma_wait3A_81 = arith.constant 0 : i32
      %dma_wait3A_82 = tpu.memref_slice %arg5[%add3A_62, %dma_wait3A_81] : memref<20480x128xf32, #tpu.memory_space<hbm>> -> memref<128x128xf32, #tpu.memory_space<hbm>>
      tpu.wait_dma2 semaphore(%run_scoped3A : memref<!tpu.dma_semaphore, #tpu.memory_space<semaphore_mem>>) src(%arg10 : memref<128x128xf32, #tpu.memory_space<vmem>>) dst(%dma_wait3A_82 : memref<128x128xf32, #tpu.memory_space<hbm>>)
      tpu.yield
    }) : () -> ()
    %add3A_63 = arith.constant 256 : i32
    %add3A_64 = arith.addi %mul3A_0, %add3A_63 : i32
    "tpu.region"() ({
      %run_scoped3A = tpu.sem_alloc : memref<!tpu.dma_semaphore, #tpu.memory_space<semaphore_mem>>
      %dma_start3A_75 = arith.constant 0 : i32
      %dma_start3A_76 = tpu.memref_slice %arg12[%add3A_64, %dma_start3A_75] : memref<10240x128xf32, #tpu.memory_space<vmem_shared>> -> memref<128x128xf32, #tpu.memory_space<vmem_shared>>
      %dma_start3A_77 = arith.constant 0 : i32
      %dma_start3A_78 = tpu.memref_slice %arg12[%add3A_64, %dma_start3A_77] : memref<10240x128xf32, #tpu.memory_space<vmem_shared>> -> memref<128x128xf32, #tpu.memory_space<vmem_shared>>
      tpu.enqueue_dma source(%dma_start3A_78 : memref<128x128xf32, #tpu.memory_space<vmem_shared>>) target(%arg10 : memref<128x128xf32, #tpu.memory_space<vmem>>) target_semaphore(%run_scoped3A : memref<!tpu.dma_semaphore, #tpu.memory_space<semaphore_mem>>)
      %dma_wait3A_79 = arith.constant 0 : i32
      %dma_wait3A_80 = tpu.memref_slice %arg12[%add3A_64, %dma_wait3A_79] : memref<10240x128xf32, #tpu.memory_space<vmem_shared>> -> memref<128x128xf32, #tpu.memory_space<vmem_shared>>
      %dma_wait3A_81 = arith.constant 0 : i32
      %dma_wait3A_82 = tpu.memref_slice %arg12[%add3A_64, %dma_wait3A_81] : memref<10240x128xf32, #tpu.memory_space<vmem_shared>> -> memref<128x128xf32, #tpu.memory_space<vmem_shared>>
      tpu.wait_dma2 semaphore(%run_scoped3A : memref<!tpu.dma_semaphore, #tpu.memory_space<semaphore_mem>>) src(%dma_wait3A_82 : memref<128x128xf32, #tpu.memory_space<vmem_shared>>) dst(%arg10 : memref<128x128xf32, #tpu.memory_space<vmem>>)
      tpu.yield
    }) : () -> ()
    %add3A_65 = arith.constant 256 : i32
    %add3A_66 = arith.addi %add3A_54, %add3A_65 : i32
    "tpu.region"() ({
      %run_scoped3A = tpu.sem_alloc : memref<!tpu.dma_semaphore, #tpu.memory_space<semaphore_mem>>
      %dma_start3A_75 = arith.constant 0 : i32
      %dma_start3A_76 = tpu.memref_slice %arg5[%add3A_66, %dma_start3A_75] : memref<20480x128xf32, #tpu.memory_space<hbm>> -> memref<128x128xf32, #tpu.memory_space<hbm>>
      %dma_start3A_77 = arith.constant 0 : i32
      %dma_start3A_78 = tpu.memref_slice %arg5[%add3A_66, %dma_start3A_77] : memref<20480x128xf32, #tpu.memory_space<hbm>> -> memref<128x128xf32, #tpu.memory_space<hbm>>
      tpu.enqueue_dma source(%arg10 : memref<128x128xf32, #tpu.memory_space<vmem>>) target(%dma_start3A_78 : memref<128x128xf32, #tpu.memory_space<hbm>>) target_semaphore(%run_scoped3A : memref<!tpu.dma_semaphore, #tpu.memory_space<semaphore_mem>>)
      %dma_wait3A_79 = arith.constant 0 : i32
      %dma_wait3A_80 = tpu.memref_slice %arg5[%add3A_66, %dma_wait3A_79] : memref<20480x128xf32, #tpu.memory_space<hbm>> -> memref<128x128xf32, #tpu.memory_space<hbm>>
      %dma_wait3A_81 = arith.constant 0 : i32
      %dma_wait3A_82 = tpu.memref_slice %arg5[%add3A_66, %dma_wait3A_81] : memref<20480x128xf32, #tpu.memory_space<hbm>> -> memref<128x128xf32, #tpu.memory_space<hbm>>
      tpu.wait_dma2 semaphore(%run_scoped3A : memref<!tpu.dma_semaphore, #tpu.memory_space<semaphore_mem>>) src(%arg10 : memref<128x128xf32, #tpu.memory_space<vmem>>) dst(%dma_wait3A_82 : memref<128x128xf32, #tpu.memory_space<hbm>>)
      tpu.yield
    }) : () -> ()
    %add3A_67 = arith.constant 384 : i32
    %add3A_68 = arith.addi %mul3A_0, %add3A_67 : i32
    "tpu.region"() ({
      %run_scoped3A = tpu.sem_alloc : memref<!tpu.dma_semaphore, #tpu.memory_space<semaphore_mem>>
      %dma_start3A_75 = arith.constant 0 : i32
      %dma_start3A_76 = tpu.memref_slice %arg12[%add3A_68, %dma_start3A_75] : memref<10240x128xf32, #tpu.memory_space<vmem_shared>> -> memref<128x128xf32, #tpu.memory_space<vmem_shared>>
      %dma_start3A_77 = arith.constant 0 : i32
      %dma_start3A_78 = tpu.memref_slice %arg12[%add3A_68, %dma_start3A_77] : memref<10240x128xf32, #tpu.memory_space<vmem_shared>> -> memref<128x128xf32, #tpu.memory_space<vmem_shared>>
      tpu.enqueue_dma source(%dma_start3A_78 : memref<128x128xf32, #tpu.memory_space<vmem_shared>>) target(%arg10 : memref<128x128xf32, #tpu.memory_space<vmem>>) target_semaphore(%run_scoped3A : memref<!tpu.dma_semaphore, #tpu.memory_space<semaphore_mem>>)
      %dma_wait3A_79 = arith.constant 0 : i32
      %dma_wait3A_80 = tpu.memref_slice %arg12[%add3A_68, %dma_wait3A_79] : memref<10240x128xf32, #tpu.memory_space<vmem_shared>> -> memref<128x128xf32, #tpu.memory_space<vmem_shared>>
      %dma_wait3A_81 = arith.constant 0 : i32
      %dma_wait3A_82 = tpu.memref_slice %arg12[%add3A_68, %dma_wait3A_81] : memref<10240x128xf32, #tpu.memory_space<vmem_shared>> -> memref<128x128xf32, #tpu.memory_space<vmem_shared>>
      tpu.wait_dma2 semaphore(%run_scoped3A : memref<!tpu.dma_semaphore, #tpu.memory_space<semaphore_mem>>) src(%dma_wait3A_82 : memref<128x128xf32, #tpu.memory_space<vmem_shared>>) dst(%arg10 : memref<128x128xf32, #tpu.memory_space<vmem>>)
      tpu.yield
    }) : () -> ()
    %add3A_69 = arith.constant 384 : i32
    %add3A_70 = arith.addi %add3A_54, %add3A_69 : i32
    "tpu.region"() ({
      %run_scoped3A = tpu.sem_alloc : memref<!tpu.dma_semaphore, #tpu.memory_space<semaphore_mem>>
      %dma_start3A_75 = arith.constant 0 : i32
      %dma_start3A_76 = tpu.memref_slice %arg5[%add3A_70, %dma_start3A_75] : memref<20480x128xf32, #tpu.memory_space<hbm>> -> memref<128x128xf32, #tpu.memory_space<hbm>>
      %dma_start3A_77 = arith.constant 0 : i32
      %dma_start3A_78 = tpu.memref_slice %arg5[%add3A_70, %dma_start3A_77] : memref<20480x128xf32, #tpu.memory_space<hbm>> -> memref<128x128xf32, #tpu.memory_space<hbm>>
      tpu.enqueue_dma source(%arg10 : memref<128x128xf32, #tpu.memory_space<vmem>>) target(%dma_start3A_78 : memref<128x128xf32, #tpu.memory_space<hbm>>) target_semaphore(%run_scoped3A : memref<!tpu.dma_semaphore, #tpu.memory_space<semaphore_mem>>)
      %dma_wait3A_79 = arith.constant 0 : i32
      %dma_wait3A_80 = tpu.memref_slice %arg5[%add3A_70, %dma_wait3A_79] : memref<20480x128xf32, #tpu.memory_space<hbm>> -> memref<128x128xf32, #tpu.memory_space<hbm>>
      %dma_wait3A_81 = arith.constant 0 : i32
      %dma_wait3A_82 = tpu.memref_slice %arg5[%add3A_70, %dma_wait3A_81] : memref<20480x128xf32, #tpu.memory_space<hbm>> -> memref<128x128xf32, #tpu.memory_space<hbm>>
      tpu.wait_dma2 semaphore(%run_scoped3A : memref<!tpu.dma_semaphore, #tpu.memory_space<semaphore_mem>>) src(%arg10 : memref<128x128xf32, #tpu.memory_space<vmem>>) dst(%dma_wait3A_82 : memref<128x128xf32, #tpu.memory_space<hbm>>)
      tpu.yield
    }) : () -> ()
    %add3A_71 = arith.constant 512 : i32
    %add3A_72 = arith.addi %mul3A_0, %add3A_71 : i32
    "tpu.region"() ({
      %run_scoped3A = tpu.sem_alloc : memref<!tpu.dma_semaphore, #tpu.memory_space<semaphore_mem>>
      %dma_start3A_75 = arith.constant 0 : i32
      %dma_start3A_76 = tpu.memref_slice %arg12[%add3A_72, %dma_start3A_75] : memref<10240x128xf32, #tpu.memory_space<vmem_shared>> -> memref<128x128xf32, #tpu.memory_space<vmem_shared>>
      %dma_start3A_77 = arith.constant 0 : i32
      %dma_start3A_78 = tpu.memref_slice %arg12[%add3A_72, %dma_start3A_77] : memref<10240x128xf32, #tpu.memory_space<vmem_shared>> -> memref<128x128xf32, #tpu.memory_space<vmem_shared>>
      tpu.enqueue_dma source(%dma_start3A_78 : memref<128x128xf32, #tpu.memory_space<vmem_shared>>) target(%arg10 : memref<128x128xf32, #tpu.memory_space<vmem>>) target_semaphore(%run_scoped3A : memref<!tpu.dma_semaphore, #tpu.memory_space<semaphore_mem>>)
      %dma_wait3A_79 = arith.constant 0 : i32
      %dma_wait3A_80 = tpu.memref_slice %arg12[%add3A_72, %dma_wait3A_79] : memref<10240x128xf32, #tpu.memory_space<vmem_shared>> -> memref<128x128xf32, #tpu.memory_space<vmem_shared>>
      %dma_wait3A_81 = arith.constant 0 : i32
      %dma_wait3A_82 = tpu.memref_slice %arg12[%add3A_72, %dma_wait3A_81] : memref<10240x128xf32, #tpu.memory_space<vmem_shared>> -> memref<128x128xf32, #tpu.memory_space<vmem_shared>>
      tpu.wait_dma2 semaphore(%run_scoped3A : memref<!tpu.dma_semaphore, #tpu.memory_space<semaphore_mem>>) src(%dma_wait3A_82 : memref<128x128xf32, #tpu.memory_space<vmem_shared>>) dst(%arg10 : memref<128x128xf32, #tpu.memory_space<vmem>>)
      tpu.yield
    }) : () -> ()
    %add3A_73 = arith.constant 512 : i32
    %add3A_74 = arith.addi %add3A_54, %add3A_73 : i32
    "tpu.region"() ({
      %run_scoped3A = tpu.sem_alloc : memref<!tpu.dma_semaphore, #tpu.memory_space<semaphore_mem>>
      %dma_start3A_75 = arith.constant 0 : i32
      %dma_start3A_76 = tpu.memref_slice %arg5[%add3A_74, %dma_start3A_75] : memref<20480x128xf32, #tpu.memory_space<hbm>> -> memref<128x128xf32, #tpu.memory_space<hbm>>
      %dma_start3A_77 = arith.constant 0 : i32
      %dma_start3A_78 = tpu.memref_slice %arg5[%add3A_74, %dma_start3A_77] : memref<20480x128xf32, #tpu.memory_space<hbm>> -> memref<128x128xf32, #tpu.memory_space<hbm>>
      tpu.enqueue_dma source(%arg10 : memref<128x128xf32, #tpu.memory_space<vmem>>) target(%dma_start3A_78 : memref<128x128xf32, #tpu.memory_space<hbm>>) target_semaphore(%run_scoped3A : memref<!tpu.dma_semaphore, #tpu.memory_space<semaphore_mem>>)
      %dma_wait3A_79 = arith.constant 0 : i32
      %dma_wait3A_80 = tpu.memref_slice %arg5[%add3A_74, %dma_wait3A_79] : memref<20480x128xf32, #tpu.memory_space<hbm>> -> memref<128x128xf32, #tpu.memory_space<hbm>>
      %dma_wait3A_81 = arith.constant 0 : i32
      %dma_wait3A_82 = tpu.memref_slice %arg5[%add3A_74, %dma_wait3A_81] : memref<20480x128xf32, #tpu.memory_space<hbm>> -> memref<128x128xf32, #tpu.memory_space<hbm>>
      tpu.wait_dma2 semaphore(%run_scoped3A : memref<!tpu.dma_semaphore, #tpu.memory_space<semaphore_mem>>) src(%arg10 : memref<128x128xf32, #tpu.memory_space<vmem>>) dst(%dma_wait3A_82 : memref<128x128xf32, #tpu.memory_space<hbm>>)
      tpu.yield
    }) : () -> ()
    return
  }
}

module attributes {stable_mosaic.version = 14 : i64} {
  func.func @_pre_body(%arg0: i32, %arg1: memref<1000x128xf32, #tpu.memory_space<vmem>>, %arg2: memref<128x256xf32, #tpu.memory_space<vmem>>, %arg3: memref<1000x128xf32, #tpu.memory_space<vmem>>, %arg4: memref<1000x128xf32, #tpu.memory_space<vmem>>) attributes {dimension_semantics = [#tpu.dimension_semantics<arbitrary>], iteration_bounds = array<i64: 10>, scalar_prefetch = 0 : i64, scratch_operands = 0 : i64, tpu.core_type = #tpu.core_type<tc>, window_params = [{transform_indices = @transform_0, window_bounds = array<i64: 1000, 128>}, {pipeline_mode = #tpu.pipeline_mode<synchronous>, transform_indices = @transform_1, window_bounds = array<i64: 128, 256>}, {transform_indices = @transform_2, window_bounds = array<i64: 1000, 128>}, {transform_indices = @transform_3, window_bounds = array<i64: 1000, 128>}]} {
    %get3A = arith.constant 0 : index
    %get3A_0 = arith.constant 0 : index
    %get3A_1 = vector.load %arg1[%get3A, %get3A_0] : memref<1000x128xf32, #tpu.memory_space<vmem>>, vector<1000x128xf32>
    %get3A_2 = arith.constant 0 : index
    %get3A_3 = arith.constant 0 : index
    %get3A_4 = vector.load %arg2[%get3A_2, %get3A_3] : memref<128x256xf32, #tpu.memory_space<vmem>>, vector<128x256xf32>
    %dot_general3A = arith.constant dense<0.000000e+00> : vector<1000x256xf32>
    %dot_general3A_5 = tpu.matmul %get3A_1, %get3A_4, %dot_general3A {dimension_numbers = #tpu.dot_dimension_numbers<[1], [0], [0], [1], [0, 0, 1, 1], [], []>, transpose_lhs_hint = false} : vector<1000x128xf32>, vector<128x256xf32>, vector<1000x256xf32> -> vector<1000x256xf32>
    %slice3A = vector.extract_strided_slice %dot_general3A_5 {offsets = [0, 0], sizes = [1000, 128], strides = [1, 1]} : vector<1000x256xf32> to vector<1000x128xf32>
    %swap3A = arith.constant 0 : index
    %swap3A_6 = arith.constant 0 : index
    %swap3A_7 = vector.load %arg3[%swap3A, %swap3A_6] : memref<1000x128xf32, #tpu.memory_space<vmem>>, vector<1000x128xf32>
    tpu.vector_store %arg3[%swap3A, %swap3A_6], %slice3A {strides = array<i32>} : memref<1000x128xf32, #tpu.memory_space<vmem>>, vector<1000x128xf32>,
    %slice3A_8 = vector.extract_strided_slice %dot_general3A_5 {offsets = [0, 128], sizes = [1000, 128], strides = [1, 1]} : vector<1000x256xf32> to vector<1000x128xf32>
    %swap3A_9 = arith.constant 0 : index
    %swap3A_10 = arith.constant 0 : index
    %swap3A_11 = vector.load %arg4[%swap3A_9, %swap3A_10] : memref<1000x128xf32, #tpu.memory_space<vmem>>, vector<1000x128xf32>
    tpu.vector_store %arg4[%swap3A_9, %swap3A_10], %slice3A_8 {strides = array<i32>} : memref<1000x128xf32, #tpu.memory_space<vmem>>, vector<1000x128xf32>,
    return
  }
  func.func @transform_0(%arg0: i32) -> (i32, i32) {
    %c0_i32 = arith.constant 0 : i32
    %c0_i32_0 = arith.constant 0 : i32
    return %arg0, %c0_i32 : i32, i32
  }
  func.func @transform_1(%arg0: i32) -> (i32, i32) {
    %c0_i32 = arith.constant 0 : i32
    %c0_i32_0 = arith.constant 0 : i32
    %c0_i32_1 = arith.constant 0 : i32
    return %c0_i32, %c0_i32_0 : i32, i32
  }
  func.func @transform_2(%arg0: i32) -> (i32, i32) {
    %c0_i32 = arith.constant 0 : i32
    %c0_i32_0 = arith.constant 0 : i32
    return %arg0, %c0_i32 : i32, i32
  }
  func.func @transform_3(%arg0: i32) -> (i32, i32) {
    %c0_i32 = arith.constant 0 : i32
    %c0_i32_0 = arith.constant 0 : i32
    return %arg0, %c0_i32 : i32, i32
  }
}

module attributes {stable_mosaic.version = 14 : i64} {
  func.func @_mid_body(%arg0: i32, %arg1: memref<1000x128xf32, #tpu.memory_space<vmem>>, %arg2: memref<1000x128xf32, #tpu.memory_space<vmem>>, %arg3: memref<1000x128xf32, #tpu.memory_space<vmem>>, %arg4: memref<1000x128xf32, #tpu.memory_space<vmem>>, %arg5: memref<1000x128xf32, #tpu.memory_space<vmem>>, %arg6: memref<1x128xf32, #tpu.memory_space<vmem>>, %arg7: memref<128x256xf32, #tpu.memory_space<vmem>>, %arg8: memref<1000x128xf32, #tpu.memory_space<vmem>>, %arg9: memref<1000x128xf32, #tpu.memory_space<vmem>>) attributes {dimension_semantics = [#tpu.dimension_semantics<arbitrary>], iteration_bounds = array<i64: 10>, scalar_prefetch = 0 : i64, scratch_operands = 0 : i64, tpu.core_type = #tpu.core_type<tc>, window_params = [{transform_indices = @transform_0, window_bounds = array<i64: 1000, 128>}, {transform_indices = @transform_1, window_bounds = array<i64: 1000, 128>}, {transform_indices = @transform_2, window_bounds = array<i64: 1000, 128>}, {transform_indices = @transform_3, window_bounds = array<i64: 1000, 128>}, {transform_indices = @transform_4, window_bounds = array<i64: 1000, 128>}, {pipeline_mode = #tpu.pipeline_mode<synchronous>, transform_indices = @transform_5, window_bounds = array<i64: 1, 128>}, {pipeline_mode = #tpu.pipeline_mode<synchronous>, transform_indices = @transform_6, window_bounds = array<i64: 128, 256>}, {transform_indices = @transform_7, window_bounds = array<i64: 1000, 128>}, {transform_indices = @transform_8, window_bounds = array<i64: 1000, 128>}]} {
    %get3A = arith.constant 0 : index
    %get3A_0 = arith.constant 0 : index
    %get3A_1 = vector.load %arg4[%get3A, %get3A_0] : memref<1000x128xf32, #tpu.memory_space<vmem>>, vector<1000x1xf32>
    %get3A_2 = arith.constant 0 : index
    %get3A_3 = arith.constant 0 : index
    %get3A_4 = vector.load %arg5[%get3A_2, %get3A_3] : memref<1000x128xf32, #tpu.memory_space<vmem>>, vector<1000x1xf32>
    %add3A = arith.addf %get3A_1, %get3A_4 : vector<1000x1xf32>
    %get3A_5 = arith.constant 0 : index
    %get3A_6 = arith.constant 0 : index
    %get3A_7 = vector.load %arg2[%get3A_5, %get3A_6] : memref<1000x128xf32, #tpu.memory_space<vmem>>, vector<1000x128xf32>
    %get3A_8 = arith.constant 0 : index
    %get3A_9 = arith.constant 0 : index
    %get3A_10 = vector.load %arg3[%get3A_8, %get3A_9] : memref<1000x128xf32, #tpu.memory_space<vmem>>, vector<1000x128xf32>
    %add3A_11 = arith.addf %get3A_7, %get3A_10 : vector<1000x128xf32>
    %max3A = arith.constant 1.000000e+00 : f32
    %max3A_12 = vector.broadcast %max3A : f32 to vector<1000x1xf32>
    %max3A_13 = arith.maximumf %add3A, %max3A_12 : vector<1000x1xf32>
    %div3A = vector.broadcast %max3A_13 : vector<1000x1xf32> to vector<1000x128xf32>
    %div3A_14 = arith.divf %add3A_11, %div3A : vector<1000x128xf32>
    %get3A_15 = arith.constant 0 : index
    %get3A_16 = arith.constant 0 : index
    %get3A_17 = vector.load %arg1[%get3A_15, %get3A_16] : memref<1000x128xf32, #tpu.memory_space<vmem>>, vector<1000x128xf32>
    %add3A_18 = arith.addf %get3A_17, %div3A_14 : vector<1000x128xf32>
    %get3A_19 = arith.constant 0 : index
    %get3A_20 = arith.constant 0 : index
    %get3A_21 = vector.load %arg6[%get3A_19, %get3A_20] : memref<1x128xf32, #tpu.memory_space<vmem>>, vector<1x128xf32>
    %add3A_22 = vector.broadcast %get3A_21 : vector<1x128xf32> to vector<1000x128xf32>
    %add3A_23 = arith.addf %add3A_18, %add3A_22 : vector<1000x128xf32>
    %logistic3A = arith.negf %add3A_23 : vector<1000x128xf32>
    %logistic3A_24 = math.exp %logistic3A : vector<1000x128xf32>
    %logistic3A_25 = arith.constant 1.000000e+00 : f32
    %logistic3A_26 = vector.broadcast %logistic3A_25 : f32 to vector<1000x128xf32>
    %logistic3A_27 = arith.addf %logistic3A_26, %logistic3A_24 : vector<1000x128xf32>
    %logistic3A_28 = arith.divf %logistic3A_26, %logistic3A_27 : vector<1000x128xf32>
    %get3A_29 = arith.constant 0 : index
    %get3A_30 = arith.constant 0 : index
    %get3A_31 = vector.load %arg7[%get3A_29, %get3A_30] : memref<128x256xf32, #tpu.memory_space<vmem>>, vector<128x256xf32>
    %dot_general3A = arith.constant dense<0.000000e+00> : vector<1000x256xf32>
    %dot_general3A_32 = tpu.matmul %logistic3A_28, %get3A_31, %dot_general3A {dimension_numbers = #tpu.dot_dimension_numbers<[1], [0], [0], [1], [0, 0, 1, 1], [], []>, transpose_lhs_hint = false} : vector<1000x128xf32>, vector<128x256xf32>, vector<1000x256xf32> -> vector<1000x256xf32>
    %slice3A = vector.extract_strided_slice %dot_general3A_32 {offsets = [0, 0], sizes = [1000, 128], strides = [1, 1]} : vector<1000x256xf32> to vector<1000x128xf32>
    %swap3A = arith.constant 0 : index
    %swap3A_33 = arith.constant 0 : index
    %swap3A_34 = vector.load %arg8[%swap3A, %swap3A_33] : memref<1000x128xf32, #tpu.memory_space<vmem>>, vector<1000x128xf32>
    tpu.vector_store %arg8[%swap3A, %swap3A_33], %slice3A {strides = array<i32>} : memref<1000x128xf32, #tpu.memory_space<vmem>>, vector<1000x128xf32>,
    %slice3A_35 = vector.extract_strided_slice %dot_general3A_32 {offsets = [0, 128], sizes = [1000, 128], strides = [1, 1]} : vector<1000x256xf32> to vector<1000x128xf32>
    %swap3A_36 = arith.constant 0 : index
    %swap3A_37 = arith.constant 0 : index
    %swap3A_38 = vector.load %arg9[%swap3A_36, %swap3A_37] : memref<1000x128xf32, #tpu.memory_space<vmem>>, vector<1000x128xf32>
    tpu.vector_store %arg9[%swap3A_36, %swap3A_37], %slice3A_35 {strides = array<i32>} : memref<1000x128xf32, #tpu.memory_space<vmem>>, vector<1000x128xf32>,
    return
  }
  func.func @transform_0(%arg0: i32) -> (i32, i32) {
    %c0_i32 = arith.constant 0 : i32
    %c0_i32_0 = arith.constant 0 : i32
    return %arg0, %c0_i32 : i32, i32
  }
  func.func @transform_1(%arg0: i32) -> (i32, i32) {
    %c0_i32 = arith.constant 0 : i32
    %c0_i32_0 = arith.constant 0 : i32
    return %arg0, %c0_i32 : i32, i32
  }
  func.func @transform_2(%arg0: i32) -> (i32, i32) {
    %c0_i32 = arith.constant 0 : i32
    %c0_i32_0 = arith.constant 0 : i32
    return %arg0, %c0_i32 : i32, i32
  }
  func.func @transform_3(%arg0: i32) -> (i32, i32) {
    %c0_i32 = arith.constant 0 : i32
    %c0_i32_0 = arith.constant 0 : i32
    return %arg0, %c0_i32 : i32, i32
  }
  func.func @transform_4(%arg0: i32) -> (i32, i32) {
    %c0_i32 = arith.constant 0 : i32
    %c0_i32_0 = arith.constant 0 : i32
    return %arg0, %c0_i32 : i32, i32
  }
  func.func @transform_5(%arg0: i32) -> (i32, i32) {
    %c0_i32 = arith.constant 0 : i32
    %c0_i32_0 = arith.constant 0 : i32
    %c0_i32_1 = arith.constant 0 : i32
    return %c0_i32, %c0_i32_0 : i32, i32
  }
  func.func @transform_6(%arg0: i32) -> (i32, i32) {
    %c0_i32 = arith.constant 0 : i32
    %c0_i32_0 = arith.constant 0 : i32
    %c0_i32_1 = arith.constant 0 : i32
    return %c0_i32, %c0_i32_0 : i32, i32
  }
  func.func @transform_7(%arg0: i32) -> (i32, i32) {
    %c0_i32 = arith.constant 0 : i32
    %c0_i32_0 = arith.constant 0 : i32
    return %arg0, %c0_i32 : i32, i32
  }
  func.func @transform_8(%arg0: i32) -> (i32, i32) {
    %c0_i32 = arith.constant 0 : i32
    %c0_i32_0 = arith.constant 0 : i32
    return %arg0, %c0_i32 : i32, i32
  }
}

module attributes {stable_mosaic.version = 14 : i64} {
  func.func @_post_body(%arg0: i32, %arg1: memref<1000x128xf32, #tpu.memory_space<vmem>>, %arg2: memref<1000x128xf32, #tpu.memory_space<vmem>>, %arg3: memref<1000x128xf32, #tpu.memory_space<vmem>>, %arg4: memref<1000x128xf32, #tpu.memory_space<vmem>>, %arg5: memref<1000x128xf32, #tpu.memory_space<vmem>>, %arg6: memref<1x128xf32, #tpu.memory_space<vmem>>, %arg7: memref<128x128xf32, #tpu.memory_space<vmem>>, %arg8: memref<1x128xf32, #tpu.memory_space<vmem>>, %arg9: memref<256x128xf32, #tpu.memory_space<vmem>>, %arg10: memref<1x128xf32, #tpu.memory_space<vmem>>, %arg11: memref<128x128xf32, #tpu.memory_space<vmem>>, %arg12: memref<1x128xf32, #tpu.memory_space<vmem>>, %arg13: memref<1x128xf32, #tpu.memory_space<vmem>>, %arg14: memref<1x128xf32, #tpu.memory_space<vmem>>, %arg15: memref<1x128xf32, #tpu.memory_space<vmem>>) attributes {dimension_semantics = [#tpu.dimension_semantics<arbitrary>], iteration_bounds = array<i64: 10>, scalar_prefetch = 0 : i64, scratch_operands = 2 : i64, tpu.core_type = #tpu.core_type<tc>, window_params = [{transform_indices = @transform_0, window_bounds = array<i64: 1000, 128>}, {transform_indices = @transform_1, window_bounds = array<i64: 1000, 128>}, {transform_indices = @transform_2, window_bounds = array<i64: 1000, 128>}, {transform_indices = @transform_3, window_bounds = array<i64: 1000, 128>}, {transform_indices = @transform_4, window_bounds = array<i64: 1000, 128>}, {pipeline_mode = #tpu.pipeline_mode<synchronous>, transform_indices = @transform_5, window_bounds = array<i64: 1, 128>}, {pipeline_mode = #tpu.pipeline_mode<synchronous>, transform_indices = @transform_6, window_bounds = array<i64: 128, 128>}, {pipeline_mode = #tpu.pipeline_mode<synchronous>, transform_indices = @transform_7, window_bounds = array<i64: 1, 128>}, {pipeline_mode = #tpu.pipeline_mode<synchronous>, transform_indices = @transform_8, window_bounds = array<i64: 256, 128>}, {pipeline_mode = #tpu.pipeline_mode<synchronous>, transform_indices = @transform_9, window_bounds = array<i64: 1, 128>}, {pipeline_mode = #tpu.pipeline_mode<synchronous>, transform_indices = @transform_10, window_bounds = array<i64: 128, 128>}, {pipeline_mode = #tpu.pipeline_mode<synchronous>, transform_indices = @transform_11, window_bounds = array<i64: 1, 128>}, {pipeline_mode = #tpu.pipeline_mode<synchronous>, transform_indices = @transform_12, window_bounds = array<i64: 1, 128>}]} {
    %get3A = arith.constant 0 : index
    %get3A_0 = arith.constant 0 : index
    %get3A_1 = vector.load %arg4[%get3A, %get3A_0] : memref<1000x128xf32, #tpu.memory_space<vmem>>, vector<1000x1xf32>
    %get3A_2 = arith.constant 0 : index
    %get3A_3 = arith.constant 0 : index
    %get3A_4 = vector.load %arg5[%get3A_2, %get3A_3] : memref<1000x128xf32, #tpu.memory_space<vmem>>, vector<1000x1xf32>
    %add3A = arith.addf %get3A_1, %get3A_4 : vector<1000x1xf32>
    %get3A_5 = arith.constant 0 : index
    %get3A_6 = arith.constant 0 : index
    %get3A_7 = vector.load %arg2[%get3A_5, %get3A_6] : memref<1000x128xf32, #tpu.memory_space<vmem>>, vector<1000x128xf32>
    %get3A_8 = arith.constant 0 : index
    %get3A_9 = arith.constant 0 : index
    %get3A_10 = vector.load %arg3[%get3A_8, %get3A_9] : memref<1000x128xf32, #tpu.memory_space<vmem>>, vector<1000x128xf32>
    %add3A_11 = arith.addf %get3A_7, %get3A_10 : vector<1000x128xf32>
    %max3A = arith.constant 1.000000e+00 : f32
    %max3A_12 = vector.broadcast %max3A : f32 to vector<1000x1xf32>
    %max3A_13 = arith.maximumf %add3A, %max3A_12 : vector<1000x1xf32>
    %div3A = vector.broadcast %max3A_13 : vector<1000x1xf32> to vector<1000x128xf32>
    %div3A_14 = arith.divf %add3A_11, %div3A : vector<1000x128xf32>
    %get3A_15 = arith.constant 0 : index
    %get3A_16 = arith.constant 0 : index
    %get3A_17 = vector.load %arg1[%get3A_15, %get3A_16] : memref<1000x128xf32, #tpu.memory_space<vmem>>, vector<1000x128xf32>
    %add3A_18 = arith.addf %get3A_17, %div3A_14 : vector<1000x128xf32>
    %get3A_19 = arith.constant 0 : index
    %get3A_20 = arith.constant 0 : index
    %get3A_21 = vector.load %arg6[%get3A_19, %get3A_20] : memref<1x128xf32, #tpu.memory_space<vmem>>, vector<1x128xf32>
    %add3A_22 = vector.broadcast %get3A_21 : vector<1x128xf32> to vector<1000x128xf32>
    %add3A_23 = arith.addf %add3A_18, %add3A_22 : vector<1000x128xf32>
    %logistic3A = arith.negf %add3A_23 : vector<1000x128xf32>
    %logistic3A_24 = math.exp %logistic3A : vector<1000x128xf32>
    %logistic3A_25 = arith.constant 1.000000e+00 : f32
    %logistic3A_26 = vector.broadcast %logistic3A_25 : f32 to vector<1000x128xf32>
    %logistic3A_27 = arith.addf %logistic3A_26, %logistic3A_24 : vector<1000x128xf32>
    %logistic3A_28 = arith.divf %logistic3A_26, %logistic3A_27 : vector<1000x128xf32>
    %get3A_29 = arith.constant 0 : index
    %get3A_30 = arith.constant 0 : index
    %get3A_31 = vector.load %arg7[%get3A_29, %get3A_30] : memref<128x128xf32, #tpu.memory_space<vmem>>, vector<128x128xf32>
    %dot_general3A = arith.constant dense<0.000000e+00> : vector<1000x128xf32>
    %dot_general3A_32 = tpu.matmul %logistic3A_28, %get3A_31, %dot_general3A {dimension_numbers = #tpu.dot_dimension_numbers<[1], [0], [0], [1], [0, 0, 1, 1], [], []>, transpose_lhs_hint = false} : vector<1000x128xf32>, vector<128x128xf32>, vector<1000x128xf32> -> vector<1000x128xf32>
    %slice3A = vector.extract_strided_slice %dot_general3A_32 {offsets = [0, 0], sizes = [1000, 1], strides = [1, 1]} : vector<1000x128xf32> to vector<1000x1xf32>
    %get3A_33 = arith.constant 0 : index
    %get3A_34 = arith.constant 0 : index
    %get3A_35 = vector.load %arg8[%get3A_33, %get3A_34] : memref<1x128xf32, #tpu.memory_space<vmem>>, vector<1x1xf32>
    %get3A_36 = vector.extract %get3A_35[0, 0] : f32 from vector<1x1xf32>
    %add3A_37 = vector.broadcast %get3A_36 : f32 to vector<1000x1xf32>
    %add3A_38 = arith.addf %slice3A, %add3A_37 : vector<1000x1xf32>
    %logistic3A_39 = arith.negf %add3A_38 : vector<1000x1xf32>
    %logistic3A_40 = math.exp %logistic3A_39 : vector<1000x1xf32>
    %logistic3A_41 = arith.constant 1.000000e+00 : f32
    %logistic3A_42 = vector.broadcast %logistic3A_41 : f32 to vector<1000x1xf32>
    %logistic3A_43 = arith.addf %logistic3A_42, %logistic3A_40 : vector<1000x1xf32>
    %logistic3A_44 = arith.divf %logistic3A_42, %logistic3A_43 : vector<1000x1xf32>
    %mul3A = vector.broadcast %logistic3A_44 : vector<1000x1xf32> to vector<1000x128xf32>
    %mul3A_45 = arith.mulf %mul3A, %logistic3A_28 : vector<1000x128xf32>
    %reduce_sum3A = arith.constant dense<0.000000e+00> : vector<128xf32>
    %reduce_sum3A_46 = vector.multi_reduction <add>, %mul3A_45, %reduce_sum3A [0] : vector<1000x128xf32> to vector<128xf32>
    %broadcast_in_dim3A = vector.shape_cast %reduce_sum3A_46 : vector<128xf32> to vector<1x128xf32>
    %reduce_max3A = arith.constant dense<0xFF800000> : vector<128xf32>
    %reduce_max3A_47 = vector.multi_reduction <maximumf>, %logistic3A_28, %reduce_max3A [0] : vector<1000x128xf32> to vector<128xf32>
    %broadcast_in_dim3A_48 = vector.shape_cast %reduce_max3A_47 : vector<128xf32> to vector<1x128xf32>
    %eq3A = arith.constant 0 : i32
    %eq3A_49 = arith.cmpi eq, %arg0, %eq3A : i32
    %convert_element_type3A = arith.extui %eq3A_49 : i1 to i32
    %cond3A = arith.constant 0 : i32
    %cond3A_50 = arith.cmpi ne, %convert_element_type3A, %cond3A : i32
    scf.if %cond3A_50 {
      %swap3A = arith.constant 0 : index
      %swap3A_60 = arith.constant 0 : index
      %swap3A_61 = vector.load %arg14[%swap3A, %swap3A_60] : memref<1x128xf32, #tpu.memory_space<vmem>>, vector<1x128xf32>
      tpu.vector_store %arg14[%swap3A, %swap3A_60], %broadcast_in_dim3A {strides = array<i32>} : memref<1x128xf32, #tpu.memory_space<vmem>>, vector<1x128xf32>,
      %swap3A_62 = arith.constant 0 : index
      %swap3A_63 = arith.constant 0 : index
      %swap3A_64 = vector.load %arg15[%swap3A_62, %swap3A_63] : memref<1x128xf32, #tpu.memory_space<vmem>>, vector<1x128xf32>
      tpu.vector_store %arg15[%swap3A_62, %swap3A_63], %broadcast_in_dim3A_48 {strides = array<i32>} : memref<1x128xf32, #tpu.memory_space<vmem>>, vector<1x128xf32>,
    } else {
    }
    %gt3A = arith.constant 0 : i32
    %gt3A_51 = arith.cmpi sgt, %arg0, %gt3A : i32
    %convert_element_type3A_52 = arith.extui %gt3A_51 : i1 to i32
    %cond3A_53 = arith.constant 0 : i32
    %cond3A_54 = arith.cmpi ne, %convert_element_type3A_52, %cond3A_53 : i32
    scf.if %cond3A_54 {
      %get3A_60 = arith.constant 0 : index
      %get3A_61 = arith.constant 0 : index
      %get3A_62 = vector.load %arg14[%get3A_60, %get3A_61] : memref<1x128xf32, #tpu.memory_space<vmem>>, vector<1x128xf32>
      %add3A_63 = arith.addf %get3A_62, %broadcast_in_dim3A : vector<1x128xf32>
      %swap3A = arith.constant 0 : index
      %swap3A_64 = arith.constant 0 : index
      %swap3A_65 = vector.load %arg14[%swap3A, %swap3A_64] : memref<1x128xf32, #tpu.memory_space<vmem>>, vector<1x128xf32>
      tpu.vector_store %arg14[%swap3A, %swap3A_64], %add3A_63 {strides = array<i32>} : memref<1x128xf32, #tpu.memory_space<vmem>>, vector<1x128xf32>,
      %get3A_66 = arith.constant 0 : index
      %get3A_67 = arith.constant 0 : index
      %get3A_68 = vector.load %arg15[%get3A_66, %get3A_67] : memref<1x128xf32, #tpu.memory_space<vmem>>, vector<1x128xf32>
      %max3A_69 = arith.maximumf %get3A_68, %broadcast_in_dim3A_48 : vector<1x128xf32>
      %swap3A_70 = arith.constant 0 : index
      %swap3A_71 = arith.constant 0 : index
      %swap3A_72 = vector.load %arg15[%swap3A_70, %swap3A_71] : memref<1x128xf32, #tpu.memory_space<vmem>>, vector<1x128xf32>
      tpu.vector_store %arg15[%swap3A_70, %swap3A_71], %max3A_69 {strides = array<i32>} : memref<1x128xf32, #tpu.memory_space<vmem>>, vector<1x128xf32>,
    } else {
    }
    %eq3A_55 = arith.constant 9 : i32
    %eq3A_56 = arith.cmpi eq, %arg0, %eq3A_55 : i32
    %convert_element_type3A_57 = arith.extui %eq3A_56 : i1 to i32
    %cond3A_58 = arith.constant 0 : i32
    %cond3A_59 = arith.cmpi ne, %convert_element_type3A_57, %cond3A_58 : i32
    scf.if %cond3A_59 {
      %get3A_60 = arith.constant 0 : index
      %get3A_61 = arith.constant 0 : index
      %get3A_62 = vector.load %arg14[%get3A_60, %get3A_61] : memref<1x128xf32, #tpu.memory_space<vmem>>, vector<1x128xf32>
      %get3A_63 = arith.constant 0 : index
      %get3A_64 = arith.constant 0 : index
      %get3A_65 = vector.load %arg15[%get3A_63, %get3A_64] : memref<1x128xf32, #tpu.memory_space<vmem>>, vector<1x128xf32>
      %concatenate3A = tpu.concatenate %get3A_62, %get3A_65 in 1 : vector<1x128xf32>, vector<1x128xf32> -> vector<1x256xf32>
      %get3A_66 = arith.constant 0 : index
      %get3A_67 = arith.constant 0 : index
      %get3A_68 = vector.load %arg9[%get3A_66, %get3A_67] : memref<256x128xf32, #tpu.memory_space<vmem>>, vector<256x128xf32>
      %dot_general3A_69 = arith.constant dense<0.000000e+00> : vector<1x128xf32>
      %dot_general3A_70 = tpu.matmul %concatenate3A, %get3A_68, %dot_general3A_69 {dimension_numbers = #tpu.dot_dimension_numbers<[1], [0], [0], [1], [0, 0, 1, 1], [], []>, transpose_lhs_hint = false} : vector<1x256xf32>, vector<256x128xf32>, vector<1x128xf32> -> vector<1x128xf32>
      %get3A_71 = arith.constant 0 : index
      %get3A_72 = arith.constant 0 : index
      %get3A_73 = vector.load %arg10[%get3A_71, %get3A_72] : memref<1x128xf32, #tpu.memory_space<vmem>>, vector<1x128xf32>
      %add3A_74 = arith.addf %dot_general3A_70, %get3A_73 : vector<1x128xf32>
      %logistic3A_75 = arith.negf %add3A_74 : vector<1x128xf32>
      %logistic3A_76 = math.exp %logistic3A_75 : vector<1x128xf32>
      %logistic3A_77 = arith.constant 1.000000e+00 : f32
      %logistic3A_78 = vector.broadcast %logistic3A_77 : f32 to vector<1x128xf32>
      %logistic3A_79 = arith.addf %logistic3A_78, %logistic3A_76 : vector<1x128xf32>
      %logistic3A_80 = arith.divf %logistic3A_78, %logistic3A_79 : vector<1x128xf32>
      %get3A_81 = arith.constant 0 : index
      %get3A_82 = arith.constant 0 : index
      %get3A_83 = vector.load %arg11[%get3A_81, %get3A_82] : memref<128x128xf32, #tpu.memory_space<vmem>>, vector<128x128xf32>
      %dot_general3A_84 = arith.constant dense<0.000000e+00> : vector<1x128xf32>
      %dot_general3A_85 = tpu.matmul %logistic3A_80, %get3A_83, %dot_general3A_84 {dimension_numbers = #tpu.dot_dimension_numbers<[1], [0], [0], [1], [0, 0, 1, 1], [], []>, transpose_lhs_hint = false} : vector<1x128xf32>, vector<128x128xf32>, vector<1x128xf32> -> vector<1x128xf32>
      %slice3A_86 = vector.extract_strided_slice %dot_general3A_85 {offsets = [0, 0], sizes = [1, 1], strides = [1, 1]} : vector<1x128xf32> to vector<1x1xf32>
      %get3A_87 = arith.constant 0 : index
      %get3A_88 = arith.constant 0 : index
      %get3A_89 = vector.load %arg12[%get3A_87, %get3A_88] : memref<1x128xf32, #tpu.memory_space<vmem>>, vector<1x1xf32>
      %get3A_90 = vector.extract %get3A_89[0, 0] : f32 from vector<1x1xf32>
      %add3A_91 = vector.broadcast %get3A_90 : f32 to vector<1x1xf32>
      %add3A_92 = arith.addf %slice3A_86, %add3A_91 : vector<1x1xf32>
      %logistic3A_93 = arith.negf %add3A_92 : vector<1x1xf32>
      %logistic3A_94 = math.exp %logistic3A_93 : vector<1x1xf32>
      %logistic3A_95 = arith.constant 1.000000e+00 : f32
      %logistic3A_96 = vector.broadcast %logistic3A_95 : f32 to vector<1x1xf32>
      %logistic3A_97 = arith.addf %logistic3A_96, %logistic3A_94 : vector<1x1xf32>
      %logistic3A_98 = arith.divf %logistic3A_96, %logistic3A_97 : vector<1x1xf32>
      %broadcast_in_dim3A_99 = vector.shape_cast %logistic3A_98 : vector<1x1xf32> to vector<1x1xf32>
      %broadcast_in_dim3A_100 = vector.broadcast %broadcast_in_dim3A_99 : vector<1x1xf32> to vector<1x128xf32>
      %swap3A = arith.constant 0 : index
      %swap3A_101 = arith.constant 0 : index
      %swap3A_102 = vector.load %arg13[%swap3A, %swap3A_101] : memref<1x128xf32, #tpu.memory_space<vmem>>, vector<1x128xf32>
      tpu.vector_store %arg13[%swap3A, %swap3A_101], %broadcast_in_dim3A_100 {strides = array<i32>} : memref<1x128xf32, #tpu.memory_space<vmem>>, vector<1x128xf32>,
    } else {
    }
    return
  }
  func.func @transform_0(%arg0: i32) -> (i32, i32) {
    %c0_i32 = arith.constant 0 : i32
    %c0_i32_0 = arith.constant 0 : i32
    return %arg0, %c0_i32 : i32, i32
  }
  func.func @transform_1(%arg0: i32) -> (i32, i32) {
    %c0_i32 = arith.constant 0 : i32
    %c0_i32_0 = arith.constant 0 : i32
    return %arg0, %c0_i32 : i32, i32
  }
  func.func @transform_2(%arg0: i32) -> (i32, i32) {
    %c0_i32 = arith.constant 0 : i32
    %c0_i32_0 = arith.constant 0 : i32
    return %arg0, %c0_i32 : i32, i32
  }
  func.func @transform_3(%arg0: i32) -> (i32, i32) {
    %c0_i32 = arith.constant 0 : i32
    %c0_i32_0 = arith.constant 0 : i32
    return %arg0, %c0_i32 : i32, i32
  }
  func.func @transform_4(%arg0: i32) -> (i32, i32) {
    %c0_i32 = arith.constant 0 : i32
    %c0_i32_0 = arith.constant 0 : i32
    return %arg0, %c0_i32 : i32, i32
  }
  func.func @transform_5(%arg0: i32) -> (i32, i32) {
    %c0_i32 = arith.constant 0 : i32
    %c0_i32_0 = arith.constant 0 : i32
    %c0_i32_1 = arith.constant 0 : i32
    return %c0_i32, %c0_i32_0 : i32, i32
  }
  func.func @transform_6(%arg0: i32) -> (i32, i32) {
    %c0_i32 = arith.constant 0 : i32
    %c0_i32_0 = arith.constant 0 : i32
    %c0_i32_1 = arith.constant 0 : i32
    return %c0_i32, %c0_i32_0 : i32, i32
  }
  func.func @transform_7(%arg0: i32) -> (i32, i32) {
    %c0_i32 = arith.constant 0 : i32
    %c0_i32_0 = arith.constant 0 : i32
    %c0_i32_1 = arith.constant 0 : i32
    return %c0_i32, %c0_i32_0 : i32, i32
  }
  func.func @transform_8(%arg0: i32) -> (i32, i32) {
    %c0_i32 = arith.constant 0 : i32
    %c0_i32_0 = arith.constant 0 : i32
    %c0_i32_1 = arith.constant 0 : i32
    return %c0_i32, %c0_i32_0 : i32, i32
  }
  func.func @transform_9(%arg0: i32) -> (i32, i32) {
    %c0_i32 = arith.constant 0 : i32
    %c0_i32_0 = arith.constant 0 : i32
    %c0_i32_1 = arith.constant 0 : i32
    return %c0_i32, %c0_i32_0 : i32, i32
  }
  func.func @transform_10(%arg0: i32) -> (i32, i32) {
    %c0_i32 = arith.constant 0 : i32
    %c0_i32_0 = arith.constant 0 : i32
    %c0_i32_1 = arith.constant 0 : i32
    return %c0_i32, %c0_i32_0 : i32, i32
  }
  func.func @transform_11(%arg0: i32) -> (i32, i32) {
    %c0_i32 = arith.constant 0 : i32
    %c0_i32_0 = arith.constant 0 : i32
    %c0_i32_1 = arith.constant 0 : i32
    return %c0_i32, %c0_i32_0 : i32, i32
  }
  func.func @transform_12(%arg0: i32) -> (i32, i32) {
    %c0_i32 = arith.constant 0 : i32
    %c0_i32_0 = arith.constant 0 : i32
    %c0_i32_1 = arith.constant 0 : i32
    return %c0_i32, %c0_i32_0 : i32, i32
  }
}

</mosaic_0001>

<sc_bundles>
// kernel: kernel.11.cloned.1.call-start
scs
__scs_entry_jumppad:
0x0: {  	(pc) =	sbr.rel $0x88, $3  }
0x1: {  	(tag) =	ssettag $0x0;
	lr =	simm.s32 $0x1  }
0x2: {  	[smem:$0x3F93] =	sst lr;
	_ =	strace $0xD0000000  }
0x3: {  	_ = 	snop  }
0x4: {  	_ = 	snop  }
0x5: {  	_ = 	snop  }
0x6: {  	_ = 	snop  }
0x7: {  	_ = 	snop  }
__scs_overlays_trampoline_lowered:
0x8: {  	[smem:$0x3FA2] =	sst s0  }
0x9: {  	[smem:$0x3FA3] =	sst s1  }
0xa: {  	[smem:$0x3FA4] =	sst s2  }
0xb: {  	[smem:$0x3FA5] =	sst s3  }
0xc: {  	[smem:$0x3FA6] =	sst s4  }
0xd: {  	[smem:$0x3FA7] =	sst s5  }
0xe: {  	[smem:$0x3FA8] =	sst s6  }
0xf: {  	[smem:$0x3FA9] =	sst s7  }
0x10: {  	[smem:$0x3FAA] =	sst s8  }
0x11: {  	[smem:$0x3FAB] =	sst s9;
	s0 =	simm.s32 @!p0 $0x0  }
0x12: {  	s1 =	sld [smem:$0x3F91];
	s0 =	simm.s32 @p0 $0x1  }
0x13: {  	[smem:$0x3FAC] =	sst s0;
	s0 =	simm.s32 @!p1 $0x0  }
0x14: {  	s2 =	sld [smem:$0x3F90];
	s0 =	simm.s32 @p1 $0x1  }
0x15: {  	[smem:$0x3FAD] =	sst s0;
	s0 =	simm.s32 @!p2 $0x0  }
0x16: {  	s3 =	sld [smem:$0x3FDB];
	s0 =	simm.s32 @p2 $0x1  }
0x17: {  	s4 =	simm.s32 $0x1BF5;
	[smem:$0x3FAF] =	sst s0  }
0x18: {  	s0 =	sld [smem:$0x3F92];
	_ =	swait.ge [sflag:s4], $0x0  }
0x19: {  	s7 =	sld [smem:$0x3F93]  }
0x1a: {  	s8 =	sadd.s32 $0xFFFFE003, lr  }
0x1b: {  	s9 =	sadd.s32 $0xFFFFFEF7, lr;
	s5 =	simm.s32 $0xFFFFFFFF;
	p2 =	slt.u32 s8, $0xFFFFF086  }
0x1c: {  	p1 =	slt.u32 s9, $0xF7A;
	s5 =	simm.s32 @!p2 $0x0  }
0x1d: {  	s5 =	simm.s32 @p1 $0x1;
	p0 =	seq.s32 s7, s2  }
0x1e: {  	s7 =	smul.u32 @!p0 $0xF7A, s2;
	p2 =	seq.s32 @!p0 s5, $0x0  }
0x1f: {  	s9 =	smul.u32 $0xF7A, s1;
	s8 =	simm.s32 @!p0 $0x1BF5;
	p2 =	por !p2, p0  }
0x20: {  	[sflag:s8] =	ssyncset.s32 @!p0 $0xFFFFF086;
	s6 =	sadd.s32 @!p0 s3, s7;
	s7 =	simm.s32 @!p0 $0x108  }
0x21: {  	s3 =	sadd.s32 s3, s9;
	s6 =	sadd.s32 @!p0 $0x88, s6;
	s7 =	simm.s32 @p2 $0x1082  }
0x22: {  	[simem:s7], [sflag:s8] =	dma.local @!p0 [hbm:s6], $0xF7A  }
0x23: {  	s9 =	sor.u32 $0xD0000000, s2;
	s6 =	simm.s32 $0x108;
	_ =	swait.ge @!p0 [sflag:s8], $0x0  }
0x24: {  	s3 =	sadd.s32 $0x88, s3;
	s6 =	simm.s32 @!p1 $0x1082;
	[sflag:s4] =	ssyncset.s32 $0xFFFFF086  }
0x25: {  	[simem:s6], [sflag:s4] =	dma.local [hbm:s3], $0xF7A  }
0x26: {  	[smem:$0x3F93] =	sst s1;
	(tag) =	ssettag s2;
	_ =	strace s9  }
0x27: {  	s1 =	sld [smem:$0x3FA3]  }
0x28: {  	s2 =	sld [smem:$0x3FA4]  }
0x29: {  	s4 =	sld [smem:$0x3FA6]  }
0x2a: {  	p0 =	seq.s32 s5, $0x0;
	s5 =	sld [smem:$0x3FA7]  }
0x2b: {  	s6 =	sld [smem:$0x3FA8]  }
0x2c: {  	s7 =	sld [smem:$0x3FA9]  }
0x2d: {  	s3 =	simm.s32 $0x108;
	s8 =	sld [smem:$0x3FAA]  }
0x2e: {  	s3 =	simm.s32 @!p0 $0x1082;
	s9 =	sld [smem:$0x3FAB]  }
0x2f: {  	lr =	sadd.s32 s0, s3;
	s0 =	sld [smem:$0x3FA2]  }
0x30: {  	s3 =	sld [smem:$0x3FA5]  }
0x31: {  	[smem:$0x3FAE] =	sst s10  }
0x32: {  	s10 =	sld [smem:$0x3FAC];
	_ =	sdelay $0x3  }
0x33: {  	p0 =	seq.s32 s10, $0x1;
	s10 =	sld [smem:$0x3FAE];
	_ =	sdelay $0x3  }
0x34: {  	[smem:$0x3FAE] =	sst s10  }
0x35: {  	s10 =	sld [smem:$0x3FAD];
	_ =	sdelay $0x3  }
0x36: {  	p1 =	seq.s32 s10, $0x1;
	s10 =	sld [smem:$0x3FAE];
	_ =	sdelay $0x3  }
0x37: {  	[smem:$0x3FAE] =	sst s10  }
0x38: {  	s10 =	sld [smem:$0x3FAF]  }
0x39: {  	_ = 	snop;
	(pc) =	sbr.ind lr, $3  }
0x3a: {  	_ = 	snop  }
0x3b: {  	_ = 	snop  }
0x3c: {  	p2 =	seq.s32 s10, $0x1;
	s10 =	sld [smem:$0x3FAE]  }
0x3d: {  	_ =	shalt  }
0x3e: {  	_ =	shalt  }
0x3f: {  	_ =	shalt  }
0x40: {  	_ =	shalt  }
0x41: {  	_ =	shalt  }
0x42: {  	_ =	shalt  }
0x43: {  	_ =	shalt  }
0x44: {  	_ =	shalt  }
0x45: {  	_ =	shalt  }
0x46: {  	_ =	shalt  }
0x47: {  	_ =	shalt  }
0x48: {  	_ =	shalt  }
0x49: {  	_ =	shalt  }
0x4a: {  	_ =	shalt  }
0x4b: {  	_ =	shalt  }
0x4c: {  	_ =	shalt  }
0x4d: {  	_ =	shalt  }
0x4e: {  	_ =	shalt  }
0x4f: {  	_ =	shalt  }
0x50: {  	_ =	shalt  }
0x51: {  	_ =	shalt  }
0x52: {  	_ =	shalt  }
0x53: {  	_ =	shalt  }
0x54: {  	_ =	shalt  }
0x55: {  	_ =	shalt  }
0x56: {  	_ =	shalt  }
0x57: {  	_ =	shalt  }
0x58: {  	_ =	shalt  }
0x59: {  	_ =	shalt  }
0x5a: {  	_ =	shalt  }
0x5b: {  	_ =	shalt  }
0x5c: {  	_ =	shalt  }
0x5d: {  	_ =	shalt  }
0x5e: {  	_ =	shalt  }
0x5f: {  	_ =	shalt  }
0x60: {  	_ =	shalt  }
0x61: {  	_ =	shalt  }
0x62: {  	_ =	shalt  }
0x63: {  	_ =	shalt  }
0x64: {  	_ =	shalt  }
0x65: {  	_ =	shalt  }
0x66: {  	_ =	shalt  }
0x67: {  	_ =	shalt  }
0x68: {  	_ =	shalt  }
0x69: {  	_ =	shalt  }
0x6a: {  	_ =	shalt  }
0x6b: {  	_ =	shalt  }
0x6c: {  	_ =	shalt  }
0x6d: {  	_ =	shalt  }
0x6e: {  	_ =	shalt  }
0x6f: {  	_ =	shalt  }
0x70: {  	_ =	shalt  }
0x71: {  	_ =	shalt  }
0x72: {  	_ =	shalt  }
0x73: {  	_ =	shalt  }
0x74: {  	_ =	shalt  }
0x75: {  	_ =	shalt  }
0x76: {  	_ =	shalt  }
0x77: {  	_ =	shalt  }
0x78: {  	_ =	shalt  }
0x79: {  	_ =	shalt  }
0x7a: {  	_ =	shalt  }
0x7b: {  	_ =	shalt  }
0x7c: {  	_ =	shalt  }
0x7d: {  	_ =	shalt  }
0x7e: {  	_ =	shalt  }
0x7f: {  	_ =	shalt  }
0x80: {  	_ =	shalt  }
0x81: {  	_ =	shalt  }
0x82: {  	_ =	shalt  }
0x83: {  	_ =	shalt  }
0x84: {  	_ =	shalt  }
0x85: {  	_ =	shalt  }
0x86: {  	_ =	shalt  }
0x87: {  	_ =	shalt  }
.Lfunc_end0:
.L_simem_size_0:
called_computation.1_lowered:
.L_overlay_start_0:
0x88: {  	s2 =	sld [smem:$0x3FD9]  }
0x89: {  	s3 =	sld [smem:$0x3FFE];
	_ =	sdelay $0x1  }
0x8a: {  	s1 =	srdreg.scid  }
0x8b: {  	s0 =	sand.u32 $0x1, s1  }
0x8c: {  	s16 =	sshll.u32 s0, $0xA;
	s2 =	sadd.s32 s3, s2  }
0x8d: {  	s2 =	sadd.s32 s2, s16  }
0x8e: {  	[smem:$0x3FBA] =	sst s2  }
0x8f: {  	_ = 	snop  }
0x90: {  	(tm) =	ssettm $0x1  }
0x91: {  	s17 =	sld [smem:$0x3FFB];
	_ =	sdelay $0x3  }
0x92: {  	_ =	strace s17  }
0x93: {  	s2 =	sld [smem:$0x3FFC];
	_ =	sdelay $0x3  }
0x94: {  	_ =	strace s2  }
0x95: {  	s2 =	sld [smem:$0x3FFD];
	_ =	sdelay $0x3  }
0x96: {  	_ =	strace s2  }
0x97: {  	_ =	strace $0x8FFFFFFF  }
0x98: {  	s18 =	sld [smem:$0x3FDB];
	_ =	sdelay $0x1  }
0x99: {  	s19 =	simm.s32 $_scs_section_size  }
0x9a: {  	s4 =	simm.s32 $_size__tile_overlayer_lowered;
	s5 =	simm.s32 $_tile_overlayer_lowered  }
0x9b: {  	s22 =	simm.s32 $0x1BFF;
	s21 =	sshll.u32 s5, $0x1;
	s2 =	sadd.s32 s19, s18  }
0x9c: {  	s6 =	simm.s32 $0x0;
	s20 =	sshll.u32 s4, $0x1;
	s4 =	sadd.s32 s21, s2  }
0x9d: {  	[timem:s6], [sflag:s22] =	dma.local [hbm:s4], s20  }
0x9e: {  	_ =	swait.ge [sflag:s22], s20  }
0x9f: {  	s3 =	ssub.s32 $0x0, s20;
	[sflag:s22] =	ssyncset.done $0x0  }
0xa0: {  	[sflag:s22] =	ssyncadd.s32 s3;
	_ =	sdelay $0x1  }
0xa1: {  	s23 =	simm.s32 $0x1B8B  }
0xa2: {  	_ =	swait.ge [sflag:s23], $0x1  }
0xa3: {  	[sflag:s23] =	ssyncset.done $0x0  }
0xa4: {  	s25 =	simm.s32 $0x1B8E;
	s24 =	sld [smem:$0x3FFE];
	[sflag:s23] =	ssyncadd.s32 $0xFFFFFFFF  }
0xa5: {  	s26 =	simm.s32 $execute0_lowered;
	[smem:$0x3FD2] =	sst s25  }
0xa6: {  	s4 =	sshll.u32 s26, $0x1;
	_ =	strace $0x80000049;
	[dreg:$0x1] =	wrdreg $0xFFFFFFFF  }
0xa7: {  	s28 =	simm.s32 $_size_execute0_lowered;
	s2 =	sadd.s32 s2, s4;
	[dreg:$0x0] =	wrdreg $0x0  }
0xa8: {  	s4 =	sshll.u32 s28, $0x1;
	[dreg:$0x2] =	wrdreg s2  }
0xa9: {  	[dreg:$0x3] =	wrdreg s4  }
0xaa: {  	[dreg:$0x4] =	wrdreg $0xC0  }
0xab: {  	_ =	task [dreg:s6], $0x5FFFF  }
0xac: {  	[dreg:$0x1] =	wrdreg $0xFFFFFFFF  }
0xad: {  	[dreg:$0x0] =	wrdreg $0x60  }
0xae: {  	[dreg:$0x2] =	wrdreg s24  }
0xaf: {  	[dreg:$0x3] =	wrdreg $0x84000  }
0xb0: {  	[dreg:$0x4] =	wrdreg $0x9  }
0xb1: {  	_ =	task.clear_ibuf [dreg:s6], $0x5FFFF;
	_ =	strace $0x90000049  }
0xb2: {  	s29 =	simm.s32 $0x9;
	_ =	strace $0x8000004B  }
0xb3: {  	_ =	swait.ge [sflag:s29], $0x1  }
0xb4: {  	[sflag:s29] =	ssyncadd.s32 $0xFFFFFFFF  }
0xb5: {  	_ =	strace $0x9000004B  }
0xb6: {  	_ =	sfence  }
0xb7: {  	s30 =	sld [smem:$0x0];
	_ =	sdelay $0x2  }
0xb8: {  	s31 =	sshll.u32 s1, $0xD;
	s1 =	sshrl.u32 s1, $0x2  }
0xb9: {  	s3 =	sand.u32 $0x4000, s31;
	s1 =	sadd.s32 s1, s30  }
0xba: {  	s0 =	sor.u32 s3, s0;
	s1 =	sshll.u32 s1, $0x11  }
0xbb: {  	s0 =	sor.u32 s1, s0  }
0xbc: {  	s0 =	sadd.s32 $0x8F2B, s0  }
0xbd: {  	[sflag:s0] =	ssyncadd.remote.s32 $0x1  }
0xbe: {  	_ =	sfence.sel $0xFFFF  }
0xbf: {  	[dreg:$0x0] =	wrdreg $0xFFFFFFFF;
	(pc) =	sbr.abs _section_cstart, $3  }
0xc0: {  	[dreg:$0x1] =	wrdreg $0xFFFFFFFF  }
0xc1: {  	_ =	task.clear_ibuf [dreg:s6], $0x2FFFF;
	_ =	strace $0x9FFFFFFF  }
0xc2: {  	(tm) =	ssettm $0x7FFFFFFF  }
0xc3: {  	_ =	shalt  }
tec
execute0_lowered:
.L_overlay_start_1:
0x0: {  	(tag) =	ssettag $0x1  }
0x1: {  	s0 =	rddreg [dreg:$0x0];
	s1 =	srdreg.scid  }
0x2: {  	s15 =	stileid.u32;
	s2 =	rddreg [dreg:$0x1]  }
0x3: {  	s3 =	simm.s32 $0x0;
	s28 =	simm.s32 $0x4400;
	s4 =	smul.u32 $0x280, s15  }
0x4: {  	s29 =	simm.s32 $0x5;
	s30 =	simm.s32 $0x300;
	s6 =	smul.u32 $0x50000, s15  }
0x5: {  	s31 =	simm.s32 $0x3;
	s1 =	sand.u32 $0x1, s1;
	s14 =	smul.u32 $0x50, s15  }
0x6: {  	[smem:$0x7FF] =	sst s3;
	s12 =	sadd.s32 $0x90600, s0;
	s23 =	smul.u32 $0xA00, s15  }
0x7: {  	s7 =	sadd.s32 $0x18400, s0;
	s5 =	smul.u32 $0x2800, s1;
	_ =	strace $0x8000004A  }
0x8: {  	[dreg:$0x4] =	wrdreg s7;
	s17 =	ssub.s32 $0x2, s1;
	s13 =	smul.u32 $0x500, s1  }
0x9: {  	s18 =	sshll.u32 s1, $0x4;
	s1 =	smul.u32 $0xA000, s1;
	s6 =	sshrl.u32 s6, $0x2  }
0xa: {  	s8 =	sshrl.u32 s17, $0x1;
	s9 =	sor.u32 s15, s18;
	s5 =	sadd.s32 s4, s5  }
0xb: {  	s4 =	sadd.s32 $0x69400, s0;
	s6 =	sadd.s32 s6, s2;
	s11 =	smul.u32 $0xA00, s9  }
0xc: {  	s13 =	sadd.s32 s14, s13;
	s24 =	sadd.s32 s1, s12;
	s1 =	simm.s32 $0x6  }
0xd: {  	s14 =	simm.s32 $0x0;
	s5 =	sshll.u32 s5, $0x4;
	s7 =	sadd.s32 $0x4000, s6  }
0xe: {  	s9 =	sadd.s32 $0xC000, s6;
	s10 =	sadd.s32 $0x10000, s6;
	s11 =	sadd.s32 s12, s11  }
0xf: {  	s0 =	sadd.s32 s5, s0;
	[dreg:$0x5] =	wrdreg s11;
	s11 =	sadd.s32 $0x20, s11  }
0x10: {  	s13 =	sshll.u32 s13, $0x5;
	s19 =	sadd.s32 $0xA4600, s0;
	[dreg:$0x6] =	wrdreg s11  }
0x11: {  	s5 =	ssub.s32 s17, s8;
	s20 =	sadd.s32 $0xA4E00, s0;
	[dreg:$0x7] =	wrdreg s19  }
0x12: {  	s8 =	sadd.s32 $0x8000, s6;
	s21 =	sadd.s32 $0xA5600, s0;
	[dreg:$0x8] =	wrdreg s20  }
0x13: {  	s25 =	sadd.s32 s13, s12;
	s22 =	sadd.s32 $0xA5E00, s0;
	[dreg:$0x9] =	wrdreg s21  }
0x14: {  	s12 =	simm.s32 $0x280;
	s0 =	sadd.s32 $0xA6600, s0;
	[dreg:$0xa] =	wrdreg s22  }
0x15: {  	s13 =	simm.s32 $0x380;
	s5 =	smax.u32 s5, $0x1;
	[dreg:$0xb] =	wrdreg s0  }
0x16: {  	s26 =	sadd.s32 $0x60, s25;
	s25 =	simm.s32 $0x200;
	[dreg:$0xc] =	wrdreg s5  }
0x17: {  	s19 =	sadd.s32 s23, s24;
	[dreg:$0x3] =	wrdreg s26;
	s20 =	simm.s32 $0x400  }
0x18: {  	s21 =	simm.s32 $0x7;
	s22 =	simm.s32 $0x100;
	s24 =	simm.s32 $0x80  }
0x19: {  	s26 =	simm.s32 $0x2;
	s0 =	simm.s32 $0x180;
	s5 =	simm.s32 $0x4  }
.LBB2_1:
0x1a: {  	s11 =	rddreg [dreg:$0x4]  }
0x1b: {  	[tilespmem:s20], [sflag:$0x7] =	stream.linear.gather [hbm4b:s11+s3], $0x4000, $0x38;
	[tilespmem:$0x1C400] =	vst v63  }
0x1c: {  	_ =	swait.ge [sflag:s21], $0x4000  }
0x1d: {  	[sflag:s21] =	ssyncset.done $0x0  }
0x1e: {  	[sflag:s21] =	ssyncadd.s32 $0xFFFFC000  }
0x1f: {  	[spmem:s6] =	stream.linear.scatter [tilespmem:s20], [sflag:$0x7], $0x4000, $0x38;
	[tilespmem:$0x1C400] =	vst v63  }
0x20: {  	_ =	swait.ge [sflag:s21], $0x4000  }
0x21: {  	[sflag:s21] =	ssyncset.done $0x0  }
0x22: {  	[sflag:s21] =	ssyncadd.s32 $0xFFFFC000  }
0x23: {  	[spmem:s7] =	stream.linear.scatter [tilespmem:s20], [sflag:$0x7], $0x4000, $0x38;
	[tilespmem:$0x1C400] =	vst v63  }
0x24: {  	_ =	swait.ge [sflag:s21], $0x4000  }
0x25: {  	[sflag:s21] =	ssyncset.done $0x0  }
0x26: {  	[sflag:s21] =	ssyncadd.s32 $0xFFFFC000  }
0x27: {  	[spmem:s8] =	stream.linear.scatter [tilespmem:s20], [sflag:$0x7], $0x4000, $0x38;
	[tilespmem:$0x1C400] =	vst v63  }
0x28: {  	_ =	swait.ge [sflag:s21], $0x4000  }
0x29: {  	[sflag:s21] =	ssyncset.done $0x0  }
0x2a: {  	[sflag:s21] =	ssyncadd.s32 $0xFFFFC000  }
0x2b: {  	[spmem:s9] =	stream.linear.scatter [tilespmem:s20], [sflag:$0x7], $0x4000, $0x38;
	[tilespmem:$0x1C400] =	vst v63  }
0x2c: {  	_ =	swait.ge [sflag:s21], $0x4000  }
0x2d: {  	[sflag:s21] =	ssyncset.done $0x0  }
0x2e: {  	[sflag:s21] =	ssyncadd.s32 $0xFFFFC000  }
0x2f: {  	[spmem:s10] =	stream.linear.scatter [tilespmem:s20], [sflag:$0x7], $0x4000, $0x38;
	[tilespmem:$0x1C400] =	vst v63  }
0x30: {  	_ =	swait.ge [sflag:s21], $0x4000  }
0x31: {  	[sflag:s21] =	ssyncset.done $0x0  }
0x32: {  	[sflag:s21] =	ssyncadd.s32 $0xFFFFC000  }
0x33: {  	[bflag:$0x0] =	sbarrier.arrive $0xFFFF  }
0x34: {  	s16 =	rddreg [dreg:$0x5]  }
0x35: {  	[tilespmem:s3], [sflag:$0x1] =	stream.linear.gather [hbm4b:s16+s3], $0x100, $0x38;
	[tilespmem:$0x1C400] =	vst v63  }
0x36: {  	s18 =	simm.s32 $0x1;
	s17 =	rddreg [dreg:$0x6]  }
0x37: {  	[tilespmem:s22], [sflag:$0x2] =	stream.linear.gather [hbm4b:s17+s3], $0x100, $0x38;
	[tilespmem:$0x1C400] =	vst v63  }
0x38: {  	_ =	swait.ge [sflag:s18], $0x100  }
0x39: {  	[sflag:s18] =	ssyncset.done $0x0  }
0x3a: {  	s15 =	sadd.s32 $0x0, s19;
	[sflag:s18] =	ssyncadd.s32 $0xFFFFFF00  }
0x3b: {  	[tilespmem:s20], [sflag:$0x5] =	stream.indirect.gather [hbm4b:s4+s24], $0x80, s3, s24, $0xb8;
	[tilespmem:$0x1C400] =	vst v63  }
0x3c: {  	s15 =	sadd.s32 $0x40, s15  }
0x3d: {  	[tilespmem:s25], [sflag:$0x3] =	stream.linear.gather [hbm4b:s15+s3], $0x100, $0x38;
	[tilespmem:$0x1C400] =	vst v63  }
0x3e: {  	_ =	swait.ge [sflag:s26], $0x100  }
0x3f: {  	[sflag:s26] =	ssyncset.done $0x0  }
0x40: {  	[sflag:s26] =	ssyncadd.s32 $0xFFFFFF00  }
0x41: {  	[tilespmem:s28], [sflag:$0x6] =	stream.indirect.gather [hbm4b:s4+s24], $0x80, s22, s24, $0xb8;
	[tilespmem:$0x1C400] =	vst v63  }
0x42: {  	_ =	swait.ge [sflag:s29], $0x4000  }
0x43: {  	[sflag:s29] =	ssyncset.done $0x0  }
0x44: {  	[sflag:s29] =	ssyncadd.s32 $0xFFFFC000  }
0x45: {  	[spmem:s2] =	stream.indirect.scatter.add.f32 [tilespmem:s20], [sflag:$0x7], $0x80, s24, s24, $0xb8;
	[tilespmem:$0x1C400] =	vst v63  }
0x46: {  	_ =	swait.ge [sflag:s21], $0x4000  }
0x47: {  	s23 =	rddreg [dreg:$0x3];
	[sflag:s21] =	ssyncset.done $0x0  }
0x48: {  	[sflag:s21] =	ssyncadd.s32 $0xFFFFC000;
	s15 =	sadd.s32 $0x0, s23  }
0x49: {  	[tilespmem:s30], [sflag:$0x4] =	stream.linear.gather [hbm4b:s15+s3], $0x100, $0x38;
	[tilespmem:$0x1C400] =	vst v63  }
0x4a: {  	_ =	swait.ge [sflag:s31], $0x100  }
0x4b: {  	[sflag:s31] =	ssyncset.done $0x0  }
0x4c: {  	[sflag:s31] =	ssyncadd.s32 $0xFFFFFF00  }
0x4d: {  	[tilespmem:s20], [sflag:$0x5] =	stream.indirect.gather [hbm4b:s4+s24], $0x80, s25, s24, $0xb8;
	[tilespmem:$0x1C400] =	vst v63  }
0x4e: {  	_ =	swait.ge [sflag:s1], $0x4000  }
0x4f: {  	[sflag:s1] =	ssyncset.done $0x0  }
0x50: {  	[sflag:s1] =	ssyncadd.s32 $0xFFFFC000  }
0x51: {  	[spmem:s2] =	stream.indirect.scatter.add.f32 [tilespmem:s28], [sflag:$0x7], $0x80, s0, s24, $0xb8;
	[tilespmem:$0x1C400] =	vst v63  }
0x52: {  	p0 =	por $0x0, $0x0;
	_ =	swait.ge [sflag:s21], $0x4000  }
0x53: {  	s15 =	sadd.s32 @!p0 $0x0, s19;
	[sflag:s21] =	ssyncset.done $0x0  }
0x54: {  	s17 =	simm.s32 @!p0 $0x0;
	s16 =	sadd.s32 @!p0 $0x80, s15;
	[sflag:s21] =	ssyncadd.s32 $0xFFFFC000  }
0x55: {  	[tilespmem:s17], [sflag:$0x1] =	stream.linear.gather @!p0 [hbm4b:s16+s17], $0x100, $0x38;
	[tilespmem:$0x1C400] =	vst v63  }
0x56: {  	_ =	swait.ge [sflag:s5], $0x100  }
0x57: {  	[sflag:s5] =	ssyncset.done $0x0  }
0x58: {  	[sflag:s5] =	ssyncadd.s32 $0xFFFFFF00  }
0x59: {  	[tilespmem:s28], [sflag:$0x6] =	stream.indirect.gather [hbm4b:s4+s24], $0x80, s30, s24, $0xb8;
	[tilespmem:$0x1C400] =	vst v63  }
0x5a: {  	_ =	swait.ge [sflag:s29], $0x4000  }
0x5b: {  	[sflag:s29] =	ssyncset.done $0x0  }
0x5c: {  	[sflag:s29] =	ssyncadd.s32 $0xFFFFC000  }
0x5d: {  	[spmem:s2] =	stream.indirect.scatter.add.f32 [tilespmem:s20], [sflag:$0x7], $0x80, s12, s24, $0xb8;
	[tilespmem:$0x1C400] =	vst v63  }
0x5e: {  	_ =	swait.ge [sflag:s21], $0x4000  }
0x5f: {  	[sflag:s21] =	ssyncset.done $0x0  }
0x60: {  	s15 =	sadd.s32 @!p0 $0xA0, s15;
	s16 =	simm.s32 @!p0 $0x100;
	[sflag:s21] =	ssyncadd.s32 $0xFFFFC000  }
0x61: {  	[tilespmem:s16], [sflag:$0x2] =	stream.linear.gather @!p0 [hbm4b:s15+s17], $0x100, $0x38;
	[tilespmem:$0x1C400] =	vst v63  }
0x62: {  	s15 =	simm.s32 @!p0 $0x1  }
0x63: {  	_ =	swait.ge @!p0 [sflag:s15], $0x100  }
0x64: {  	[sflag:s15] =	ssyncset.done @!p0 $0x0  }
0x65: {  	s16 =	simm.s32 @!p0 $0x400;
	[sflag:s15] =	ssyncadd.s32 @!p0 $0xFFFFFF00;
	s15 =	simm.s32 @!p0 $0x80  }
0x66: {  	[tilespmem:s16], [sflag:$0x5] =	stream.indirect.gather @!p0 [hbm4b:s4+s15], $0x80, s17, s15, $0xb8;
	[tilespmem:$0x1C400] =	vst v63  }
0x67: {  	_ =	swait.ge [sflag:s1], $0x4000  }
0x68: {  	[sflag:s1] =	ssyncset.done $0x0  }
0x69: {  	[sflag:s1] =	ssyncadd.s32 $0xFFFFC000  }
0x6a: {  	[spmem:s2] =	stream.indirect.scatter.add.f32 [tilespmem:s28], [sflag:$0x7], $0x80, s13, s24, $0xb8;
	[tilespmem:$0x1C400] =	vst v63  }
0x6b: {  	s15 =	simm.s32 $0x80;
	_ =	swait.ge [sflag:s21], $0x4000  }
0x6c: {  	s16 =	simm.s32 $0x100;
	s17 =	sadd.s32 $0x80, s19;
	[sflag:s21] =	ssyncset.done $0x0  }
.LBB2_2:
0x6d: {  	s17 =	sadd.s32 $0x40, s17;
	[sflag:s21] =	ssyncadd.s32 $0xFFFFC000  }
0x6e: {  	[tilespmem:s25], [sflag:$0x3] =	stream.linear.gather [hbm4b:s17+s3], $0x100, $0x38;
	[tilespmem:$0x1C400] =	vst v63  }
0x6f: {  	_ =	swait.ge [sflag:s26], $0x100  }
0x70: {  	[sflag:s26] =	ssyncset.done $0x0  }
0x71: {  	[sflag:s26] =	ssyncadd.s32 $0xFFFFFF00  }
0x72: {  	[tilespmem:s28], [sflag:$0x6] =	stream.indirect.gather [hbm4b:s4+s24], $0x80, s22, s24, $0xb8;
	[tilespmem:$0x1C400] =	vst v63  }
0x73: {  	_ =	swait.ge [sflag:s29], $0x4000  }
0x74: {  	[sflag:s29] =	ssyncset.done $0x0  }
0x75: {  	[sflag:s29] =	ssyncadd.s32 $0xFFFFC000  }
0x76: {  	[spmem:s2] =	stream.indirect.scatter.add.f32 [tilespmem:s20], [sflag:$0x7], $0x80, s24, s24, $0xb8;
	[tilespmem:$0x1C400] =	vst v63  }
0x77: {  	_ =	swait.ge [sflag:s21], $0x4000  }
0x78: {  	s23 =	rddreg [dreg:$0x3];
	[sflag:s21] =	ssyncset.done $0x0  }
0x79: {  	[sflag:s21] =	ssyncadd.s32 $0xFFFFC000;
	s17 =	sadd.s32 s15, s23  }
0x7a: {  	[tilespmem:s30], [sflag:$0x4] =	stream.linear.gather [hbm4b:s17+s3], $0x100, $0x38;
	[tilespmem:$0x1C400] =	vst v63  }
0x7b: {  	_ =	swait.ge [sflag:s31], $0x100  }
0x7c: {  	[sflag:s31] =	ssyncset.done $0x0  }
0x7d: {  	[sflag:s31] =	ssyncadd.s32 $0xFFFFFF00  }
0x7e: {  	[tilespmem:s20], [sflag:$0x5] =	stream.indirect.gather [hbm4b:s4+s24], $0x80, s25, s24, $0xb8;
	[tilespmem:$0x1C400] =	vst v63  }
0x7f: {  	_ =	swait.ge [sflag:s1], $0x4000  }
0x80: {  	[sflag:s1] =	ssyncset.done $0x0  }
0x81: {  	[sflag:s1] =	ssyncadd.s32 $0xFFFFC000  }
0x82: {  	[spmem:s2] =	stream.indirect.scatter.add.f32 [tilespmem:s28], [sflag:$0x7], $0x80, s0, s24, $0xb8;
	[tilespmem:$0x1C400] =	vst v63  }
0x83: {  	s11 =	smov.u32 s16;
	p1 =	seq.s32 s15, $0x980;
	_ =	swait.ge [sflag:s21], $0x4000  }
0x84: {  	s18 =	simm.s32 @!p1 $0x0;
	s17 =	sadd.s32 @!p1 s15, s19;
	[sflag:s21] =	ssyncset.done $0x0  }
0x85: {  	s15 =	smov.u32 s11;
	s11 =	sadd.s32 @!p1 $0x80, s17;
	[sflag:s21] =	ssyncadd.s32 $0xFFFFC000  }
0x86: {  	[tilespmem:s18], [sflag:$0x1] =	stream.linear.gather @!p1 [hbm4b:s11+s18], $0x100, $0x38;
	[tilespmem:$0x1C400] =	vst v63  }
0x87: {  	_ =	swait.ge [sflag:s5], $0x100  }
0x88: {  	[sflag:s5] =	ssyncset.done $0x0  }
0x89: {  	[sflag:s5] =	ssyncadd.s32 $0xFFFFFF00  }
0x8a: {  	[tilespmem:s28], [sflag:$0x6] =	stream.indirect.gather [hbm4b:s4+s24], $0x80, s30, s24, $0xb8;
	[tilespmem:$0x1C400] =	vst v63  }
0x8b: {  	_ =	swait.ge [sflag:s29], $0x4000  }
0x8c: {  	[sflag:s29] =	ssyncset.done $0x0  }
0x8d: {  	[sflag:s29] =	ssyncadd.s32 $0xFFFFC000  }
0x8e: {  	[spmem:s2] =	stream.indirect.scatter.add.f32 [tilespmem:s20], [sflag:$0x7], $0x80, s12, s24, $0xb8;
	[tilespmem:$0x1C400] =	vst v63  }
0x8f: {  	_ =	swait.ge [sflag:s21], $0x4000  }
0x90: {  	s23 =	simm.s32 @!p1 $0x1;
	[sflag:s21] =	ssyncset.done $0x0  }
0x91: {  	s11 =	sadd.s32 @!p1 $0xA0, s17;
	s17 =	simm.s32 @!p1 $0x100;
	[sflag:s21] =	ssyncadd.s32 $0xFFFFC000  }
0x92: {  	[tilespmem:s17], [sflag:$0x2] =	stream.linear.gather @!p1 [hbm4b:s11+s18], $0x100, $0x38;
	[tilespmem:$0x1C400] =	vst v63  }
0x93: {  	_ =	swait.ge @!p1 [sflag:s23], $0x100  }
0x94: {  	s16 =	sadd.s32 $0x80, s16;
	[sflag:s23] =	ssyncset.done @!p1 $0x0  }
0x95: {  	s11 =	simm.s32 @!p1 $0x80;
	s17 =	simm.s32 @!p1 $0x400;
	[sflag:s23] =	ssyncadd.s32 @!p1 $0xFFFFFF00  }
0x96: {  	[tilespmem:s17], [sflag:$0x5] =	stream.indirect.gather @!p1 [hbm4b:s4+s11], $0x80, s18, s11, $0xb8;
	[tilespmem:$0x1C400] =	vst v63  }
0x97: {  	p0 =	sne.s32 s16, $0xA00;
	_ =	swait.ge [sflag:s1], $0x4000  }
.Ltmp0:
0x98: {  	[sflag:s1] =	ssyncset.done $0x0;
	(pc) =	sbr.rel @p0 .LBB2_2-.Ltmp0, $4  }
0x99: {  	[sflag:s1] =	ssyncadd.s32 $0xFFFFC000  }
0x9a: {  	[spmem:s2] =	stream.indirect.scatter.add.f32 [tilespmem:s28], [sflag:$0x7], $0x80, s13, s24, $0xb8;
	[tilespmem:$0x1C400] =	vst v63  }
0x9b: {  	_ =	swait.ge [sflag:s21], $0x4000  }
0x9c: {  	s17 =	sadd.s32 s15, s19;
	[sflag:s21] =	ssyncset.done $0x0  }
0x9d: {  	s11 =	sadd.s32 $0x40, s17;
	[sflag:s21] =	ssyncadd.s32 $0xFFFFC000  }
0x9e: {  	[tilespmem:s25], [sflag:$0x3] =	stream.linear.gather [hbm4b:s11+s3], $0x100, $0x38;
	[tilespmem:$0x1C400] =	vst v63  }
0x9f: {  	_ =	swait.ge [sflag:s26], $0x100  }
0xa0: {  	[sflag:s26] =	ssyncset.done $0x0  }
0xa1: {  	[sflag:s26] =	ssyncadd.s32 $0xFFFFFF00  }
0xa2: {  	[tilespmem:s28], [sflag:$0x6] =	stream.indirect.gather [hbm4b:s4+s24], $0x80, s22, s24, $0xb8;
	[tilespmem:$0x1C400] =	vst v63  }
0xa3: {  	_ =	swait.ge [sflag:s29], $0x4000  }
0xa4: {  	[sflag:s29] =	ssyncset.done $0x0  }
0xa5: {  	[sflag:s29] =	ssyncadd.s32 $0xFFFFC000  }
0xa6: {  	[spmem:s2] =	stream.indirect.scatter.add.f32 [tilespmem:s20], [sflag:$0x7], $0x80, s24, s24, $0xb8;
	[tilespmem:$0x1C400] =	vst v63  }
0xa7: {  	_ =	swait.ge [sflag:s21], $0x4000  }
0xa8: {  	s18 =	rddreg [dreg:$0x3];
	[sflag:s21] =	ssyncset.done $0x0  }
0xa9: {  	[sflag:s21] =	ssyncadd.s32 $0xFFFFC000;
	s11 =	sadd.s32 s15, s18  }
0xaa: {  	[tilespmem:s30], [sflag:$0x4] =	stream.linear.gather [hbm4b:s11+s3], $0x100, $0x38;
	[tilespmem:$0x1C400] =	vst v63  }
0xab: {  	_ =	swait.ge [sflag:s31], $0x100  }
0xac: {  	[sflag:s31] =	ssyncset.done $0x0  }
0xad: {  	[sflag:s31] =	ssyncadd.s32 $0xFFFFFF00  }
0xae: {  	[tilespmem:s20], [sflag:$0x5] =	stream.indirect.gather [hbm4b:s4+s24], $0x80, s25, s24, $0xb8;
	[tilespmem:$0x1C400] =	vst v63  }
0xaf: {  	_ =	swait.ge [sflag:s1], $0x4000  }
0xb0: {  	[sflag:s1] =	ssyncset.done $0x0  }
0xb1: {  	[sflag:s1] =	ssyncadd.s32 $0xFFFFC000  }
0xb2: {  	[spmem:s2] =	stream.indirect.scatter.add.f32 [tilespmem:s28], [sflag:$0x7], $0x80, s0, s24, $0xb8;
	[tilespmem:$0x1C400] =	vst v63  }
0xb3: {  	p0 =	seq.s32 s15, $0x980;
	_ =	swait.ge [sflag:s21], $0x4000  }
0xb4: {  	s11 =	sadd.s32 @!p0 s15, s19;
	[sflag:s21] =	ssyncset.done $0x0  }
0xb5: {  	s16 =	simm.s32 @!p0 $0x0;
	s15 =	sadd.s32 @!p0 $0x80, s11;
	[sflag:s21] =	ssyncadd.s32 $0xFFFFC000  }
0xb6: {  	[tilespmem:s16], [sflag:$0x1] =	stream.linear.gather @!p0 [hbm4b:s15+s16], $0x100, $0x38;
	[tilespmem:$0x1C400] =	vst v63  }
0xb7: {  	_ =	swait.ge [sflag:s5], $0x100  }
0xb8: {  	[sflag:s5] =	ssyncset.done $0x0  }
0xb9: {  	[sflag:s5] =	ssyncadd.s32 $0xFFFFFF00  }
0xba: {  	[tilespmem:s28], [sflag:$0x6] =	stream.indirect.gather [hbm4b:s4+s24], $0x80, s30, s24, $0xb8;
	[tilespmem:$0x1C400] =	vst v63  }
0xbb: {  	_ =	swait.ge [sflag:s29], $0x4000  }
0xbc: {  	[sflag:s29] =	ssyncset.done $0x0  }
0xbd: {  	[sflag:s29] =	ssyncadd.s32 $0xFFFFC000  }
0xbe: {  	[spmem:s2] =	stream.indirect.scatter.add.f32 [tilespmem:s20], [sflag:$0x7], $0x80, s12, s24, $0xb8;
	[tilespmem:$0x1C400] =	vst v63  }
0xbf: {  	_ =	swait.ge [sflag:s21], $0x4000  }
0xc0: {  	[sflag:s21] =	ssyncset.done $0x0  }
0xc1: {  	s11 =	sadd.s32 @!p0 $0xA0, s11;
	s15 =	simm.s32 @!p0 $0x100;
	[sflag:s21] =	ssyncadd.s32 $0xFFFFC000  }
0xc2: {  	[tilespmem:s15], [sflag:$0x2] =	stream.linear.gather @!p0 [hbm4b:s11+s16], $0x100, $0x38;
	[tilespmem:$0x1C400] =	vst v63  }
0xc3: {  	s11 =	simm.s32 @!p0 $0x1  }
0xc4: {  	_ =	swait.ge @!p0 [sflag:s11], $0x100  }
0xc5: {  	[sflag:s11] =	ssyncset.done @!p0 $0x0  }
0xc6: {  	s15 =	simm.s32 @!p0 $0x400;
	[sflag:s11] =	ssyncadd.s32 @!p0 $0xFFFFFF00;
	s11 =	simm.s32 @!p0 $0x80  }
0xc7: {  	[tilespmem:s15], [sflag:$0x5] =	stream.indirect.gather @!p0 [hbm4b:s4+s11], $0x80, s16, s11, $0xb8;
	[tilespmem:$0x1C400] =	vst v63  }
0xc8: {  	_ =	swait.ge [sflag:s1], $0x4000  }
0xc9: {  	[sflag:s1] =	ssyncset.done $0x0  }
0xca: {  	[sflag:s1] =	ssyncadd.s32 $0xFFFFC000  }
0xcb: {  	[spmem:s2] =	stream.indirect.scatter.add.f32 [tilespmem:s28], [sflag:$0x7], $0x80, s13, s24, $0xb8;
	[tilespmem:$0x1C400] =	vst v63  }
0xcc: {  	_ =	swait.ge [sflag:s21], $0x4000  }
0xcd: {  	[sflag:s21] =	ssyncset.done $0x0  }
0xce: {  	[sflag:s21] =	ssyncadd.s32 $0xFFFFC000  }
0xcf: {  	[bflag:$0x0] =	sbarrier.arrive $0xFFFF  }
0xd0: {  	[tilespmem:s20], [sflag:$0x7] =	stream.linear.gather [spmem:s6], $0x4000, $0x38;
	[tilespmem:$0x1C400] =	vst v63  }
0xd1: {  	_ =	swait.ge [sflag:s21], $0x4000  }
0xd2: {  	[sflag:s21] =	ssyncset.done $0x0  }
0xd3: {  	s23 =	rddreg [dreg:$0x7];
	[sflag:s21] =	ssyncadd.s32 $0xFFFFC000  }
0xd4: {  	[hbm4b:s23+s3] =	stream.linear.scatter [tilespmem:s20], [sflag:$0x7], $0x4000, $0x38;
	[tilespmem:$0x1C400] =	vst v63  }
0xd5: {  	_ =	swait.ge [sflag:s21], $0x4000  }
0xd6: {  	[sflag:s21] =	ssyncset.done $0x0  }
0xd7: {  	[sflag:s21] =	ssyncadd.s32 $0xFFFFC000  }
0xd8: {  	[tilespmem:s20], [sflag:$0x7] =	stream.linear.gather [spmem:s7], $0x4000, $0x38;
	[tilespmem:$0x1C400] =	vst v63  }
0xd9: {  	_ =	swait.ge [sflag:s21], $0x4000  }
0xda: {  	[sflag:s21] =	ssyncset.done $0x0  }
0xdb: {  	s15 =	rddreg [dreg:$0x8];
	[sflag:s21] =	ssyncadd.s32 $0xFFFFC000  }
0xdc: {  	[hbm4b:s15+s3] =	stream.linear.scatter [tilespmem:s20], [sflag:$0x7], $0x4000, $0x38;
	[tilespmem:$0x1C400] =	vst v63  }
0xdd: {  	_ =	swait.ge [sflag:s21], $0x4000  }
0xde: {  	[sflag:s21] =	ssyncset.done $0x0  }
0xdf: {  	[sflag:s21] =	ssyncadd.s32 $0xFFFFC000  }
0xe0: {  	[tilespmem:s20], [sflag:$0x7] =	stream.linear.gather [spmem:s8], $0x4000, $0x38;
	[tilespmem:$0x1C400] =	vst v63  }
0xe1: {  	_ =	swait.ge [sflag:s21], $0x4000  }
0xe2: {  	[sflag:s21] =	ssyncset.done $0x0  }
0xe3: {  	s16 =	rddreg [dreg:$0x9];
	[sflag:s21] =	ssyncadd.s32 $0xFFFFC000  }
0xe4: {  	[hbm4b:s16+s3] =	stream.linear.scatter [tilespmem:s20], [sflag:$0x7], $0x4000, $0x38;
	[tilespmem:$0x1C400] =	vst v63  }
0xe5: {  	_ =	swait.ge [sflag:s21], $0x4000  }
0xe6: {  	[sflag:s21] =	ssyncset.done $0x0  }
0xe7: {  	[sflag:s21] =	ssyncadd.s32 $0xFFFFC000  }
0xe8: {  	[tilespmem:s20], [sflag:$0x7] =	stream.linear.gather [spmem:s9], $0x4000, $0x38;
	[tilespmem:$0x1C400] =	vst v63  }
0xe9: {  	_ =	swait.ge [sflag:s21], $0x4000  }
0xea: {  	[sflag:s21] =	ssyncset.done $0x0  }
0xeb: {  	s17 =	rddreg [dreg:$0xa];
	[sflag:s21] =	ssyncadd.s32 $0xFFFFC000  }
0xec: {  	[hbm4b:s17+s3] =	stream.linear.scatter [tilespmem:s20], [sflag:$0x7], $0x4000, $0x38;
	[tilespmem:$0x1C400] =	vst v63  }
0xed: {  	_ =	swait.ge [sflag:s21], $0x4000  }
0xee: {  	[sflag:s21] =	ssyncset.done $0x0  }
0xef: {  	[sflag:s21] =	ssyncadd.s32 $0xFFFFC000  }
0xf0: {  	[tilespmem:s20], [sflag:$0x7] =	stream.linear.gather [spmem:s10], $0x4000, $0x38;
	[tilespmem:$0x1C400] =	vst v63  }
0xf1: {  	_ =	swait.ge [sflag:s21], $0x4000  }
0xf2: {  	[sflag:s21] =	ssyncset.done $0x0  }
0xf3: {  	s18 =	rddreg [dreg:$0xb];
	[sflag:s21] =	ssyncadd.s32 $0xFFFFC000  }
0xf4: {  	[hbm4b:s18+s3] =	stream.linear.scatter [tilespmem:s20], [sflag:$0x7], $0x4000, $0x38;
	[tilespmem:$0x1C400] =	vst v63  }
0xf5: {  	_ =	swait.ge [sflag:s21], $0x4000  }
0xf6: {  	s14 =	sadd.s32 $0x1, s14;
	s23 =	rddreg [dreg:$0xc]  }
0xf7: {  	p0 =	sne.s32 s14, s23  }
.Ltmp1:
0xf8: {  	_ = 	snop;
	(pc) =	sbr.rel @p0 .LBB2_1-.Ltmp1, $3  }
0xf9: {  	_ =	sdelay $0x1  }
0xfa: {  	[sflag:s21] =	ssyncset.done $0x0  }
0xfb: {  	[sflag:s21] =	ssyncadd.s32 $0xFFFFC000  }
0xfc: {  	_ =	sfence.sel $0x180000  }
0xfd: {  	[bflag:$0x0] =	sbarrier.arrive $0xFFFF  }
0xfe: {  	_ =	strace $0x9000004A  }
0xff: {  	s0 =	stileid.u32;
	[bflag:$0x2] =	sbarrier.arrive $0xFFFF  }
0x100: {  	p0 =	sne.s32 s0, $0x0;
	s0 =	rddreg [dreg:$0x2]  }
0x101: {  	s0 =	sadd.s32 @!p0 $0x100000, s0  }
0x102: {  	[sflag:s0] =	ssyncadd.tile.s32 @!p0 $0x1;
	_ =	shalt  }
.Lfunc_end2:
_tile_overlayer_lowered:
.L_overlay_start_2:
0x103: {  	(tag) =	ssettag $0x2  }
0x104: {  	s0 =	rddreg [dreg:$0x0];
	s2 =	stileid.u32  }
0x105: {  	s1 =	rddreg [dreg:$0x1];
	p0 =	sne.s32 s2, $0x0  }
0x106: {  	s3 =	rddreg [dreg:$0x2];
	[bflag:$0x3] =	sbarrier.arrive $0xFFFF;
	s2 =	simm.s32 @!p0 $0x1C07  }
0x107: {  	[timem:s3], [sflag:s2] =	dma.local @!p0 [hbm:s0], s1  }
0x108: {  	s0 =	simm.s32 @!p0 $0x7  }
0x109: {  	_ =	swait.ge @!p0 [sflag:s0], s1  }
0x10a: {  	s1 =	ssub.s32 @!p0 $0x0, s1;
	[sflag:s0] =	ssyncset.done @!p0 $0x0  }
0x10b: {  	[sflag:s0] =	ssyncadd.s32 @!p0 s1  }
0x10c: {  	[bflag:$0x3] =	sbarrier.arrive $0xFFFF  }
0x10d: {  	_ =	shalt  }

// kernel: kernel.14.cloned.1.call-start
scs
__scs_entry_jumppad:
0x0: {  	(pc) =	sbr.rel $0x88, $3  }
0x1: {  	(tag) =	ssettag $0x0;
	lr =	simm.s32 $0x1  }
0x2: {  	[smem:$0x3F93] =	sst lr;
	_ =	strace $0xD0000000  }
0x3: {  	_ = 	snop  }
0x4: {  	_ = 	snop  }
0x5: {  	_ = 	snop  }
0x6: {  	_ = 	snop  }
0x7: {  	_ = 	snop  }
__scs_overlays_trampoline_lowered:
0x8: {  	[smem:$0x3FA2] =	sst s0  }
0x9: {  	[smem:$0x3FA3] =	sst s1  }
0xa: {  	[smem:$0x3FA4] =	sst s2  }
0xb: {  	[smem:$0x3FA5] =	sst s3  }
0xc: {  	[smem:$0x3FA6] =	sst s4  }
0xd: {  	[smem:$0x3FA7] =	sst s5  }
0xe: {  	[smem:$0x3FA8] =	sst s6  }
0xf: {  	[smem:$0x3FA9] =	sst s7  }
0x10: {  	[smem:$0x3FAA] =	sst s8  }
0x11: {  	[smem:$0x3FAB] =	sst s9;
	s0 =	simm.s32 @!p0 $0x0  }
0x12: {  	s1 =	sld [smem:$0x3F91];
	s0 =	simm.s32 @p0 $0x1  }
0x13: {  	[smem:$0x3FAC] =	sst s0;
	s0 =	simm.s32 @!p1 $0x0  }
0x14: {  	s2 =	sld [smem:$0x3F90];
	s0 =	simm.s32 @p1 $0x1  }
0x15: {  	[smem:$0x3FAD] =	sst s0;
	s0 =	simm.s32 @!p2 $0x0  }
0x16: {  	s3 =	sld [smem:$0x3FDB];
	s0 =	simm.s32 @p2 $0x1  }
0x17: {  	s4 =	simm.s32 $0x1BF5;
	[smem:$0x3FAF] =	sst s0  }
0x18: {  	s0 =	sld [smem:$0x3F92];
	_ =	swait.ge [sflag:s4], $0x0  }
0x19: {  	s7 =	sld [smem:$0x3F93]  }
0x1a: {  	s8 =	sadd.s32 $0xFFFFE003, lr  }
0x1b: {  	s9 =	sadd.s32 $0xFFFFFEF7, lr;
	s5 =	simm.s32 $0xFFFFFFFF;
	p2 =	slt.u32 s8, $0xFFFFF086  }
0x1c: {  	p1 =	slt.u32 s9, $0xF7A;
	s5 =	simm.s32 @!p2 $0x0  }
0x1d: {  	s5 =	simm.s32 @p1 $0x1;
	p0 =	seq.s32 s7, s2  }
0x1e: {  	s7 =	smul.u32 @!p0 $0xF7A, s2;
	p2 =	seq.s32 @!p0 s5, $0x0  }
0x1f: {  	s9 =	smul.u32 $0xF7A, s1;
	s8 =	simm.s32 @!p0 $0x1BF5;
	p2 =	por !p2, p0  }
0x20: {  	[sflag:s8] =	ssyncset.s32 @!p0 $0xFFFFF086;
	s6 =	sadd.s32 @!p0 s3, s7;
	s7 =	simm.s32 @!p0 $0x108  }
0x21: {  	s3 =	sadd.s32 s3, s9;
	s6 =	sadd.s32 @!p0 $0x88, s6;
	s7 =	simm.s32 @p2 $0x1082  }
0x22: {  	[simem:s7], [sflag:s8] =	dma.local @!p0 [hbm:s6], $0xF7A  }
0x23: {  	s9 =	sor.u32 $0xD0000000, s2;
	s6 =	simm.s32 $0x108;
	_ =	swait.ge @!p0 [sflag:s8], $0x0  }
0x24: {  	s3 =	sadd.s32 $0x88, s3;
	s6 =	simm.s32 @!p1 $0x1082;
	[sflag:s4] =	ssyncset.s32 $0xFFFFF086  }
0x25: {  	[simem:s6], [sflag:s4] =	dma.local [hbm:s3], $0xF7A  }
0x26: {  	[smem:$0x3F93] =	sst s1;
	(tag) =	ssettag s2;
	_ =	strace s9  }
0x27: {  	s1 =	sld [smem:$0x3FA3]  }
0x28: {  	s2 =	sld [smem:$0x3FA4]  }
0x29: {  	s4 =	sld [smem:$0x3FA6]  }
0x2a: {  	p0 =	seq.s32 s5, $0x0;
	s5 =	sld [smem:$0x3FA7]  }
0x2b: {  	s6 =	sld [smem:$0x3FA8]  }
0x2c: {  	s7 =	sld [smem:$0x3FA9]  }
0x2d: {  	s3 =	simm.s32 $0x108;
	s8 =	sld [smem:$0x3FAA]  }
0x2e: {  	s3 =	simm.s32 @!p0 $0x1082;
	s9 =	sld [smem:$0x3FAB]  }
0x2f: {  	lr =	sadd.s32 s0, s3;
	s0 =	sld [smem:$0x3FA2]  }
0x30: {  	s3 =	sld [smem:$0x3FA5]  }
0x31: {  	[smem:$0x3FAE] =	sst s10  }
0x32: {  	s10 =	sld [smem:$0x3FAC];
	_ =	sdelay $0x3  }
0x33: {  	p0 =	seq.s32 s10, $0x1;
	s10 =	sld [smem:$0x3FAE];
	_ =	sdelay $0x3  }
0x34: {  	[smem:$0x3FAE] =	sst s10  }
0x35: {  	s10 =	sld [smem:$0x3FAD];
	_ =	sdelay $0x3  }
0x36: {  	p1 =	seq.s32 s10, $0x1;
	s10 =	sld [smem:$0x3FAE];
	_ =	sdelay $0x3  }
0x37: {  	[smem:$0x3FAE] =	sst s10  }
0x38: {  	s10 =	sld [smem:$0x3FAF]  }
0x39: {  	_ = 	snop;
	(pc) =	sbr.ind lr, $3  }
0x3a: {  	_ = 	snop  }
0x3b: {  	_ = 	snop  }
0x3c: {  	p2 =	seq.s32 s10, $0x1;
	s10 =	sld [smem:$0x3FAE]  }
0x3d: {  	_ =	shalt  }
0x3e: {  	_ =	shalt  }
0x3f: {  	_ =	shalt  }
0x40: {  	_ =	shalt  }
0x41: {  	_ =	shalt  }
0x42: {  	_ =	shalt  }
0x43: {  	_ =	shalt  }
0x44: {  	_ =	shalt  }
0x45: {  	_ =	shalt  }
0x46: {  	_ =	shalt  }
0x47: {  	_ =	shalt  }
0x48: {  	_ =	shalt  }
0x49: {  	_ =	shalt  }
0x4a: {  	_ =	shalt  }
0x4b: {  	_ =	shalt  }
0x4c: {  	_ =	shalt  }
0x4d: {  	_ =	shalt  }
0x4e: {  	_ =	shalt  }
0x4f: {  	_ =	shalt  }
0x50: {  	_ =	shalt  }
0x51: {  	_ =	shalt  }
0x52: {  	_ =	shalt  }
0x53: {  	_ =	shalt  }
0x54: {  	_ =	shalt  }
0x55: {  	_ =	shalt  }
0x56: {  	_ =	shalt  }
0x57: {  	_ =	shalt  }
0x58: {  	_ =	shalt  }
0x59: {  	_ =	shalt  }
0x5a: {  	_ =	shalt  }
0x5b: {  	_ =	shalt  }
0x5c: {  	_ =	shalt  }
0x5d: {  	_ =	shalt  }
0x5e: {  	_ =	shalt  }
0x5f: {  	_ =	shalt  }
0x60: {  	_ =	shalt  }
0x61: {  	_ =	shalt  }
0x62: {  	_ =	shalt  }
0x63: {  	_ =	shalt  }
0x64: {  	_ =	shalt  }
0x65: {  	_ =	shalt  }
0x66: {  	_ =	shalt  }
0x67: {  	_ =	shalt  }
0x68: {  	_ =	shalt  }
0x69: {  	_ =	shalt  }
0x6a: {  	_ =	shalt  }
0x6b: {  	_ =	shalt  }
0x6c: {  	_ =	shalt  }
0x6d: {  	_ =	shalt  }
0x6e: {  	_ =	shalt  }
0x6f: {  	_ =	shalt  }
0x70: {  	_ =	shalt  }
0x71: {  	_ =	shalt  }
0x72: {  	_ =	shalt  }
0x73: {  	_ =	shalt  }
0x74: {  	_ =	shalt  }
0x75: {  	_ =	shalt  }
0x76: {  	_ =	shalt  }
0x77: {  	_ =	shalt  }
0x78: {  	_ =	shalt  }
0x79: {  	_ =	shalt  }
0x7a: {  	_ =	shalt  }
0x7b: {  	_ =	shalt  }
0x7c: {  	_ =	shalt  }
0x7d: {  	_ =	shalt  }
0x7e: {  	_ =	shalt  }
0x7f: {  	_ =	shalt  }
0x80: {  	_ =	shalt  }
0x81: {  	_ =	shalt  }
0x82: {  	_ =	shalt  }
0x83: {  	_ =	shalt  }
0x84: {  	_ =	shalt  }
0x85: {  	_ =	shalt  }
0x86: {  	_ =	shalt  }
0x87: {  	_ =	shalt  }
.Lfunc_end0:
.L_simem_size_0:
called_computation.2_lowered:
.L_overlay_start_0:
0x88: {  	s2 =	sld [smem:$0x3FD9]  }
0x89: {  	s3 =	sld [smem:$0x3FFE];
	_ =	sdelay $0x1  }
0x8a: {  	s1 =	srdreg.scid  }
0x8b: {  	s0 =	sand.u32 $0x1, s1  }
0x8c: {  	s16 =	sshll.u32 s0, $0xA;
	s2 =	sadd.s32 s3, s2  }
0x8d: {  	s2 =	sadd.s32 s2, s16  }
0x8e: {  	[smem:$0x3FBA] =	sst s2  }
0x8f: {  	_ = 	snop  }
0x90: {  	(tm) =	ssettm $0x1  }
0x91: {  	s17 =	sld [smem:$0x3FFB];
	_ =	sdelay $0x3  }
0x92: {  	_ =	strace s17  }
0x93: {  	s2 =	sld [smem:$0x3FFC];
	_ =	sdelay $0x3  }
0x94: {  	_ =	strace s2  }
0x95: {  	s2 =	sld [smem:$0x3FFD];
	_ =	sdelay $0x3  }
0x96: {  	_ =	strace s2  }
0x97: {  	_ =	strace $0x8FFFFFFF  }
0x98: {  	s18 =	sld [smem:$0x3FDB];
	_ =	sdelay $0x1  }
0x99: {  	s19 =	simm.s32 $_scs_section_size  }
0x9a: {  	s4 =	simm.s32 $_size__tile_overlayer_lowered;
	s5 =	simm.s32 $_tile_overlayer_lowered  }
0x9b: {  	s22 =	simm.s32 $0x1BFF;
	s21 =	sshll.u32 s5, $0x1;
	s2 =	sadd.s32 s19, s18  }
0x9c: {  	s6 =	simm.s32 $0x0;
	s20 =	sshll.u32 s4, $0x1;
	s4 =	sadd.s32 s21, s2  }
0x9d: {  	[timem:s6], [sflag:s22] =	dma.local [hbm:s4], s20  }
0x9e: {  	_ =	swait.ge [sflag:s22], s20  }
0x9f: {  	s3 =	ssub.s32 $0x0, s20;
	[sflag:s22] =	ssyncset.done $0x0  }
0xa0: {  	[sflag:s22] =	ssyncadd.s32 s3;
	_ =	sdelay $0x1  }
0xa1: {  	s23 =	simm.s32 $0x1B8B  }
0xa2: {  	_ =	swait.ge [sflag:s23], $0x1  }
0xa3: {  	[sflag:s23] =	ssyncset.done $0x0  }
0xa4: {  	s25 =	simm.s32 $0x1B8E;
	s24 =	sld [smem:$0x3FFE];
	[sflag:s23] =	ssyncadd.s32 $0xFFFFFFFF  }
0xa5: {  	s26 =	simm.s32 $execute0_lowered;
	[smem:$0x3FD2] =	sst s25  }
0xa6: {  	s4 =	sshll.u32 s26, $0x1;
	_ =	strace $0x8000004C;
	[dreg:$0x1] =	wrdreg $0xFFFFFFFF  }
0xa7: {  	s28 =	simm.s32 $_size_execute0_lowered;
	s2 =	sadd.s32 s2, s4;
	[dreg:$0x0] =	wrdreg $0x0  }
0xa8: {  	s4 =	sshll.u32 s28, $0x1;
	[dreg:$0x2] =	wrdreg s2  }
0xa9: {  	[dreg:$0x3] =	wrdreg s4  }
0xaa: {  	[dreg:$0x4] =	wrdreg $0xC0  }
0xab: {  	_ =	task [dreg:s6], $0x5FFFF  }
0xac: {  	[dreg:$0x1] =	wrdreg $0xFFFFFFFF  }
0xad: {  	[dreg:$0x0] =	wrdreg $0x60  }
0xae: {  	[dreg:$0x2] =	wrdreg s24  }
0xaf: {  	[dreg:$0x3] =	wrdreg $0x84000  }
0xb0: {  	[dreg:$0x4] =	wrdreg $0x9  }
0xb1: {  	_ =	task.clear_ibuf [dreg:s6], $0x5FFFF;
	_ =	strace $0x9000004C  }
0xb2: {  	s29 =	simm.s32 $0x9;
	_ =	strace $0x8000004E  }
0xb3: {  	_ =	swait.ge [sflag:s29], $0x1  }
0xb4: {  	[sflag:s29] =	ssyncadd.s32 $0xFFFFFFFF  }
0xb5: {  	_ =	strace $0x9000004E  }
0xb6: {  	_ =	sfence  }
0xb7: {  	s30 =	sld [smem:$0x0];
	_ =	sdelay $0x2  }
0xb8: {  	s31 =	sshll.u32 s1, $0xD;
	s1 =	sshrl.u32 s1, $0x2  }
0xb9: {  	s3 =	sand.u32 $0x4000, s31;
	s1 =	sadd.s32 s1, s30  }
0xba: {  	s0 =	sor.u32 s3, s0;
	s1 =	sshll.u32 s1, $0x11  }
0xbb: {  	s0 =	sor.u32 s1, s0  }
0xbc: {  	s0 =	sadd.s32 $0x8F2B, s0  }
0xbd: {  	[sflag:s0] =	ssyncadd.remote.s32 $0x1  }
0xbe: {  	_ =	sfence.sel $0xFFFF  }
0xbf: {  	[dreg:$0x0] =	wrdreg $0xFFFFFFFF;
	(pc) =	sbr.abs _section_cstart, $3  }
0xc0: {  	[dreg:$0x1] =	wrdreg $0xFFFFFFFF  }
0xc1: {  	_ =	task.clear_ibuf [dreg:s6], $0x2FFFF;
	_ =	strace $0x9FFFFFFF  }
0xc2: {  	(tm) =	ssettm $0x7FFFFFFF  }
0xc3: {  	_ =	shalt  }
tec
execute0_lowered:
.L_overlay_start_1:
0x0: {  	(tag) =	ssettag $0x1  }
0x1: {  	s0 =	rddreg [dreg:$0x0];
	s1 =	srdreg.scid  }
0x2: {  	s15 =	stileid.u32;
	s2 =	rddreg [dreg:$0x1]  }
0x3: {  	s3 =	simm.s32 $0x0;
	s28 =	simm.s32 $0x4400;
	s4 =	smul.u32 $0x280, s15  }
0x4: {  	s29 =	simm.s32 $0x5;
	s30 =	simm.s32 $0x300;
	s6 =	smul.u32 $0x50000, s15  }
0x5: {  	s31 =	simm.s32 $0x3;
	s1 =	sand.u32 $0x1, s1;
	s14 =	smul.u32 $0x50, s15  }
0x6: {  	[smem:$0x7FF] =	sst s3;
	s12 =	sadd.s32 $0x4400, s0;
	s23 =	smul.u32 $0xA00, s15  }
0x7: {  	s7 =	sadd.s32 $0x18400, s0;
	s5 =	smul.u32 $0x2800, s1;
	_ =	strace $0x8000004D  }
0x8: {  	[dreg:$0x4] =	wrdreg s7;
	s17 =	ssub.s32 $0x2, s1;
	s13 =	smul.u32 $0x500, s1  }
0x9: {  	s18 =	sshll.u32 s1, $0x4;
	s1 =	smul.u32 $0xA000, s1;
	s6 =	sshrl.u32 s6, $0x2  }
0xa: {  	s8 =	sshrl.u32 s17, $0x1;
	s9 =	sor.u32 s15, s18;
	s5 =	sadd.s32 s4, s5  }
0xb: {  	s4 =	sadd.s32 $0x68C00, s0;
	s6 =	sadd.s32 s6, s2;
	s11 =	smul.u32 $0xA00, s9  }
0xc: {  	s13 =	sadd.s32 s14, s13;
	s24 =	sadd.s32 s1, s12;
	s1 =	simm.s32 $0x6  }
0xd: {  	s14 =	simm.s32 $0x0;
	s5 =	sshll.u32 s5, $0x4;
	s7 =	sadd.s32 $0x4000, s6  }
0xe: {  	s9 =	sadd.s32 $0xC000, s6;
	s10 =	sadd.s32 $0x10000, s6;
	s11 =	sadd.s32 s12, s11  }
0xf: {  	s0 =	sadd.s32 s5, s0;
	[dreg:$0x5] =	wrdreg s11;
	s11 =	sadd.s32 $0x20, s11  }
0x10: {  	s13 =	sshll.u32 s13, $0x5;
	s19 =	sadd.s32 $0x8FE00, s0;
	[dreg:$0x6] =	wrdreg s11  }
0x11: {  	s5 =	ssub.s32 s17, s8;
	s20 =	sadd.s32 $0x90600, s0;
	[dreg:$0x7] =	wrdreg s19  }
0x12: {  	s8 =	sadd.s32 $0x8000, s6;
	s21 =	sadd.s32 $0x90E00, s0;
	[dreg:$0x8] =	wrdreg s20  }
0x13: {  	s25 =	sadd.s32 s13, s12;
	s22 =	sadd.s32 $0x91600, s0;
	[dreg:$0x9] =	wrdreg s21  }
0x14: {  	s12 =	simm.s32 $0x280;
	s0 =	sadd.s32 $0x91E00, s0;
	[dreg:$0xa] =	wrdreg s22  }
0x15: {  	s13 =	simm.s32 $0x380;
	s5 =	smax.u32 s5, $0x1;
	[dreg:$0xb] =	wrdreg s0  }
0x16: {  	s26 =	sadd.s32 $0x60, s25;
	s25 =	simm.s32 $0x200;
	[dreg:$0xc] =	wrdreg s5  }
0x17: {  	s19 =	sadd.s32 s23, s24;
	[dreg:$0x3] =	wrdreg s26;
	s20 =	simm.s32 $0x400  }
0x18: {  	s21 =	simm.s32 $0x7;
	s22 =	simm.s32 $0x100;
	s24 =	simm.s32 $0x80  }
0x19: {  	s26 =	simm.s32 $0x2;
	s0 =	simm.s32 $0x180;
	s5 =	simm.s32 $0x4  }
.LBB2_1:
0x1a: {  	s11 =	rddreg [dreg:$0x4]  }
0x1b: {  	[tilespmem:s20], [sflag:$0x7] =	stream.linear.gather [hbm4b:s11+s3], $0x4000, $0x38;
	[tilespmem:$0x1C400] =	vst v63  }
0x1c: {  	_ =	swait.ge [sflag:s21], $0x4000  }
0x1d: {  	[sflag:s21] =	ssyncset.done $0x0  }
0x1e: {  	[sflag:s21] =	ssyncadd.s32 $0xFFFFC000  }
0x1f: {  	[spmem:s6] =	stream.linear.scatter [tilespmem:s20], [sflag:$0x7], $0x4000, $0x38;
	[tilespmem:$0x1C400] =	vst v63  }
0x20: {  	_ =	swait.ge [sflag:s21], $0x4000  }
0x21: {  	[sflag:s21] =	ssyncset.done $0x0  }
0x22: {  	[sflag:s21] =	ssyncadd.s32 $0xFFFFC000  }
0x23: {  	[spmem:s7] =	stream.linear.scatter [tilespmem:s20], [sflag:$0x7], $0x4000, $0x38;
	[tilespmem:$0x1C400] =	vst v63  }
0x24: {  	_ =	swait.ge [sflag:s21], $0x4000  }
0x25: {  	[sflag:s21] =	ssyncset.done $0x0  }
0x26: {  	[sflag:s21] =	ssyncadd.s32 $0xFFFFC000  }
0x27: {  	[spmem:s8] =	stream.linear.scatter [tilespmem:s20], [sflag:$0x7], $0x4000, $0x38;
	[tilespmem:$0x1C400] =	vst v63  }
0x28: {  	_ =	swait.ge [sflag:s21], $0x4000  }
0x29: {  	[sflag:s21] =	ssyncset.done $0x0  }
0x2a: {  	[sflag:s21] =	ssyncadd.s32 $0xFFFFC000  }
0x2b: {  	[spmem:s9] =	stream.linear.scatter [tilespmem:s20], [sflag:$0x7], $0x4000, $0x38;
	[tilespmem:$0x1C400] =	vst v63  }
0x2c: {  	_ =	swait.ge [sflag:s21], $0x4000  }
0x2d: {  	[sflag:s21] =	ssyncset.done $0x0  }
0x2e: {  	[sflag:s21] =	ssyncadd.s32 $0xFFFFC000  }
0x2f: {  	[spmem:s10] =	stream.linear.scatter [tilespmem:s20], [sflag:$0x7], $0x4000, $0x38;
	[tilespmem:$0x1C400] =	vst v63  }
0x30: {  	_ =	swait.ge [sflag:s21], $0x4000  }
0x31: {  	[sflag:s21] =	ssyncset.done $0x0  }
0x32: {  	[sflag:s21] =	ssyncadd.s32 $0xFFFFC000  }
0x33: {  	[bflag:$0x0] =	sbarrier.arrive $0xFFFF  }
0x34: {  	s16 =	rddreg [dreg:$0x5]  }
0x35: {  	[tilespmem:s3], [sflag:$0x1] =	stream.linear.gather [hbm4b:s16+s3], $0x100, $0x38;
	[tilespmem:$0x1C400] =	vst v63  }
0x36: {  	s18 =	simm.s32 $0x1;
	s17 =	rddreg [dreg:$0x6]  }
0x37: {  	[tilespmem:s22], [sflag:$0x2] =	stream.linear.gather [hbm4b:s17+s3], $0x100, $0x38;
	[tilespmem:$0x1C400] =	vst v63  }
0x38: {  	_ =	swait.ge [sflag:s18], $0x100  }
0x39: {  	[sflag:s18] =	ssyncset.done $0x0  }
0x3a: {  	s15 =	sadd.s32 $0x0, s19;
	[sflag:s18] =	ssyncadd.s32 $0xFFFFFF00  }
0x3b: {  	[tilespmem:s20], [sflag:$0x5] =	stream.indirect.gather [hbm4b:s4+s24], $0x80, s3, s24, $0xb8;
	[tilespmem:$0x1C400] =	vst v63  }
0x3c: {  	s15 =	sadd.s32 $0x40, s15  }
0x3d: {  	[tilespmem:s25], [sflag:$0x3] =	stream.linear.gather [hbm4b:s15+s3], $0x100, $0x38;
	[tilespmem:$0x1C400] =	vst v63  }
0x3e: {  	_ =	swait.ge [sflag:s26], $0x100  }
0x3f: {  	[sflag:s26] =	ssyncset.done $0x0  }
0x40: {  	[sflag:s26] =	ssyncadd.s32 $0xFFFFFF00  }
0x41: {  	[tilespmem:s28], [sflag:$0x6] =	stream.indirect.gather [hbm4b:s4+s24], $0x80, s22, s24, $0xb8;
	[tilespmem:$0x1C400] =	vst v63  }
0x42: {  	_ =	swait.ge [sflag:s29], $0x4000  }
0x43: {  	[sflag:s29] =	ssyncset.done $0x0  }
0x44: {  	[sflag:s29] =	ssyncadd.s32 $0xFFFFC000  }
0x45: {  	[spmem:s2] =	stream.indirect.scatter.add.f32 [tilespmem:s20], [sflag:$0x7], $0x80, s24, s24, $0xb8;
	[tilespmem:$0x1C400] =	vst v63  }
0x46: {  	_ =	swait.ge [sflag:s21], $0x4000  }
0x47: {  	s23 =	rddreg [dreg:$0x3];
	[sflag:s21] =	ssyncset.done $0x0  }
0x48: {  	[sflag:s21] =	ssyncadd.s32 $0xFFFFC000;
	s15 =	sadd.s32 $0x0, s23  }
0x49: {  	[tilespmem:s30], [sflag:$0x4] =	stream.linear.gather [hbm4b:s15+s3], $0x100, $0x38;
	[tilespmem:$0x1C400] =	vst v63  }
0x4a: {  	_ =	swait.ge [sflag:s31], $0x100  }
0x4b: {  	[sflag:s31] =	ssyncset.done $0x0  }
0x4c: {  	[sflag:s31] =	ssyncadd.s32 $0xFFFFFF00  }
0x4d: {  	[tilespmem:s20], [sflag:$0x5] =	stream.indirect.gather [hbm4b:s4+s24], $0x80, s25, s24, $0xb8;
	[tilespmem:$0x1C400] =	vst v63  }
0x4e: {  	_ =	swait.ge [sflag:s1], $0x4000  }
0x4f: {  	[sflag:s1] =	ssyncset.done $0x0  }
0x50: {  	[sflag:s1] =	ssyncadd.s32 $0xFFFFC000  }
0x51: {  	[spmem:s2] =	stream.indirect.scatter.add.f32 [tilespmem:s28], [sflag:$0x7], $0x80, s0, s24, $0xb8;
	[tilespmem:$0x1C400] =	vst v63  }
0x52: {  	p0 =	por $0x0, $0x0;
	_ =	swait.ge [sflag:s21], $0x4000  }
0x53: {  	s15 =	sadd.s32 @!p0 $0x0, s19;
	[sflag:s21] =	ssyncset.done $0x0  }
0x54: {  	s17 =	simm.s32 @!p0 $0x0;
	s16 =	sadd.s32 @!p0 $0x80, s15;
	[sflag:s21] =	ssyncadd.s32 $0xFFFFC000  }
0x55: {  	[tilespmem:s17], [sflag:$0x1] =	stream.linear.gather @!p0 [hbm4b:s16+s17], $0x100, $0x38;
	[tilespmem:$0x1C400] =	vst v63  }
0x56: {  	_ =	swait.ge [sflag:s5], $0x100  }
0x57: {  	[sflag:s5] =	ssyncset.done $0x0  }
0x58: {  	[sflag:s5] =	ssyncadd.s32 $0xFFFFFF00  }
0x59: {  	[tilespmem:s28], [sflag:$0x6] =	stream.indirect.gather [hbm4b:s4+s24], $0x80, s30, s24, $0xb8;
	[tilespmem:$0x1C400] =	vst v63  }
0x5a: {  	_ =	swait.ge [sflag:s29], $0x4000  }
0x5b: {  	[sflag:s29] =	ssyncset.done $0x0  }
0x5c: {  	[sflag:s29] =	ssyncadd.s32 $0xFFFFC000  }
0x5d: {  	[spmem:s2] =	stream.indirect.scatter.add.f32 [tilespmem:s20], [sflag:$0x7], $0x80, s12, s24, $0xb8;
	[tilespmem:$0x1C400] =	vst v63  }
0x5e: {  	_ =	swait.ge [sflag:s21], $0x4000  }
0x5f: {  	[sflag:s21] =	ssyncset.done $0x0  }
0x60: {  	s15 =	sadd.s32 @!p0 $0xA0, s15;
	s16 =	simm.s32 @!p0 $0x100;
	[sflag:s21] =	ssyncadd.s32 $0xFFFFC000  }
0x61: {  	[tilespmem:s16], [sflag:$0x2] =	stream.linear.gather @!p0 [hbm4b:s15+s17], $0x100, $0x38;
	[tilespmem:$0x1C400] =	vst v63  }
0x62: {  	s15 =	simm.s32 @!p0 $0x1  }
0x63: {  	_ =	swait.ge @!p0 [sflag:s15], $0x100  }
0x64: {  	[sflag:s15] =	ssyncset.done @!p0 $0x0  }
0x65: {  	s16 =	simm.s32 @!p0 $0x400;
	[sflag:s15] =	ssyncadd.s32 @!p0 $0xFFFFFF00;
	s15 =	simm.s32 @!p0 $0x80  }
0x66: {  	[tilespmem:s16], [sflag:$0x5] =	stream.indirect.gather @!p0 [hbm4b:s4+s15], $0x80, s17, s15, $0xb8;
	[tilespmem:$0x1C400] =	vst v63  }
0x67: {  	_ =	swait.ge [sflag:s1], $0x4000  }
0x68: {  	[sflag:s1] =	ssyncset.done $0x0  }
0x69: {  	[sflag:s1] =	ssyncadd.s32 $0xFFFFC000  }
0x6a: {  	[spmem:s2] =	stream.indirect.scatter.add.f32 [tilespmem:s28], [sflag:$0x7], $0x80, s13, s24, $0xb8;
	[tilespmem:$0x1C400] =	vst v63  }
0x6b: {  	s15 =	simm.s32 $0x80;
	_ =	swait.ge [sflag:s21], $0x4000  }
0x6c: {  	s16 =	simm.s32 $0x100;
	s17 =	sadd.s32 $0x80, s19;
	[sflag:s21] =	ssyncset.done $0x0  }
.LBB2_2:
0x6d: {  	s17 =	sadd.s32 $0x40, s17;
	[sflag:s21] =	ssyncadd.s32 $0xFFFFC000  }
0x6e: {  	[tilespmem:s25], [sflag:$0x3] =	stream.linear.gather [hbm4b:s17+s3], $0x100, $0x38;
	[tilespmem:$0x1C400] =	vst v63  }
0x6f: {  	_ =	swait.ge [sflag:s26], $0x100  }
0x70: {  	[sflag:s26] =	ssyncset.done $0x0  }
0x71: {  	[sflag:s26] =	ssyncadd.s32 $0xFFFFFF00  }
0x72: {  	[tilespmem:s28], [sflag:$0x6] =	stream.indirect.gather [hbm4b:s4+s24], $0x80, s22, s24, $0xb8;
	[tilespmem:$0x1C400] =	vst v63  }
0x73: {  	_ =	swait.ge [sflag:s29], $0x4000  }
0x74: {  	[sflag:s29] =	ssyncset.done $0x0  }
0x75: {  	[sflag:s29] =	ssyncadd.s32 $0xFFFFC000  }
0x76: {  	[spmem:s2] =	stream.indirect.scatter.add.f32 [tilespmem:s20], [sflag:$0x7], $0x80, s24, s24, $0xb8;
	[tilespmem:$0x1C400] =	vst v63  }
0x77: {  	_ =	swait.ge [sflag:s21], $0x4000  }
0x78: {  	s23 =	rddreg [dreg:$0x3];
	[sflag:s21] =	ssyncset.done $0x0  }
0x79: {  	[sflag:s21] =	ssyncadd.s32 $0xFFFFC000;
	s17 =	sadd.s32 s15, s23  }
0x7a: {  	[tilespmem:s30], [sflag:$0x4] =	stream.linear.gather [hbm4b:s17+s3], $0x100, $0x38;
	[tilespmem:$0x1C400] =	vst v63  }
0x7b: {  	_ =	swait.ge [sflag:s31], $0x100  }
0x7c: {  	[sflag:s31] =	ssyncset.done $0x0  }
0x7d: {  	[sflag:s31] =	ssyncadd.s32 $0xFFFFFF00  }
0x7e: {  	[tilespmem:s20], [sflag:$0x5] =	stream.indirect.gather [hbm4b:s4+s24], $0x80, s25, s24, $0xb8;
	[tilespmem:$0x1C400] =	vst v63  }
0x7f: {  	_ =	swait.ge [sflag:s1], $0x4000  }
0x80: {  	[sflag:s1] =	ssyncset.done $0x0  }
0x81: {  	[sflag:s1] =	ssyncadd.s32 $0xFFFFC000  }
0x82: {  	[spmem:s2] =	stream.indirect.scatter.add.f32 [tilespmem:s28], [sflag:$0x7], $0x80, s0, s24, $0xb8;
	[tilespmem:$0x1C400] =	vst v63  }
0x83: {  	s11 =	smov.u32 s16;
	p1 =	seq.s32 s15, $0x980;
	_ =	swait.ge [sflag:s21], $0x4000  }
0x84: {  	s18 =	simm.s32 @!p1 $0x0;
	s17 =	sadd.s32 @!p1 s15, s19;
	[sflag:s21] =	ssyncset.done $0x0  }
0x85: {  	s15 =	smov.u32 s11;
	s11 =	sadd.s32 @!p1 $0x80, s17;
	[sflag:s21] =	ssyncadd.s32 $0xFFFFC000  }
0x86: {  	[tilespmem:s18], [sflag:$0x1] =	stream.linear.gather @!p1 [hbm4b:s11+s18], $0x100, $0x38;
	[tilespmem:$0x1C400] =	vst v63  }
0x87: {  	_ =	swait.ge [sflag:s5], $0x100  }
0x88: {  	[sflag:s5] =	ssyncset.done $0x0  }
0x89: {  	[sflag:s5] =	ssyncadd.s32 $0xFFFFFF00  }
0x8a: {  	[tilespmem:s28], [sflag:$0x6] =	stream.indirect.gather [hbm4b:s4+s24], $0x80, s30, s24, $0xb8;
	[tilespmem:$0x1C400] =	vst v63  }
0x8b: {  	_ =	swait.ge [sflag:s29], $0x4000  }
0x8c: {  	[sflag:s29] =	ssyncset.done $0x0  }
0x8d: {  	[sflag:s29] =	ssyncadd.s32 $0xFFFFC000  }
0x8e: {  	[spmem:s2] =	stream.indirect.scatter.add.f32 [tilespmem:s20], [sflag:$0x7], $0x80, s12, s24, $0xb8;
	[tilespmem:$0x1C400] =	vst v63  }
0x8f: {  	_ =	swait.ge [sflag:s21], $0x4000  }
0x90: {  	s23 =	simm.s32 @!p1 $0x1;
	[sflag:s21] =	ssyncset.done $0x0  }
0x91: {  	s11 =	sadd.s32 @!p1 $0xA0, s17;
	s17 =	simm.s32 @!p1 $0x100;
	[sflag:s21] =	ssyncadd.s32 $0xFFFFC000  }
0x92: {  	[tilespmem:s17], [sflag:$0x2] =	stream.linear.gather @!p1 [hbm4b:s11+s18], $0x100, $0x38;
	[tilespmem:$0x1C400] =	vst v63  }
0x93: {  	_ =	swait.ge @!p1 [sflag:s23], $0x100  }
0x94: {  	s16 =	sadd.s32 $0x80, s16;
	[sflag:s23] =	ssyncset.done @!p1 $0x0  }
0x95: {  	s11 =	simm.s32 @!p1 $0x80;
	s17 =	simm.s32 @!p1 $0x400;
	[sflag:s23] =	ssyncadd.s32 @!p1 $0xFFFFFF00  }
0x96: {  	[tilespmem:s17], [sflag:$0x5] =	stream.indirect.gather @!p1 [hbm4b:s4+s11], $0x80, s18, s11, $0xb8;
	[tilespmem:$0x1C400] =	vst v63  }
0x97: {  	p0 =	sne.s32 s16, $0xA00;
	_ =	swait.ge [sflag:s1], $0x4000  }
.Ltmp0:
0x98: {  	[sflag:s1] =	ssyncset.done $0x0;
	(pc) =	sbr.rel @p0 .LBB2_2-.Ltmp0, $4  }
0x99: {  	[sflag:s1] =	ssyncadd.s32 $0xFFFFC000  }
0x9a: {  	[spmem:s2] =	stream.indirect.scatter.add.f32 [tilespmem:s28], [sflag:$0x7], $0x80, s13, s24, $0xb8;
	[tilespmem:$0x1C400] =	vst v63  }
0x9b: {  	_ =	swait.ge [sflag:s21], $0x4000  }
0x9c: {  	s17 =	sadd.s32 s15, s19;
	[sflag:s21] =	ssyncset.done $0x0  }
0x9d: {  	s11 =	sadd.s32 $0x40, s17;
	[sflag:s21] =	ssyncadd.s32 $0xFFFFC000  }
0x9e: {  	[tilespmem:s25], [sflag:$0x3] =	stream.linear.gather [hbm4b:s11+s3], $0x100, $0x38;
	[tilespmem:$0x1C400] =	vst v63  }
0x9f: {  	_ =	swait.ge [sflag:s26], $0x100  }
0xa0: {  	[sflag:s26] =	ssyncset.done $0x0  }
0xa1: {  	[sflag:s26] =	ssyncadd.s32 $0xFFFFFF00  }
0xa2: {  	[tilespmem:s28], [sflag:$0x6] =	stream.indirect.gather [hbm4b:s4+s24], $0x80, s22, s24, $0xb8;
	[tilespmem:$0x1C400] =	vst v63  }
0xa3: {  	_ =	swait.ge [sflag:s29], $0x4000  }
0xa4: {  	[sflag:s29] =	ssyncset.done $0x0  }
0xa5: {  	[sflag:s29] =	ssyncadd.s32 $0xFFFFC000  }
0xa6: {  	[spmem:s2] =	stream.indirect.scatter.add.f32 [tilespmem:s20], [sflag:$0x7], $0x80, s24, s24, $0xb8;
	[tilespmem:$0x1C400] =	vst v63  }
0xa7: {  	_ =	swait.ge [sflag:s21], $0x4000  }
0xa8: {  	s18 =	rddreg [dreg:$0x3];
	[sflag:s21] =	ssyncset.done $0x0  }
0xa9: {  	[sflag:s21] =	ssyncadd.s32 $0xFFFFC000;
	s11 =	sadd.s32 s15, s18  }
0xaa: {  	[tilespmem:s30], [sflag:$0x4] =	stream.linear.gather [hbm4b:s11+s3], $0x100, $0x38;
	[tilespmem:$0x1C400] =	vst v63  }
0xab: {  	_ =	swait.ge [sflag:s31], $0x100  }
0xac: {  	[sflag:s31] =	ssyncset.done $0x0  }
0xad: {  	[sflag:s31] =	ssyncadd.s32 $0xFFFFFF00  }
0xae: {  	[tilespmem:s20], [sflag:$0x5] =	stream.indirect.gather [hbm4b:s4+s24], $0x80, s25, s24, $0xb8;
	[tilespmem:$0x1C400] =	vst v63  }
0xaf: {  	_ =	swait.ge [sflag:s1], $0x4000  }
0xb0: {  	[sflag:s1] =	ssyncset.done $0x0  }
0xb1: {  	[sflag:s1] =	ssyncadd.s32 $0xFFFFC000  }
0xb2: {  	[spmem:s2] =	stream.indirect.scatter.add.f32 [tilespmem:s28], [sflag:$0x7], $0x80, s0, s24, $0xb8;
	[tilespmem:$0x1C400] =	vst v63  }
0xb3: {  	p0 =	seq.s32 s15, $0x980;
	_ =	swait.ge [sflag:s21], $0x4000  }
0xb4: {  	s11 =	sadd.s32 @!p0 s15, s19;
	[sflag:s21] =	ssyncset.done $0x0  }
0xb5: {  	s16 =	simm.s32 @!p0 $0x0;
	s15 =	sadd.s32 @!p0 $0x80, s11;
	[sflag:s21] =	ssyncadd.s32 $0xFFFFC000  }
0xb6: {  	[tilespmem:s16], [sflag:$0x1] =	stream.linear.gather @!p0 [hbm4b:s15+s16], $0x100, $0x38;
	[tilespmem:$0x1C400] =	vst v63  }
0xb7: {  	_ =	swait.ge [sflag:s5], $0x100  }
0xb8: {  	[sflag:s5] =	ssyncset.done $0x0  }
0xb9: {  	[sflag:s5] =	ssyncadd.s32 $0xFFFFFF00  }
0xba: {  	[tilespmem:s28], [sflag:$0x6] =	stream.indirect.gather [hbm4b:s4+s24], $0x80, s30, s24, $0xb8;
	[tilespmem:$0x1C400] =	vst v63  }
0xbb: {  	_ =	swait.ge [sflag:s29], $0x4000  }
0xbc: {  	[sflag:s29] =	ssyncset.done $0x0  }
0xbd: {  	[sflag:s29] =	ssyncadd.s32 $0xFFFFC000  }
0xbe: {  	[spmem:s2] =	stream.indirect.scatter.add.f32 [tilespmem:s20], [sflag:$0x7], $0x80, s12, s24, $0xb8;
	[tilespmem:$0x1C400] =	vst v63  }
0xbf: {  	_ =	swait.ge [sflag:s21], $0x4000  }
0xc0: {  	[sflag:s21] =	ssyncset.done $0x0  }
0xc1: {  	s11 =	sadd.s32 @!p0 $0xA0, s11;
	s15 =	simm.s32 @!p0 $0x100;
	[sflag:s21] =	ssyncadd.s32 $0xFFFFC000  }
0xc2: {  	[tilespmem:s15], [sflag:$0x2] =	stream.linear.gather @!p0 [hbm4b:s11+s16], $0x100, $0x38;
	[tilespmem:$0x1C400] =	vst v63  }
0xc3: {  	s11 =	simm.s32 @!p0 $0x1  }
0xc4: {  	_ =	swait.ge @!p0 [sflag:s11], $0x100  }
0xc5: {  	[sflag:s11] =	ssyncset.done @!p0 $0x0  }
0xc6: {  	s15 =	simm.s32 @!p0 $0x400;
	[sflag:s11] =	ssyncadd.s32 @!p0 $0xFFFFFF00;
	s11 =	simm.s32 @!p0 $0x80  }
0xc7: {  	[tilespmem:s15], [sflag:$0x5] =	stream.indirect.gather @!p0 [hbm4b:s4+s11], $0x80, s16, s11, $0xb8;
	[tilespmem:$0x1C400] =	vst v63  }
0xc8: {  	_ =	swait.ge [sflag:s1], $0x4000  }
0xc9: {  	[sflag:s1] =	ssyncset.done $0x0  }
0xca: {  	[sflag:s1] =	ssyncadd.s32 $0xFFFFC000  }
0xcb: {  	[spmem:s2] =	stream.indirect.scatter.add.f32 [tilespmem:s28], [sflag:$0x7], $0x80, s13, s24, $0xb8;
	[tilespmem:$0x1C400] =	vst v63  }
0xcc: {  	_ =	swait.ge [sflag:s21], $0x4000  }
0xcd: {  	[sflag:s21] =	ssyncset.done $0x0  }
0xce: {  	[sflag:s21] =	ssyncadd.s32 $0xFFFFC000  }
0xcf: {  	[bflag:$0x0] =	sbarrier.arrive $0xFFFF  }
0xd0: {  	[tilespmem:s20], [sflag:$0x7] =	stream.linear.gather [spmem:s6], $0x4000, $0x38;
	[tilespmem:$0x1C400] =	vst v63  }
0xd1: {  	_ =	swait.ge [sflag:s21], $0x4000  }
0xd2: {  	[sflag:s21] =	ssyncset.done $0x0  }
0xd3: {  	s23 =	rddreg [dreg:$0x7];
	[sflag:s21] =	ssyncadd.s32 $0xFFFFC000  }
0xd4: {  	[hbm4b:s23+s3] =	stream.linear.scatter [tilespmem:s20], [sflag:$0x7], $0x4000, $0x38;
	[tilespmem:$0x1C400] =	vst v63  }
0xd5: {  	_ =	swait.ge [sflag:s21], $0x4000  }
0xd6: {  	[sflag:s21] =	ssyncset.done $0x0  }
0xd7: {  	[sflag:s21] =	ssyncadd.s32 $0xFFFFC000  }
0xd8: {  	[tilespmem:s20], [sflag:$0x7] =	stream.linear.gather [spmem:s7], $0x4000, $0x38;
	[tilespmem:$0x1C400] =	vst v63  }
0xd9: {  	_ =	swait.ge [sflag:s21], $0x4000  }
0xda: {  	[sflag:s21] =	ssyncset.done $0x0  }
0xdb: {  	s15 =	rddreg [dreg:$0x8];
	[sflag:s21] =	ssyncadd.s32 $0xFFFFC000  }
0xdc: {  	[hbm4b:s15+s3] =	stream.linear.scatter [tilespmem:s20], [sflag:$0x7], $0x4000, $0x38;
	[tilespmem:$0x1C400] =	vst v63  }
0xdd: {  	_ =	swait.ge [sflag:s21], $0x4000  }
0xde: {  	[sflag:s21] =	ssyncset.done $0x0  }
0xdf: {  	[sflag:s21] =	ssyncadd.s32 $0xFFFFC000  }
0xe0: {  	[tilespmem:s20], [sflag:$0x7] =	stream.linear.gather [spmem:s8], $0x4000, $0x38;
	[tilespmem:$0x1C400] =	vst v63  }
0xe1: {  	_ =	swait.ge [sflag:s21], $0x4000  }
0xe2: {  	[sflag:s21] =	ssyncset.done $0x0  }
0xe3: {  	s16 =	rddreg [dreg:$0x9];
	[sflag:s21] =	ssyncadd.s32 $0xFFFFC000  }
0xe4: {  	[hbm4b:s16+s3] =	stream.linear.scatter [tilespmem:s20], [sflag:$0x7], $0x4000, $0x38;
	[tilespmem:$0x1C400] =	vst v63  }
0xe5: {  	_ =	swait.ge [sflag:s21], $0x4000  }
0xe6: {  	[sflag:s21] =	ssyncset.done $0x0  }
0xe7: {  	[sflag:s21] =	ssyncadd.s32 $0xFFFFC000  }
0xe8: {  	[tilespmem:s20], [sflag:$0x7] =	stream.linear.gather [spmem:s9], $0x4000, $0x38;
	[tilespmem:$0x1C400] =	vst v63  }
0xe9: {  	_ =	swait.ge [sflag:s21], $0x4000  }
0xea: {  	[sflag:s21] =	ssyncset.done $0x0  }
0xeb: {  	s17 =	rddreg [dreg:$0xa];
	[sflag:s21] =	ssyncadd.s32 $0xFFFFC000  }
0xec: {  	[hbm4b:s17+s3] =	stream.linear.scatter [tilespmem:s20], [sflag:$0x7], $0x4000, $0x38;
	[tilespmem:$0x1C400] =	vst v63  }
0xed: {  	_ =	swait.ge [sflag:s21], $0x4000  }
0xee: {  	[sflag:s21] =	ssyncset.done $0x0  }
0xef: {  	[sflag:s21] =	ssyncadd.s32 $0xFFFFC000  }
0xf0: {  	[tilespmem:s20], [sflag:$0x7] =	stream.linear.gather [spmem:s10], $0x4000, $0x38;
	[tilespmem:$0x1C400] =	vst v63  }
0xf1: {  	_ =	swait.ge [sflag:s21], $0x4000  }
0xf2: {  	[sflag:s21] =	ssyncset.done $0x0  }
0xf3: {  	s18 =	rddreg [dreg:$0xb];
	[sflag:s21] =	ssyncadd.s32 $0xFFFFC000  }
0xf4: {  	[hbm4b:s18+s3] =	stream.linear.scatter [tilespmem:s20], [sflag:$0x7], $0x4000, $0x38;
	[tilespmem:$0x1C400] =	vst v63  }
0xf5: {  	_ =	swait.ge [sflag:s21], $0x4000  }
0xf6: {  	s14 =	sadd.s32 $0x1, s14;
	s23 =	rddreg [dreg:$0xc]  }
0xf7: {  	p0 =	sne.s32 s14, s23  }
.Ltmp1:
0xf8: {  	_ = 	snop;
	(pc) =	sbr.rel @p0 .LBB2_1-.Ltmp1, $3  }
0xf9: {  	_ =	sdelay $0x1  }
0xfa: {  	[sflag:s21] =	ssyncset.done $0x0  }
0xfb: {  	[sflag:s21] =	ssyncadd.s32 $0xFFFFC000  }
0xfc: {  	_ =	sfence.sel $0x180000  }
0xfd: {  	[bflag:$0x0] =	sbarrier.arrive $0xFFFF  }
0xfe: {  	_ =	strace $0x9000004D  }
0xff: {  	s0 =	stileid.u32;
	[bflag:$0x2] =	sbarrier.arrive $0xFFFF  }
0x100: {  	p0 =	sne.s32 s0, $0x0;
	s0 =	rddreg [dreg:$0x2]  }
0x101: {  	s0 =	sadd.s32 @!p0 $0x100000, s0  }
0x102: {  	[sflag:s0] =	ssyncadd.tile.s32 @!p0 $0x1;
	_ =	shalt  }
.Lfunc_end2:
_tile_overlayer_lowered:
.L_overlay_start_2:
0x103: {  	(tag) =	ssettag $0x2  }
0x104: {  	s0 =	rddreg [dreg:$0x0];
	s2 =	stileid.u32  }
0x105: {  	s1 =	rddreg [dreg:$0x1];
	p0 =	sne.s32 s2, $0x0  }
0x106: {  	s3 =	rddreg [dreg:$0x2];
	[bflag:$0x3] =	sbarrier.arrive $0xFFFF;
	s2 =	simm.s32 @!p0 $0x1C07  }
0x107: {  	[timem:s3], [sflag:s2] =	dma.local @!p0 [hbm:s0], s1  }
0x108: {  	s0 =	simm.s32 @!p0 $0x7  }
0x109: {  	_ =	swait.ge @!p0 [sflag:s0], s1  }
0x10a: {  	s1 =	ssub.s32 @!p0 $0x0, s1;
	[sflag:s0] =	ssyncset.done @!p0 $0x0  }
0x10b: {  	[sflag:s0] =	ssyncadd.s32 @!p0 s1  }
0x10c: {  	[bflag:$0x3] =	sbarrier.arrive $0xFFFF  }
0x10d: {  	_ =	shalt  }

// kernel: kernel.8.cloned.1.call-start
scs
__scs_entry_jumppad:
0x0: {  	(pc) =	sbr.rel $0x88, $3  }
0x1: {  	(tag) =	ssettag $0x0;
	lr =	simm.s32 $0x1  }
0x2: {  	[smem:$0x3F93] =	sst lr;
	_ =	strace $0xD0000000  }
0x3: {  	_ = 	snop  }
0x4: {  	_ = 	snop  }
0x5: {  	_ = 	snop  }
0x6: {  	_ = 	snop  }
0x7: {  	_ = 	snop  }
__scs_overlays_trampoline_lowered:
0x8: {  	[smem:$0x3FA2] =	sst s0  }
0x9: {  	[smem:$0x3FA3] =	sst s1  }
0xa: {  	[smem:$0x3FA4] =	sst s2  }
0xb: {  	[smem:$0x3FA5] =	sst s3  }
0xc: {  	[smem:$0x3FA6] =	sst s4  }
0xd: {  	[smem:$0x3FA7] =	sst s5  }
0xe: {  	[smem:$0x3FA8] =	sst s6  }
0xf: {  	[smem:$0x3FA9] =	sst s7  }
0x10: {  	[smem:$0x3FAA] =	sst s8  }
0x11: {  	[smem:$0x3FAB] =	sst s9;
	s0 =	simm.s32 @!p0 $0x0  }
0x12: {  	s1 =	sld [smem:$0x3F91];
	s0 =	simm.s32 @p0 $0x1  }
0x13: {  	[smem:$0x3FAC] =	sst s0;
	s0 =	simm.s32 @!p1 $0x0  }
0x14: {  	s2 =	sld [smem:$0x3F90];
	s0 =	simm.s32 @p1 $0x1  }
0x15: {  	[smem:$0x3FAD] =	sst s0;
	s0 =	simm.s32 @!p2 $0x0  }
0x16: {  	s3 =	sld [smem:$0x3FDB];
	s0 =	simm.s32 @p2 $0x1  }
0x17: {  	s4 =	simm.s32 $0x1BF5;
	[smem:$0x3FAF] =	sst s0  }
0x18: {  	s0 =	sld [smem:$0x3F92];
	_ =	swait.ge [sflag:s4], $0x0  }
0x19: {  	s7 =	sld [smem:$0x3F93]  }
0x1a: {  	s8 =	sadd.s32 $0xFFFFE003, lr  }
0x1b: {  	s9 =	sadd.s32 $0xFFFFFEF7, lr;
	s5 =	simm.s32 $0xFFFFFFFF;
	p2 =	slt.u32 s8, $0xFFFFF086  }
0x1c: {  	p1 =	slt.u32 s9, $0xF7A;
	s5 =	simm.s32 @!p2 $0x0  }
0x1d: {  	s5 =	simm.s32 @p1 $0x1;
	p0 =	seq.s32 s7, s2  }
0x1e: {  	s7 =	smul.u32 @!p0 $0xF7A, s2;
	p2 =	seq.s32 @!p0 s5, $0x0  }
0x1f: {  	s9 =	smul.u32 $0xF7A, s1;
	s8 =	simm.s32 @!p0 $0x1BF5;
	p2 =	por !p2, p0  }
0x20: {  	[sflag:s8] =	ssyncset.s32 @!p0 $0xFFFFF086;
	s6 =	sadd.s32 @!p0 s3, s7;
	s7 =	simm.s32 @!p0 $0x108  }
0x21: {  	s3 =	sadd.s32 s3, s9;
	s6 =	sadd.s32 @!p0 $0x88, s6;
	s7 =	simm.s32 @p2 $0x1082  }
0x22: {  	[simem:s7], [sflag:s8] =	dma.local @!p0 [hbm:s6], $0xF7A  }
0x23: {  	s9 =	sor.u32 $0xD0000000, s2;
	s6 =	simm.s32 $0x108;
	_ =	swait.ge @!p0 [sflag:s8], $0x0  }
0x24: {  	s3 =	sadd.s32 $0x88, s3;
	s6 =	simm.s32 @!p1 $0x1082;
	[sflag:s4] =	ssyncset.s32 $0xFFFFF086  }
0x25: {  	[simem:s6], [sflag:s4] =	dma.local [hbm:s3], $0xF7A  }
0x26: {  	[smem:$0x3F93] =	sst s1;
	(tag) =	ssettag s2;
	_ =	strace s9  }
0x27: {  	s1 =	sld [smem:$0x3FA3]  }
0x28: {  	s2 =	sld [smem:$0x3FA4]  }
0x29: {  	s4 =	sld [smem:$0x3FA6]  }
0x2a: {  	p0 =	seq.s32 s5, $0x0;
	s5 =	sld [smem:$0x3FA7]  }
0x2b: {  	s6 =	sld [smem:$0x3FA8]  }
0x2c: {  	s7 =	sld [smem:$0x3FA9]  }
0x2d: {  	s3 =	simm.s32 $0x108;
	s8 =	sld [smem:$0x3FAA]  }
0x2e: {  	s3 =	simm.s32 @!p0 $0x1082;
	s9 =	sld [smem:$0x3FAB]  }
0x2f: {  	lr =	sadd.s32 s0, s3;
	s0 =	sld [smem:$0x3FA2]  }
0x30: {  	s3 =	sld [smem:$0x3FA5]  }
0x31: {  	[smem:$0x3FAE] =	sst s10  }
0x32: {  	s10 =	sld [smem:$0x3FAC];
	_ =	sdelay $0x3  }
0x33: {  	p0 =	seq.s32 s10, $0x1;
	s10 =	sld [smem:$0x3FAE];
	_ =	sdelay $0x3  }
0x34: {  	[smem:$0x3FAE] =	sst s10  }
0x35: {  	s10 =	sld [smem:$0x3FAD];
	_ =	sdelay $0x3  }
0x36: {  	p1 =	seq.s32 s10, $0x1;
	s10 =	sld [smem:$0x3FAE];
	_ =	sdelay $0x3  }
0x37: {  	[smem:$0x3FAE] =	sst s10  }
0x38: {  	s10 =	sld [smem:$0x3FAF]  }
0x39: {  	_ = 	snop;
	(pc) =	sbr.ind lr, $3  }
0x3a: {  	_ = 	snop  }
0x3b: {  	_ = 	snop  }
0x3c: {  	p2 =	seq.s32 s10, $0x1;
	s10 =	sld [smem:$0x3FAE]  }
0x3d: {  	_ =	shalt  }
0x3e: {  	_ =	shalt  }
0x3f: {  	_ =	shalt  }
0x40: {  	_ =	shalt  }
0x41: {  	_ =	shalt  }
0x42: {  	_ =	shalt  }
0x43: {  	_ =	shalt  }
0x44: {  	_ =	shalt  }
0x45: {  	_ =	shalt  }
0x46: {  	_ =	shalt  }
0x47: {  	_ =	shalt  }
0x48: {  	_ =	shalt  }
0x49: {  	_ =	shalt  }
0x4a: {  	_ =	shalt  }
0x4b: {  	_ =	shalt  }
0x4c: {  	_ =	shalt  }
0x4d: {  	_ =	shalt  }
0x4e: {  	_ =	shalt  }
0x4f: {  	_ =	shalt  }
0x50: {  	_ =	shalt  }
0x51: {  	_ =	shalt  }
0x52: {  	_ =	shalt  }
0x53: {  	_ =	shalt  }
0x54: {  	_ =	shalt  }
0x55: {  	_ =	shalt  }
0x56: {  	_ =	shalt  }
0x57: {  	_ =	shalt  }
0x58: {  	_ =	shalt  }
0x59: {  	_ =	shalt  }
0x5a: {  	_ =	shalt  }
0x5b: {  	_ =	shalt  }
0x5c: {  	_ =	shalt  }
0x5d: {  	_ =	shalt  }
0x5e: {  	_ =	shalt  }
0x5f: {  	_ =	shalt  }
0x60: {  	_ =	shalt  }
0x61: {  	_ =	shalt  }
0x62: {  	_ =	shalt  }
0x63: {  	_ =	shalt  }
0x64: {  	_ =	shalt  }
0x65: {  	_ =	shalt  }
0x66: {  	_ =	shalt  }
0x67: {  	_ =	shalt  }
0x68: {  	_ =	shalt  }
0x69: {  	_ =	shalt  }
0x6a: {  	_ =	shalt  }
0x6b: {  	_ =	shalt  }
0x6c: {  	_ =	shalt  }
0x6d: {  	_ =	shalt  }
0x6e: {  	_ =	shalt  }
0x6f: {  	_ =	shalt  }
0x70: {  	_ =	shalt  }
0x71: {  	_ =	shalt  }
0x72: {  	_ =	shalt  }
0x73: {  	_ =	shalt  }
0x74: {  	_ =	shalt  }
0x75: {  	_ =	shalt  }
0x76: {  	_ =	shalt  }
0x77: {  	_ =	shalt  }
0x78: {  	_ =	shalt  }
0x79: {  	_ =	shalt  }
0x7a: {  	_ =	shalt  }
0x7b: {  	_ =	shalt  }
0x7c: {  	_ =	shalt  }
0x7d: {  	_ =	shalt  }
0x7e: {  	_ =	shalt  }
0x7f: {  	_ =	shalt  }
0x80: {  	_ =	shalt  }
0x81: {  	_ =	shalt  }
0x82: {  	_ =	shalt  }
0x83: {  	_ =	shalt  }
0x84: {  	_ =	shalt  }
0x85: {  	_ =	shalt  }
0x86: {  	_ =	shalt  }
0x87: {  	_ =	shalt  }
.Lfunc_end0:
.L_simem_size_0:
called_computation_lowered:
.L_overlay_start_0:
0x88: {  	s2 =	sld [smem:$0x3FD9]  }
0x89: {  	s3 =	sld [smem:$0x3FFE];
	_ =	sdelay $0x1  }
0x8a: {  	s1 =	srdreg.scid  }
0x8b: {  	s0 =	sand.u32 $0x1, s1  }
0x8c: {  	s16 =	sshll.u32 s0, $0xA;
	s2 =	sadd.s32 s3, s2  }
0x8d: {  	s2 =	sadd.s32 s2, s16  }
0x8e: {  	[smem:$0x3FBA] =	sst s2  }
0x8f: {  	_ = 	snop  }
0x90: {  	(tm) =	ssettm $0x1  }
0x91: {  	s17 =	sld [smem:$0x3FFB];
	_ =	sdelay $0x3  }
0x92: {  	_ =	strace s17  }
0x93: {  	s2 =	sld [smem:$0x3FFC];
	_ =	sdelay $0x3  }
0x94: {  	_ =	strace s2  }
0x95: {  	s2 =	sld [smem:$0x3FFD];
	_ =	sdelay $0x3  }
0x96: {  	_ =	strace s2  }
0x97: {  	_ =	strace $0x8FFFFFFF  }
0x98: {  	s18 =	sld [smem:$0x3FDB];
	_ =	sdelay $0x1  }
0x99: {  	s19 =	simm.s32 $_scs_section_size  }
0x9a: {  	s4 =	simm.s32 $_size__tile_overlayer_lowered;
	s5 =	simm.s32 $_tile_overlayer_lowered  }
0x9b: {  	s22 =	simm.s32 $0x1BFF;
	s21 =	sshll.u32 s5, $0x1;
	s2 =	sadd.s32 s19, s18  }
0x9c: {  	s6 =	simm.s32 $0x0;
	s20 =	sshll.u32 s4, $0x1;
	s4 =	sadd.s32 s21, s2  }
0x9d: {  	[timem:s6], [sflag:s22] =	dma.local [hbm:s4], s20  }
0x9e: {  	_ =	swait.ge [sflag:s22], s20  }
0x9f: {  	s3 =	ssub.s32 $0x0, s20;
	[sflag:s22] =	ssyncset.done $0x0  }
0xa0: {  	[sflag:s22] =	ssyncadd.s32 s3;
	_ =	sdelay $0x1  }
0xa1: {  	s23 =	simm.s32 $0x1B8B  }
0xa2: {  	_ =	swait.ge [sflag:s23], $0x1  }
0xa3: {  	[sflag:s23] =	ssyncset.done $0x0  }
0xa4: {  	s25 =	simm.s32 $0x1B8E;
	s24 =	sld [smem:$0x3FFE];
	[sflag:s23] =	ssyncadd.s32 $0xFFFFFFFF  }
0xa5: {  	s26 =	simm.s32 $execute0_lowered;
	[smem:$0x3FD2] =	sst s25  }
0xa6: {  	s4 =	sshll.u32 s26, $0x1;
	_ =	strace $0x80000046;
	[dreg:$0x1] =	wrdreg $0xFFFFFFFF  }
0xa7: {  	s28 =	simm.s32 $_size_execute0_lowered;
	s2 =	sadd.s32 s2, s4;
	[dreg:$0x0] =	wrdreg $0x0  }
0xa8: {  	s4 =	sshll.u32 s28, $0x1;
	[dreg:$0x2] =	wrdreg s2  }
0xa9: {  	[dreg:$0x3] =	wrdreg s4  }
0xaa: {  	[dreg:$0x4] =	wrdreg $0xC0  }
0xab: {  	_ =	task [dreg:s6], $0x5FFFF  }
0xac: {  	[dreg:$0x1] =	wrdreg $0xFFFFFFFF  }
0xad: {  	[dreg:$0x0] =	wrdreg $0x60  }
0xae: {  	[dreg:$0x2] =	wrdreg s24  }
0xaf: {  	[dreg:$0x3] =	wrdreg $0x42000  }
0xb0: {  	[dreg:$0x4] =	wrdreg $0x9  }
0xb1: {  	_ =	task.clear_ibuf [dreg:s6], $0x5FFFF;
	_ =	strace $0x90000046  }
0xb2: {  	s29 =	simm.s32 $0x9;
	_ =	strace $0x80000048  }
0xb3: {  	_ =	swait.ge [sflag:s29], $0x1  }
0xb4: {  	[sflag:s29] =	ssyncadd.s32 $0xFFFFFFFF  }
0xb5: {  	_ =	strace $0x90000048  }
0xb6: {  	_ =	sfence  }
0xb7: {  	s30 =	sld [smem:$0x0];
	_ =	sdelay $0x2  }
0xb8: {  	s31 =	sshll.u32 s1, $0xD;
	s1 =	sshrl.u32 s1, $0x2  }
0xb9: {  	s3 =	sand.u32 $0x4000, s31;
	s1 =	sadd.s32 s1, s30  }
0xba: {  	s0 =	sor.u32 s3, s0;
	s1 =	sshll.u32 s1, $0x11  }
0xbb: {  	s0 =	sor.u32 s1, s0  }
0xbc: {  	s0 =	sadd.s32 $0x8F2B, s0  }
0xbd: {  	[sflag:s0] =	ssyncadd.remote.s32 $0x1  }
0xbe: {  	_ =	sfence.sel $0xFFFF  }
0xbf: {  	[dreg:$0x0] =	wrdreg $0xFFFFFFFF;
	(pc) =	sbr.abs _section_cstart, $3  }
0xc0: {  	[dreg:$0x1] =	wrdreg $0xFFFFFFFF  }
0xc1: {  	_ =	task.clear_ibuf [dreg:s6], $0x2FFFF;
	_ =	strace $0x9FFFFFFF  }
0xc2: {  	(tm) =	ssettm $0x7FFFFFFF  }
0xc3: {  	_ =	shalt  }
tec
execute0_lowered:
.L_overlay_start_1:
0x0: {  	(tag) =	ssettag $0x1  }
0x1: {  	s6 =	rddreg [dreg:$0x0]  }
0x2: {  	s2 =	rddreg [dreg:$0x1]  }
0x3: {  	s4 =	srdreg.scid;
	s0 =	stileid.u32  }
0x4: {  	s3 =	simm.s32 $0x0;
	s22 =	simm.s32 $0x100;
	s23 =	simm.s32 $0x1  }
0x5: {  	s24 =	simm.s32 $0x80;
	s25 =	simm.s32 $0x2;
	s5 =	smul.u32 $0x280, s0  }
0x6: {  	s26 =	simm.s32 $0x180;
	s28 =	simm.s32 $0x0;
	s8 =	smul.u32 $0x50000, s0  }
0x7: {  	s15 =	sand.u32 $0x1, s4;
	[smem:$0x7FF] =	sst s3;
	s21 =	smul.u32 $0xA00, s0  }
0x8: {  	s19 =	sadd.s32 $0x4400, s6;
	s4 =	sadd.s32 $0x18400, s6;
	s7 =	smul.u32 $0x2800, s15  }
0x9: {  	_ =	strace $0x80000047;
	s30 =	ssub.s32 $0x2, s15;
	s31 =	sshll.u32 s15, $0x4  }
0xa: {  	s20 =	smul.u32 $0xA000, s15;
	s9 =	sshrl.u32 s30, $0x1;
	s7 =	sadd.s32 s5, s7  }
0xb: {  	s8 =	sshrl.u32 s8, $0x2;
	s5 =	sadd.s32 $0x18C00, s6;
	s7 =	sshll.u32 s7, $0x4  }
0xc: {  	s17 =	ssub.s32 s30, s9;
	s16 =	sadd.s32 s7, s6;
	s7 =	sor.u32 s0, s31  }
0xd: {  	s17 =	smax.u32 s17, $0x1;
	s6 =	sadd.s32 s8, s2;
	s11 =	smul.u32 $0xA00, s7  }
0xe: {  	s7 =	sadd.s32 $0x4000, s6;
	s8 =	sadd.s32 $0x8000, s6;
	s9 =	sadd.s32 $0xC000, s6  }
0xf: {  	s10 =	sadd.s32 $0x10000, s6;
	s12 =	sadd.s32 $0x19400, s16;
	s13 =	sadd.s32 $0x19C00, s16  }
0x10: {  	s14 =	sadd.s32 $0x1A400, s16;
	s15 =	sadd.s32 $0x1AC00, s16;
	s16 =	sadd.s32 $0x1B400, s16  }
0x11: {  	s11 =	sadd.s32 s19, s11;
	s19 =	sadd.s32 s20, s19;
	s20 =	simm.s32 $0x200  }
0x12: {  	s18 =	sadd.s32 $0x9E0, s11;
	s19 =	sadd.s32 s21, s19;
	s21 =	simm.s32 $0x3  }
.LBB2_1:
0x13: {  	[tilespmem:s20], [sflag:$0x3] =	stream.linear.gather [hbm4b:s4+s3], $0x4000, $0x38;
	[tilespmem:$0x18200] =	vst v63  }
0x14: {  	_ =	swait.ge [sflag:s21], $0x4000  }
0x15: {  	[sflag:s21] =	ssyncset.done $0x0  }
0x16: {  	[sflag:s21] =	ssyncadd.s32 $0xFFFFC000  }
0x17: {  	[spmem:s6] =	stream.linear.scatter [tilespmem:s20], [sflag:$0x3], $0x4000, $0x38;
	[tilespmem:$0x18200] =	vst v63  }
0x18: {  	_ =	swait.ge [sflag:s21], $0x4000  }
0x19: {  	[sflag:s21] =	ssyncset.done $0x0  }
0x1a: {  	[sflag:s21] =	ssyncadd.s32 $0xFFFFC000  }
0x1b: {  	[spmem:s7] =	stream.linear.scatter [tilespmem:s20], [sflag:$0x3], $0x4000, $0x38;
	[tilespmem:$0x18200] =	vst v63  }
0x1c: {  	_ =	swait.ge [sflag:s21], $0x4000  }
0x1d: {  	[sflag:s21] =	ssyncset.done $0x0  }
0x1e: {  	[sflag:s21] =	ssyncadd.s32 $0xFFFFC000  }
0x1f: {  	[spmem:s8] =	stream.linear.scatter [tilespmem:s20], [sflag:$0x3], $0x4000, $0x38;
	[tilespmem:$0x18200] =	vst v63  }
0x20: {  	_ =	swait.ge [sflag:s21], $0x4000  }
0x21: {  	[sflag:s21] =	ssyncset.done $0x0  }
0x22: {  	[sflag:s21] =	ssyncadd.s32 $0xFFFFC000  }
0x23: {  	[spmem:s9] =	stream.linear.scatter [tilespmem:s20], [sflag:$0x3], $0x4000, $0x38;
	[tilespmem:$0x18200] =	vst v63  }
0x24: {  	_ =	swait.ge [sflag:s21], $0x4000  }
0x25: {  	[sflag:s21] =	ssyncset.done $0x0  }
0x26: {  	[sflag:s21] =	ssyncadd.s32 $0xFFFFC000  }
0x27: {  	[spmem:s10] =	stream.linear.scatter [tilespmem:s20], [sflag:$0x3], $0x4000, $0x38;
	[tilespmem:$0x18200] =	vst v63  }
0x28: {  	_ =	swait.ge [sflag:s21], $0x4000  }
0x29: {  	[sflag:s21] =	ssyncset.done $0x0  }
0x2a: {  	[sflag:s21] =	ssyncadd.s32 $0xFFFFC000  }
0x2b: {  	[tilespmem:s20], [sflag:$0x3] =	stream.linear.gather [hbm4b:s5+s3], $0x4000, $0x38;
	[tilespmem:$0x18200] =	vst v63  }
0x2c: {  	_ =	swait.ge [sflag:s21], $0x4000  }
0x2d: {  	[sflag:s21] =	ssyncset.done $0x0  }
0x2e: {  	[sflag:s21] =	ssyncadd.s32 $0xFFFFC000  }
0x2f: {  	s29 =	sadd.s32 $0xFFFFF640, s19;
	[bflag:$0x0] =	sbarrier.arrive $0xFFFF  }
0x30: {  	[tilespmem:s3], [sflag:$0x1] =	stream.linear.gather [hbm4b:s11+s3], $0x100, $0x38;
	[tilespmem:$0x18200] =	vst v63  }
0x31: {  	s30 =	sadd.s32 $0x9E0, s29  }
0x32: {  	[tilespmem:s22], [sflag:$0x2] =	stream.linear.gather [hbm4b:s30+s3], $0x100, $0x38;
	[tilespmem:$0x18200] =	vst v63  }
0x33: {  	_ =	swait.ge [sflag:s23], $0x100  }
0x34: {  	[sflag:s23] =	ssyncset.done $0x0  }
0x35: {  	[sflag:s23] =	ssyncadd.s32 $0xFFFFFF00  }
0x36: {  	[spmem:s2] =	stream.indirect.scatter.add.f32 [tilespmem:s20], [sflag:$0x3], $0x80, s24, s24, $0xb8;
	[tilespmem:$0x18200] =	vst v63  }
0x37: {  	_ =	swait.ge [sflag:s21], $0x4000  }
0x38: {  	[sflag:s21] =	ssyncset.done $0x0  }
0x39: {  	s29 =	sadd.s32 $0xA00, s29;
	[sflag:s21] =	ssyncadd.s32 $0xFFFFC000  }
0x3a: {  	[tilespmem:s3], [sflag:$0x1] =	stream.linear.gather [hbm4b:s29+s3], $0x100, $0x38;
	[tilespmem:$0x18200] =	vst v63  }
0x3b: {  	_ =	swait.ge [sflag:s25], $0x100  }
0x3c: {  	[sflag:s25] =	ssyncset.done $0x0  }
0x3d: {  	[sflag:s25] =	ssyncadd.s32 $0xFFFFFF00  }
0x3e: {  	[spmem:s2] =	stream.indirect.scatter.add.f32 [tilespmem:s20], [sflag:$0x3], $0x80, s26, s24, $0xb8;
	[tilespmem:$0x18200] =	vst v63  }
0x3f: {  	_ =	swait.ge [sflag:s21], $0x4000  }
0x40: {  	s30 =	simm.s32 $0xFFFFF6C0;
	s29 =	sadd.s32 $0xFFFFF680, s19;
	[sflag:s21] =	ssyncset.done $0x0  }
.LBB2_2:
0x41: {  	s31 =	sadd.s32 $0x9E0, s29  }
0x42: {  	[sflag:s21] =	ssyncadd.s32 $0xFFFFC000;
	s0 =	smov.u32 s30;
	s1 =	sadd.s32 $0x40, s30  }
0x43: {  	[tilespmem:s22], [sflag:$0x2] =	stream.linear.gather [hbm4b:s31+s3], $0x100, $0x38;
	[tilespmem:$0x18200] =	vst v63  }
0x44: {  	p0 =	sne.s32 s30, $0xFFFFFFC0;
	_ =	swait.ge [sflag:s23], $0x100  }
0x45: {  	[sflag:s23] =	ssyncset.done $0x0  }
0x46: {  	[sflag:s23] =	ssyncadd.s32 $0xFFFFFF00  }
0x47: {  	[spmem:s2] =	stream.indirect.scatter.add.f32 [tilespmem:s20], [sflag:$0x3], $0x80, s24, s24, $0xb8;
	[tilespmem:$0x18200] =	vst v63  }
0x48: {  	_ =	swait.ge [sflag:s21], $0x4000  }
0x49: {  	[sflag:s21] =	ssyncset.done $0x0  }
0x4a: {  	s29 =	sadd.s32 $0xA00, s29;
	[sflag:s21] =	ssyncadd.s32 $0xFFFFC000  }
0x4b: {  	[tilespmem:s3], [sflag:$0x1] =	stream.linear.gather [hbm4b:s29+s3], $0x100, $0x38;
	[tilespmem:$0x18200] =	vst v63  }
0x4c: {  	_ =	swait.ge [sflag:s25], $0x100  }
.Ltmp0:
0x4d: {  	[sflag:s25] =	ssyncset.done $0x0;
	(pc) =	sbr.rel @p0 .LBB2_2-.Ltmp0, $4  }
0x4e: {  	[sflag:s25] =	ssyncadd.s32 $0xFFFFFF00  }
0x4f: {  	[spmem:s2] =	stream.indirect.scatter.add.f32 [tilespmem:s20], [sflag:$0x3], $0x80, s26, s24, $0xb8;
	[tilespmem:$0x18200] =	vst v63  }
0x50: {  	_ =	swait.ge [sflag:s21], $0x4000  }
0x51: {  	s30 =	smov.u32 s1;
	s29 =	sadd.s32 s0, s19;
	[sflag:s21] =	ssyncset.done $0x0  }
0x52: {  	s0 =	sadd.s32 $0x9E0, s29;
	[sflag:s21] =	ssyncadd.s32 $0xFFFFC000  }
0x53: {  	[tilespmem:s22], [sflag:$0x2] =	stream.linear.gather [hbm4b:s0+s3], $0x100, $0x38;
	[tilespmem:$0x18200] =	vst v63  }
0x54: {  	_ =	swait.ge [sflag:s23], $0x100  }
0x55: {  	[sflag:s23] =	ssyncset.done $0x0  }
0x56: {  	[sflag:s23] =	ssyncadd.s32 $0xFFFFFF00  }
0x57: {  	[spmem:s2] =	stream.indirect.scatter.add.f32 [tilespmem:s20], [sflag:$0x3], $0x80, s24, s24, $0xb8;
	[tilespmem:$0x18200] =	vst v63  }
0x58: {  	_ =	swait.ge [sflag:s21], $0x4000  }
0x59: {  	[sflag:s21] =	ssyncset.done $0x0  }
0x5a: {  	s31 =	sadd.s32 $0xA00, s29;
	[sflag:s21] =	ssyncadd.s32 $0xFFFFC000  }
0x5b: {  	[tilespmem:s3], [sflag:$0x1] =	stream.linear.gather [hbm4b:s31+s3], $0x100, $0x38;
	[tilespmem:$0x18200] =	vst v63  }
0x5c: {  	_ =	swait.ge [sflag:s25], $0x100  }
0x5d: {  	[sflag:s25] =	ssyncset.done $0x0  }
0x5e: {  	[sflag:s25] =	ssyncadd.s32 $0xFFFFFF00  }
0x5f: {  	[spmem:s2] =	stream.indirect.scatter.add.f32 [tilespmem:s20], [sflag:$0x3], $0x80, s26, s24, $0xb8;
	[tilespmem:$0x18200] =	vst v63  }
0x60: {  	_ =	swait.ge [sflag:s21], $0x4000  }
0x61: {  	[sflag:s21] =	ssyncset.done $0x0  }
0x62: {  	[sflag:s21] =	ssyncadd.s32 $0xFFFFC000  }
0x63: {  	[tilespmem:s22], [sflag:$0x2] =	stream.linear.gather [hbm4b:s18+s3], $0x100, $0x38;
	[tilespmem:$0x18200] =	vst v63  }
0x64: {  	_ =	swait.ge [sflag:s23], $0x100  }
0x65: {  	[sflag:s23] =	ssyncset.done $0x0  }
0x66: {  	[sflag:s23] =	ssyncadd.s32 $0xFFFFFF00  }
0x67: {  	[spmem:s2] =	stream.indirect.scatter.add.f32 [tilespmem:s20], [sflag:$0x3], $0x80, s24, s24, $0xb8;
	[tilespmem:$0x18200] =	vst v63  }
0x68: {  	_ =	swait.ge [sflag:s21], $0x4000  }
0x69: {  	[sflag:s21] =	ssyncset.done $0x0  }
0x6a: {  	[sflag:s21] =	ssyncadd.s32 $0xFFFFC000  }
0x6b: {  	_ =	swait.ge [sflag:s25], $0x100  }
0x6c: {  	[sflag:s25] =	ssyncset.done $0x0  }
0x6d: {  	[sflag:s25] =	ssyncadd.s32 $0xFFFFFF00  }
0x6e: {  	[spmem:s2] =	stream.indirect.scatter.add.f32 [tilespmem:s20], [sflag:$0x3], $0x80, s26, s24, $0xb8;
	[tilespmem:$0x18200] =	vst v63  }
0x6f: {  	_ =	swait.ge [sflag:s21], $0x4000  }
0x70: {  	[sflag:s21] =	ssyncset.done $0x0  }
0x71: {  	[sflag:s21] =	ssyncadd.s32 $0xFFFFC000  }
0x72: {  	[bflag:$0x0] =	sbarrier.arrive $0xFFFF  }
0x73: {  	[tilespmem:s20], [sflag:$0x3] =	stream.linear.gather [spmem:s6], $0x4000, $0x38;
	[tilespmem:$0x18200] =	vst v63  }
0x74: {  	_ =	swait.ge [sflag:s21], $0x4000  }
0x75: {  	[sflag:s21] =	ssyncset.done $0x0  }
0x76: {  	[sflag:s21] =	ssyncadd.s32 $0xFFFFC000  }
0x77: {  	[hbm4b:s12+s3] =	stream.linear.scatter [tilespmem:s20], [sflag:$0x3], $0x4000, $0x38;
	[tilespmem:$0x18200] =	vst v63  }
0x78: {  	_ =	swait.ge [sflag:s21], $0x4000  }
0x79: {  	[sflag:s21] =	ssyncset.done $0x0  }
0x7a: {  	[sflag:s21] =	ssyncadd.s32 $0xFFFFC000  }
0x7b: {  	[tilespmem:s20], [sflag:$0x3] =	stream.linear.gather [spmem:s7], $0x4000, $0x38;
	[tilespmem:$0x18200] =	vst v63  }
0x7c: {  	_ =	swait.ge [sflag:s21], $0x4000  }
0x7d: {  	[sflag:s21] =	ssyncset.done $0x0  }
0x7e: {  	[sflag:s21] =	ssyncadd.s32 $0xFFFFC000  }
0x7f: {  	[hbm4b:s13+s3] =	stream.linear.scatter [tilespmem:s20], [sflag:$0x3], $0x4000, $0x38;
	[tilespmem:$0x18200] =	vst v63  }
0x80: {  	_ =	swait.ge [sflag:s21], $0x4000  }
0x81: {  	[sflag:s21] =	ssyncset.done $0x0  }
0x82: {  	[sflag:s21] =	ssyncadd.s32 $0xFFFFC000  }
0x83: {  	[tilespmem:s20], [sflag:$0x3] =	stream.linear.gather [spmem:s8], $0x4000, $0x38;
	[tilespmem:$0x18200] =	vst v63  }
0x84: {  	_ =	swait.ge [sflag:s21], $0x4000  }
0x85: {  	[sflag:s21] =	ssyncset.done $0x0  }
0x86: {  	[sflag:s21] =	ssyncadd.s32 $0xFFFFC000  }
0x87: {  	[hbm4b:s14+s3] =	stream.linear.scatter [tilespmem:s20], [sflag:$0x3], $0x4000, $0x38;
	[tilespmem:$0x18200] =	vst v63  }
0x88: {  	_ =	swait.ge [sflag:s21], $0x4000  }
0x89: {  	[sflag:s21] =	ssyncset.done $0x0  }
0x8a: {  	[sflag:s21] =	ssyncadd.s32 $0xFFFFC000  }
0x8b: {  	[tilespmem:s20], [sflag:$0x3] =	stream.linear.gather [spmem:s9], $0x4000, $0x38;
	[tilespmem:$0x18200] =	vst v63  }
0x8c: {  	_ =	swait.ge [sflag:s21], $0x4000  }
0x8d: {  	[sflag:s21] =	ssyncset.done $0x0  }
0x8e: {  	[sflag:s21] =	ssyncadd.s32 $0xFFFFC000  }
0x8f: {  	[hbm4b:s15+s3] =	stream.linear.scatter [tilespmem:s20], [sflag:$0x3], $0x4000, $0x38;
	[tilespmem:$0x18200] =	vst v63  }
0x90: {  	_ =	swait.ge [sflag:s21], $0x4000  }
0x91: {  	[sflag:s21] =	ssyncset.done $0x0  }
0x92: {  	[sflag:s21] =	ssyncadd.s32 $0xFFFFC000  }
0x93: {  	[tilespmem:s20], [sflag:$0x3] =	stream.linear.gather [spmem:s10], $0x4000, $0x38;
	[tilespmem:$0x18200] =	vst v63  }
0x94: {  	s28 =	sadd.s32 $0x1, s28;
	_ =	swait.ge [sflag:s21], $0x4000  }
0x95: {  	p0 =	sne.s32 s28, s17;
	[sflag:s21] =	ssyncset.done $0x0  }
.Ltmp1:
0x96: {  	[sflag:s21] =	ssyncadd.s32 $0xFFFFC000;
	(pc) =	sbr.rel @p0 .LBB2_1-.Ltmp1, $4  }
0x97: {  	[hbm4b:s16+s3] =	stream.linear.scatter [tilespmem:s20], [sflag:$0x3], $0x4000, $0x38;
	[tilespmem:$0x18200] =	vst v63  }
0x98: {  	_ =	swait.ge [sflag:s21], $0x4000  }
0x99: {  	[sflag:s21] =	ssyncset.done $0x0  }
0x9a: {  	[sflag:s21] =	ssyncadd.s32 $0xFFFFC000  }
0x9b: {  	_ =	sfence.sel $0x180000  }
0x9c: {  	[bflag:$0x0] =	sbarrier.arrive $0xFFFF  }
0x9d: {  	_ =	strace $0x90000047  }
0x9e: {  	s0 =	stileid.u32;
	[bflag:$0x2] =	sbarrier.arrive $0xFFFF  }
0x9f: {  	p0 =	sne.s32 s0, $0x0;
	s0 =	rddreg [dreg:$0x2]  }
0xa0: {  	s0 =	sadd.s32 @!p0 $0x100000, s0  }
0xa1: {  	[sflag:s0] =	ssyncadd.tile.s32 @!p0 $0x1;
	_ =	shalt  }
.Lfunc_end2:
_tile_overlayer_lowered:
.L_overlay_start_2:
0xa2: {  	(tag) =	ssettag $0x2  }
0xa3: {  	s0 =	rddreg [dreg:$0x0];
	s2 =	stileid.u32  }
0xa4: {  	s1 =	rddreg [dreg:$0x1];
	p0 =	sne.s32 s2, $0x0  }
0xa5: {  	s3 =	rddreg [dreg:$0x2];
	[bflag:$0x3] =	sbarrier.arrive $0xFFFF;
	s2 =	simm.s32 @!p0 $0x1C03  }
0xa6: {  	[timem:s3], [sflag:s2] =	dma.local @!p0 [hbm:s0], s1  }
0xa7: {  	s0 =	simm.s32 @!p0 $0x3  }
0xa8: {  	_ =	swait.ge @!p0 [sflag:s0], s1  }
0xa9: {  	s1 =	ssub.s32 @!p0 $0x0, s1;
	[sflag:s0] =	ssyncset.done @!p0 $0x0  }
0xaa: {  	[sflag:s0] =	ssyncadd.s32 @!p0 s1  }
0xab: {  	[bflag:$0x3] =	sbarrier.arrive $0xFFFF  }
0xac: {  	_ =	shalt  }

</sc_bundles>
